<compile_context>
chip_gen: v7x
topology: tpu7x:2x2x1
jax: 0.10.2.dev20260603
libtpu: 0.0.44.dev20260713+nightly
codegen_flags: <defaults>
</compile_context>

<pallas_src>
import functools

import jax
import jax.numpy as jnp
from jax import lax
from jax.experimental import pallas as pl
from jax.experimental.pallas import tpu as pltpu
from jax.experimental.pallas import tpu_sc as plsc

B = 4
S = 2048
D = 1024
NW = 32
SPW = S // NW
PGRP = 16
NPG = SPW // PGRP
NBP = B // 2
STEPS = NPG * NBP
CHUNK = 2 * PGRP
NBUF = 3
LANES = 16

_mesh = plsc.VectorSubcoreMesh(core_axis_name="c", subcore_axis_name="s")


@functools.partial(
    pl.kernel,
    out_type=jax.ShapeDtypeStruct((B * S, D), jnp.float32),
    mesh=_mesh,
    scratch_types=[
        pltpu.VMEM((B, SPW), jnp.int32),
        pltpu.VMEM((PGRP, D), jnp.float32),
        *[pltpu.VMEM((CHUNK, D), jnp.float32) for _ in range(NBUF)],
        *[pltpu.SemaphoreType.DMA for _ in range(NBUF)],
        *[pltpu.SemaphoreType.DMA for _ in range(NBUF)],
        pltpu.SemaphoreType.DMA,
        pltpu.SemaphoreType.DMA,
    ],
)
def _emb_kernel(x_hbm, tok_hbm, pos_hbm, out_hbm, idx_v, pos_v, *rest):
    bufs = rest[:NBUF]
    gsems = rest[NBUF:2 * NBUF]
    wsems = rest[2 * NBUF:3 * NBUF]
    psem, isem = rest[3 * NBUF:]

    cid = lax.axis_index("c")
    sid = lax.axis_index("s")
    wid = sid * 2 + cid

    def pos_piece_load(pg):
        return pltpu.async_copy(
            pos_hbm.at[pl.ds(wid * SPW + pg * PGRP, PGRP)], pos_v, psem)

    def gather(t):
        pg, bp = divmod(t, NBP)
        p = t % NBUF
        ds = []
        for k in range(2):
            b = 2 * bp + k
            idx = idx_v.at[b, pl.ds(pg * PGRP, PGRP)]
            ds.append(pltpu.async_copy(
                tok_hbm.at[idx], bufs[p].at[pl.ds(k * PGRP, PGRP)], gsems[p]))
        return ds

    idx_d = [
        pltpu.async_copy(x_hbm.at[b, pl.ds(wid * SPW, SPW)], idx_v.at[b], isem)
        for b in range(B)
    ]
    pd = pos_piece_load(0)
    for d in idx_d:
        d.wait()

    gd = [None] * NBUF
    wd = [None] * NBUF
    gd[0] = gather(0)

    for t in range(STEPS):
        p = t % NBUF
        pg, bp = divmod(t, NBP)
        if t + 1 < STEPS:
            pn = (t + 1) % NBUF
            for d in wd[pn] or ():
                d.wait()
            wd[pn] = None
            gd[pn] = gather(t + 1)
        for d in gd[p]:
            d.wait()
        if bp == 0:
            pd.wait()
        buf = bufs[p]

        @plsc.parallel_loop(0, PGRP)
        def _add(i):
            @plsc.parallel_loop(0, D, step=LANES, unroll=4)
            def _add_row(o):
                sl = pl.ds(o, LANES)
                v = pos_v[i, sl]
                buf[i, sl] = buf[i, sl] + v
                buf[PGRP + i, sl] = buf[PGRP + i, sl] + v

        halves = []
        for k in range(2):
            b = 2 * bp + k
            row_base = b * S + wid * SPW + pg * PGRP
            halves.append(pltpu.async_copy(
                buf.at[pl.ds(k * PGRP, PGRP)],
                out_hbm.at[pl.ds(row_base, PGRP)], wsems[p]))
        wd[p] = halves

        if bp == NBP - 1 and pg + 1 < NPG:
            pd = pos_piece_load(pg + 1)

    for half in wd:
        for d in half or ():
            d.wait()


def kernel(x, token_table, pos_table):
    out = _emb_kernel(x.astype(jnp.int32), token_table, pos_table)
    return out.reshape(B, S, D)

# --- scband reference (transcript-rebuilt; emitter-appended) ---
"""Pipeline reference for scband-positional-embedding-2972117369056 (READ-ONLY COPY).

The authoritative reference and input builder live on the scoring server;
editing this copy changes nothing except your own understanding.
"""

import jax, jax.numpy as jnp
import numpy as np

VOCAB = 100000
MAXLEN = 2048
DEPTH = 1024

def setup_inputs(seed: int = 0) -> dict:
    key = jax.random.key(seed)
    k1, k2, k3 = jax.random.split(key, 3)
    x = jax.random.randint(k1, (4, 2048), 0, VOCAB, dtype=jnp.int64 if jax.config.jax_enable_x64 else jnp.int32)
    token_table = jax.random.normal(k2, (VOCAB, DEPTH), dtype=jnp.float32) * 0.05
    pos_table = jax.random.normal(k3, (MAXLEN, DEPTH), dtype=jnp.float32) * 0.05
    return {"x": x, "token_table": token_table, "pos_table": pos_table}

def reference(x, token_table, pos_table):
    seq_len = x.shape[-1]
    positions = jnp.arange(seq_len)
    learned_positions = jnp.take(pos_table, positions, axis=0)  # [S, D]
    embedding = jnp.take(token_table, x, axis=0)  # [B, S, D]
    embedding = embedding + learned_positions[None, :, :]
    return embedding

if __name__ == "__main__":
    import jax
    _d = setup_inputs()
    print(jax.jit(kernel)(*tuple(_d.values())))

</pallas_src>

<mosaic_0001>
#map = affine_map<(d0, d1) -> (0, 0)>
module attributes {stable_mosaic.version = 14 : i64} {
  func.func @_emb_kernel(%arg0: i32, %arg1: i32, %arg2: memref<4x2048xi32, #tpu.memory_space<hbm>>, %arg3: memref<100000x1024xf32, #tpu.memory_space<hbm>>, %arg4: memref<2048x1024xf32, #tpu.memory_space<hbm>>, %arg5: memref<8192x1024xf32, #tpu.memory_space<hbm>>, %arg6: memref<4x64xi32, #tpu.memory_space<vmem>>, %arg7: memref<16x1024xf32, #tpu.memory_space<vmem>>, %arg8: memref<32x1024xf32, #tpu.memory_space<vmem>>, %arg9: memref<32x1024xf32, #tpu.memory_space<vmem>>, %arg10: memref<32x1024xf32, #tpu.memory_space<vmem>>, %arg11: memref<!tpu.dma_semaphore, #tpu.memory_space<semaphore_mem>>, %arg12: memref<!tpu.dma_semaphore, #tpu.memory_space<semaphore_mem>>, %arg13: memref<!tpu.dma_semaphore, #tpu.memory_space<semaphore_mem>>, %arg14: memref<!tpu.dma_semaphore, #tpu.memory_space<semaphore_mem>>, %arg15: memref<!tpu.dma_semaphore, #tpu.memory_space<semaphore_mem>>, %arg16: memref<!tpu.dma_semaphore, #tpu.memory_space<semaphore_mem>>, %arg17: memref<!tpu.dma_semaphore, #tpu.memory_space<semaphore_mem>>, %arg18: memref<!tpu.dma_semaphore, #tpu.memory_space<semaphore_mem>>) attributes {dimension_semantics = [#tpu.dimension_semantics<core_parallel>, #tpu.dimension_semantics<subcore_parallel>], iteration_bounds = array<i64: 2, 16>, scalar_prefetch = 0 : i64, scratch_operands = 13 : i64, tpu.core_type = #tpu.core_type<sc_vector_subcore>, window_params = [{transform_indices = #map}, {transform_indices = #map}, {transform_indices = #map}, {transform_indices = #map}]} {
    %mul3A = arith.constant 2 : i32
    %mul3A_0 = arith.muli %arg1, %mul3A : i32
    %add3A = arith.addi %mul3A_0, %arg0 : i32
    %mul3A_1 = arith.constant 64 : i32
    %mul3A_2 = arith.muli %add3A, %mul3A_1 : i32
    %dma_start3A = arith.constant 0 : i32
    %dma_start3A_3 = arith.constant 0 : i32
    %dma_start3A_4 = arith.constant 0 : i32
    %dma_start3A_5 = tpu.memref_slice %arg6[%dma_start3A_3, %dma_start3A_4] : memref<4x64xi32, #tpu.memory_space<vmem>> -> memref<1x64xi32, #tpu.memory_space<vmem>>
    %dma_start3A_6 = tpu.memref_squeeze %dma_start3A_5 : memref<1x64xi32, #tpu.memory_space<vmem>> -> memref<64xi32, #tpu.memory_space<vmem>>
    %dma_start3A_7 = tpu.memref_slice %arg2[%dma_start3A, %mul3A_2] : memref<4x2048xi32, #tpu.memory_space<hbm>> -> memref<1x64xi32, #tpu.memory_space<hbm>>
    %dma_start3A_8 = tpu.memref_squeeze %dma_start3A_7 : memref<1x64xi32, #tpu.memory_space<hbm>> -> memref<64xi32, #tpu.memory_space<hbm>>
    %dma_start3A_9 = arith.constant 0 : i32
    %dma_start3A_10 = tpu.memref_slice %arg6[%dma_start3A_3, %dma_start3A_9] : memref<4x64xi32, #tpu.memory_space<vmem>> -> memref<1x64xi32, #tpu.memory_space<vmem>>
    %dma_start3A_11 = tpu.memref_squeeze %dma_start3A_10 : memref<1x64xi32, #tpu.memory_space<vmem>> -> memref<64xi32, #tpu.memory_space<vmem>>
    %dma_start3A_12 = tpu.memref_slice %arg2[%dma_start3A, %mul3A_2] : memref<4x2048xi32, #tpu.memory_space<hbm>> -> memref<1x64xi32, #tpu.memory_space<hbm>>
    %dma_start3A_13 = tpu.memref_squeeze %dma_start3A_12 : memref<1x64xi32, #tpu.memory_space<hbm>> -> memref<64xi32, #tpu.memory_space<hbm>>
    tpu.enqueue_dma source(%dma_start3A_13 : memref<64xi32, #tpu.memory_space<hbm>>) target(%dma_start3A_11 : memref<64xi32, #tpu.memory_space<vmem>>) target_semaphore(%arg18 : memref<!tpu.dma_semaphore, #tpu.memory_space<semaphore_mem>>)
    %mul3A_14 = arith.constant 64 : i32
    %mul3A_15 = arith.muli %add3A, %mul3A_14 : i32
    %dma_start3A_16 = arith.constant 1 : i32
    %dma_start3A_17 = arith.constant 1 : i32
    %dma_start3A_18 = arith.constant 0 : i32
    %dma_start3A_19 = tpu.memref_slice %arg6[%dma_start3A_17, %dma_start3A_18] : memref<4x64xi32, #tpu.memory_space<vmem>> -> memref<1x64xi32, #tpu.memory_space<vmem>>
    %dma_start3A_20 = tpu.memref_squeeze %dma_start3A_19 : memref<1x64xi32, #tpu.memory_space<vmem>> -> memref<64xi32, #tpu.memory_space<vmem>>
    %dma_start3A_21 = tpu.memref_slice %arg2[%dma_start3A_16, %mul3A_15] : memref<4x2048xi32, #tpu.memory_space<hbm>> -> memref<1x64xi32, #tpu.memory_space<hbm>>
    %dma_start3A_22 = tpu.memref_squeeze %dma_start3A_21 : memref<1x64xi32, #tpu.memory_space<hbm>> -> memref<64xi32, #tpu.memory_space<hbm>>
    %dma_start3A_23 = arith.constant 0 : i32
    %dma_start3A_24 = tpu.memref_slice %arg6[%dma_start3A_17, %dma_start3A_23] : memref<4x64xi32, #tpu.memory_space<vmem>> -> memref<1x64xi32, #tpu.memory_space<vmem>>
    %dma_start3A_25 = tpu.memref_squeeze %dma_start3A_24 : memref<1x64xi32, #tpu.memory_space<vmem>> -> memref<64xi32, #tpu.memory_space<vmem>>
    %dma_start3A_26 = tpu.memref_slice %arg2[%dma_start3A_16, %mul3A_15] : memref<4x2048xi32, #tpu.memory_space<hbm>> -> memref<1x64xi32, #tpu.memory_space<hbm>>
    %dma_start3A_27 = tpu.memref_squeeze %dma_start3A_26 : memref<1x64xi32, #tpu.memory_space<hbm>> -> memref<64xi32, #tpu.memory_space<hbm>>
    tpu.enqueue_dma source(%dma_start3A_27 : memref<64xi32, #tpu.memory_space<hbm>>) target(%dma_start3A_25 : memref<64xi32, #tpu.memory_space<vmem>>) target_semaphore(%arg18 : memref<!tpu.dma_semaphore, #tpu.memory_space<semaphore_mem>>)
    %mul3A_28 = arith.constant 64 : i32
    %mul3A_29 = arith.muli %add3A, %mul3A_28 : i32
    %dma_start3A_30 = arith.constant 2 : i32
    %dma_start3A_31 = arith.constant 2 : i32
    %dma_start3A_32 = arith.constant 0 : i32
    %dma_start3A_33 = tpu.memref_slice %arg6[%dma_start3A_31, %dma_start3A_32] : memref<4x64xi32, #tpu.memory_space<vmem>> -> memref<1x64xi32, #tpu.memory_space<vmem>>
    %dma_start3A_34 = tpu.memref_squeeze %dma_start3A_33 : memref<1x64xi32, #tpu.memory_space<vmem>> -> memref<64xi32, #tpu.memory_space<vmem>>
    %dma_start3A_35 = tpu.memref_slice %arg2[%dma_start3A_30, %mul3A_29] : memref<4x2048xi32, #tpu.memory_space<hbm>> -> memref<1x64xi32, #tpu.memory_space<hbm>>
    %dma_start3A_36 = tpu.memref_squeeze %dma_start3A_35 : memref<1x64xi32, #tpu.memory_space<hbm>> -> memref<64xi32, #tpu.memory_space<hbm>>
    %dma_start3A_37 = arith.constant 0 : i32
    %dma_start3A_38 = tpu.memref_slice %arg6[%dma_start3A_31, %dma_start3A_37] : memref<4x64xi32, #tpu.memory_space<vmem>> -> memref<1x64xi32, #tpu.memory_space<vmem>>
    %dma_start3A_39 = tpu.memref_squeeze %dma_start3A_38 : memref<1x64xi32, #tpu.memory_space<vmem>> -> memref<64xi32, #tpu.memory_space<vmem>>
    %dma_start3A_40 = tpu.memref_slice %arg2[%dma_start3A_30, %mul3A_29] : memref<4x2048xi32, #tpu.memory_space<hbm>> -> memref<1x64xi32, #tpu.memory_space<hbm>>
    %dma_start3A_41 = tpu.memref_squeeze %dma_start3A_40 : memref<1x64xi32, #tpu.memory_space<hbm>> -> memref<64xi32, #tpu.memory_space<hbm>>
    tpu.enqueue_dma source(%dma_start3A_41 : memref<64xi32, #tpu.memory_space<hbm>>) target(%dma_start3A_39 : memref<64xi32, #tpu.memory_space<vmem>>) target_semaphore(%arg18 : memref<!tpu.dma_semaphore, #tpu.memory_space<semaphore_mem>>)
    %mul3A_42 = arith.constant 64 : i32
    %mul3A_43 = arith.muli %add3A, %mul3A_42 : i32
    %dma_start3A_44 = arith.constant 3 : i32
    %dma_start3A_45 = arith.constant 3 : i32
    %dma_start3A_46 = arith.constant 0 : i32
    %dma_start3A_47 = tpu.memref_slice %arg6[%dma_start3A_45, %dma_start3A_46] : memref<4x64xi32, #tpu.memory_space<vmem>> -> memref<1x64xi32, #tpu.memory_space<vmem>>
    %dma_start3A_48 = tpu.memref_squeeze %dma_start3A_47 : memref<1x64xi32, #tpu.memory_space<vmem>> -> memref<64xi32, #tpu.memory_space<vmem>>
    %dma_start3A_49 = tpu.memref_slice %arg2[%dma_start3A_44, %mul3A_43] : memref<4x2048xi32, #tpu.memory_space<hbm>> -> memref<1x64xi32, #tpu.memory_space<hbm>>
    %dma_start3A_50 = tpu.memref_squeeze %dma_start3A_49 : memref<1x64xi32, #tpu.memory_space<hbm>> -> memref<64xi32, #tpu.memory_space<hbm>>
    %dma_start3A_51 = arith.constant 0 : i32
    %dma_start3A_52 = tpu.memref_slice %arg6[%dma_start3A_45, %dma_start3A_51] : memref<4x64xi32, #tpu.memory_space<vmem>> -> memref<1x64xi32, #tpu.memory_space<vmem>>
    %dma_start3A_53 = tpu.memref_squeeze %dma_start3A_52 : memref<1x64xi32, #tpu.memory_space<vmem>> -> memref<64xi32, #tpu.memory_space<vmem>>
    %dma_start3A_54 = tpu.memref_slice %arg2[%dma_start3A_44, %mul3A_43] : memref<4x2048xi32, #tpu.memory_space<hbm>> -> memref<1x64xi32, #tpu.memory_space<hbm>>
    %dma_start3A_55 = tpu.memref_squeeze %dma_start3A_54 : memref<1x64xi32, #tpu.memory_space<hbm>> -> memref<64xi32, #tpu.memory_space<hbm>>
    tpu.enqueue_dma source(%dma_start3A_55 : memref<64xi32, #tpu.memory_space<hbm>>) target(%dma_start3A_53 : memref<64xi32, #tpu.memory_space<vmem>>) target_semaphore(%arg18 : memref<!tpu.dma_semaphore, #tpu.memory_space<semaphore_mem>>)
    %mul3A_56 = arith.constant 64 : i32
    %mul3A_57 = arith.muli %add3A, %mul3A_56 : i32
    %add3A_58 = arith.constant 0 : i32
    %add3A_59 = arith.addi %mul3A_57, %add3A_58 : i32
    %dma_start3A_60 = arith.constant 0 : i32
    %dma_start3A_61 = tpu.memref_slice %arg4[%add3A_59, %dma_start3A_60] : memref<2048x1024xf32, #tpu.memory_space<hbm>> -> memref<16x1024xf32, #tpu.memory_space<hbm>>
    %dma_start3A_62 = arith.constant 0 : i32
    %dma_start3A_63 = tpu.memref_slice %arg4[%add3A_59, %dma_start3A_62] : memref<2048x1024xf32, #tpu.memory_space<hbm>> -> memref<16x1024xf32, #tpu.memory_space<hbm>>
    tpu.enqueue_dma source(%dma_start3A_63 : memref<16x1024xf32, #tpu.memory_space<hbm>>) target(%arg7 : memref<16x1024xf32, #tpu.memory_space<vmem>>) target_semaphore(%arg17 : memref<!tpu.dma_semaphore, #tpu.memory_space<semaphore_mem>>)
    %dma_wait3A = arith.constant 0 : i32
    %dma_wait3A_64 = arith.constant 0 : i32
    %dma_wait3A_65 = arith.constant 0 : i32
    %dma_wait3A_66 = tpu.memref_slice %arg6[%dma_wait3A_64, %dma_wait3A_65] : memref<4x64xi32, #tpu.memory_space<vmem>> -> memref<1x64xi32, #tpu.memory_space<vmem>>
    %dma_wait3A_67 = tpu.memref_squeeze %dma_wait3A_66 : memref<1x64xi32, #tpu.memory_space<vmem>> -> memref<64xi32, #tpu.memory_space<vmem>>
    %dma_wait3A_68 = tpu.memref_slice %arg2[%dma_wait3A, %mul3A_2] : memref<4x2048xi32, #tpu.memory_space<hbm>> -> memref<1x64xi32, #tpu.memory_space<hbm>>
    %dma_wait3A_69 = tpu.memref_squeeze %dma_wait3A_68 : memref<1x64xi32, #tpu.memory_space<hbm>> -> memref<64xi32, #tpu.memory_space<hbm>>
    %dma_wait3A_70 = arith.constant 0 : i32
    %dma_wait3A_71 = tpu.memref_slice %arg6[%dma_wait3A_64, %dma_wait3A_70] : memref<4x64xi32, #tpu.memory_space<vmem>> -> memref<1x64xi32, #tpu.memory_space<vmem>>
    %dma_wait3A_72 = tpu.memref_squeeze %dma_wait3A_71 : memref<1x64xi32, #tpu.memory_space<vmem>> -> memref<64xi32, #tpu.memory_space<vmem>>
    %dma_wait3A_73 = tpu.memref_slice %arg2[%dma_wait3A, %mul3A_2] : memref<4x2048xi32, #tpu.memory_space<hbm>> -> memref<1x64xi32, #tpu.memory_space<hbm>>
    %dma_wait3A_74 = tpu.memref_squeeze %dma_wait3A_73 : memref<1x64xi32, #tpu.memory_space<hbm>> -> memref<64xi32, #tpu.memory_space<hbm>>
    tpu.wait_dma2 semaphore(%arg18 : memref<!tpu.dma_semaphore, #tpu.memory_space<semaphore_mem>>) src(%dma_wait3A_74 : memref<64xi32, #tpu.memory_space<hbm>>) dst(%dma_wait3A_72 : memref<64xi32, #tpu.memory_space<vmem>>)
    %dma_wait3A_75 = arith.constant 1 : i32
    %dma_wait3A_76 = arith.constant 1 : i32
    %dma_wait3A_77 = arith.constant 0 : i32
    %dma_wait3A_78 = tpu.memref_slice %arg6[%dma_wait3A_76, %dma_wait3A_77] : memref<4x64xi32, #tpu.memory_space<vmem>> -> memref<1x64xi32, #tpu.memory_space<vmem>>
    %dma_wait3A_79 = tpu.memref_squeeze %dma_wait3A_78 : memref<1x64xi32, #tpu.memory_space<vmem>> -> memref<64xi32, #tpu.memory_space<vmem>>
    %dma_wait3A_80 = tpu.memref_slice %arg2[%dma_wait3A_75, %mul3A_15] : memref<4x2048xi32, #tpu.memory_space<hbm>> -> memref<1x64xi32, #tpu.memory_space<hbm>>
    %dma_wait3A_81 = tpu.memref_squeeze %dma_wait3A_80 : memref<1x64xi32, #tpu.memory_space<hbm>> -> memref<64xi32, #tpu.memory_space<hbm>>
    %dma_wait3A_82 = arith.constant 0 : i32
    %dma_wait3A_83 = tpu.memref_slice %arg6[%dma_wait3A_76, %dma_wait3A_82] : memref<4x64xi32, #tpu.memory_space<vmem>> -> memref<1x64xi32, #tpu.memory_space<vmem>>
    %dma_wait3A_84 = tpu.memref_squeeze %dma_wait3A_83 : memref<1x64xi32, #tpu.memory_space<vmem>> -> memref<64xi32, #tpu.memory_space<vmem>>
    %dma_wait3A_85 = tpu.memref_slice %arg2[%dma_wait3A_75, %mul3A_15] : memref<4x2048xi32, #tpu.memory_space<hbm>> -> memref<1x64xi32, #tpu.memory_space<hbm>>
    %dma_wait3A_86 = tpu.memref_squeeze %dma_wait3A_85 : memref<1x64xi32, #tpu.memory_space<hbm>> -> memref<64xi32, #tpu.memory_space<hbm>>
    tpu.wait_dma2 semaphore(%arg18 : memref<!tpu.dma_semaphore, #tpu.memory_space<semaphore_mem>>) src(%dma_wait3A_86 : memref<64xi32, #tpu.memory_space<hbm>>) dst(%dma_wait3A_84 : memref<64xi32, #tpu.memory_space<vmem>>)
    %dma_wait3A_87 = arith.constant 2 : i32
    %dma_wait3A_88 = arith.constant 2 : i32
    %dma_wait3A_89 = arith.constant 0 : i32
    %dma_wait3A_90 = tpu.memref_slice %arg6[%dma_wait3A_88, %dma_wait3A_89] : memref<4x64xi32, #tpu.memory_space<vmem>> -> memref<1x64xi32, #tpu.memory_space<vmem>>
    %dma_wait3A_91 = tpu.memref_squeeze %dma_wait3A_90 : memref<1x64xi32, #tpu.memory_space<vmem>> -> memref<64xi32, #tpu.memory_space<vmem>>
    %dma_wait3A_92 = tpu.memref_slice %arg2[%dma_wait3A_87, %mul3A_29] : memref<4x2048xi32, #tpu.memory_space<hbm>> -> memref<1x64xi32, #tpu.memory_space<hbm>>
    %dma_wait3A_93 = tpu.memref_squeeze %dma_wait3A_92 : memref<1x64xi32, #tpu.memory_space<hbm>> -> memref<64xi32, #tpu.memory_space<hbm>>
    %dma_wait3A_94 = arith.constant 0 : i32
    %dma_wait3A_95 = tpu.memref_slice %arg6[%dma_wait3A_88, %dma_wait3A_94] : memref<4x64xi32, #tpu.memory_space<vmem>> -> memref<1x64xi32, #tpu.memory_space<vmem>>
    %dma_wait3A_96 = tpu.memref_squeeze %dma_wait3A_95 : memref<1x64xi32, #tpu.memory_space<vmem>> -> memref<64xi32, #tpu.memory_space<vmem>>
    %dma_wait3A_97 = tpu.memref_slice %arg2[%dma_wait3A_87, %mul3A_29] : memref<4x2048xi32, #tpu.memory_space<hbm>> -> memref<1x64xi32, #tpu.memory_space<hbm>>
    %dma_wait3A_98 = tpu.memref_squeeze %dma_wait3A_97 : memref<1x64xi32, #tpu.memory_space<hbm>> -> memref<64xi32, #tpu.memory_space<hbm>>
    tpu.wait_dma2 semaphore(%arg18 : memref<!tpu.dma_semaphore, #tpu.memory_space<semaphore_mem>>) src(%dma_wait3A_98 : memref<64xi32, #tpu.memory_space<hbm>>) dst(%dma_wait3A_96 : memref<64xi32, #tpu.memory_space<vmem>>)
    %dma_wait3A_99 = arith.constant 3 : i32
    %dma_wait3A_100 = arith.constant 3 : i32
    %dma_wait3A_101 = arith.constant 0 : i32
    %dma_wait3A_102 = tpu.memref_slice %arg6[%dma_wait3A_100, %dma_wait3A_101] : memref<4x64xi32, #tpu.memory_space<vmem>> -> memref<1x64xi32, #tpu.memory_space<vmem>>
    %dma_wait3A_103 = tpu.memref_squeeze %dma_wait3A_102 : memref<1x64xi32, #tpu.memory_space<vmem>> -> memref<64xi32, #tpu.memory_space<vmem>>
    %dma_wait3A_104 = tpu.memref_slice %arg2[%dma_wait3A_99, %mul3A_43] : memref<4x2048xi32, #tpu.memory_space<hbm>> -> memref<1x64xi32, #tpu.memory_space<hbm>>
    %dma_wait3A_105 = tpu.memref_squeeze %dma_wait3A_104 : memref<1x64xi32, #tpu.memory_space<hbm>> -> memref<64xi32, #tpu.memory_space<hbm>>
    %dma_wait3A_106 = arith.constant 0 : i32
    %dma_wait3A_107 = tpu.memref_slice %arg6[%dma_wait3A_100, %dma_wait3A_106] : memref<4x64xi32, #tpu.memory_space<vmem>> -> memref<1x64xi32, #tpu.memory_space<vmem>>
    %dma_wait3A_108 = tpu.memref_squeeze %dma_wait3A_107 : memref<1x64xi32, #tpu.memory_space<vmem>> -> memref<64xi32, #tpu.memory_space<vmem>>
    %dma_wait3A_109 = tpu.memref_slice %arg2[%dma_wait3A_99, %mul3A_43] : memref<4x2048xi32, #tpu.memory_space<hbm>> -> memref<1x64xi32, #tpu.memory_space<hbm>>
    %dma_wait3A_110 = tpu.memref_squeeze %dma_wait3A_109 : memref<1x64xi32, #tpu.memory_space<hbm>> -> memref<64xi32, #tpu.memory_space<hbm>>
    tpu.wait_dma2 semaphore(%arg18 : memref<!tpu.dma_semaphore, #tpu.memory_space<semaphore_mem>>) src(%dma_wait3A_110 : memref<64xi32, #tpu.memory_space<hbm>>) dst(%dma_wait3A_108 : memref<64xi32, #tpu.memory_space<vmem>>)
    %dma_start3A_111 = arith.constant 0 : i32
    %dma_start3A_112 = arith.constant 0 : i32
    %dma_start3A_113 = arith.constant 0 : i32
    %dma_start3A_114 = tpu.memref_slice %arg8[%dma_start3A_112, %dma_start3A_113] : memref<32x1024xf32, #tpu.memory_space<vmem>> -> memref<16x1024xf32, #tpu.memory_space<vmem>>
    %dma_start3A_115 = arith.constant 0 : i32
    %dma_start3A_116 = tpu.memref_slice %arg6[%dma_start3A_111, %dma_start3A_115] : memref<4x64xi32, #tpu.memory_space<vmem>> -> memref<1x16xi32, #tpu.memory_space<vmem>>
    %dma_start3A_117 = tpu.memref_squeeze %dma_start3A_116 : memref<1x16xi32, #tpu.memory_space<vmem>> -> memref<16xi32, #tpu.memory_space<vmem>>
    %dma_start3A_118 = arith.constant 0 : i32
    %dma_start3A_119 = arith.constant 0 : i32
    %dma_start3A_120 = tpu.memref_slice %arg3[%dma_start3A_118, %dma_start3A_119] : memref<100000x1024xf32, #tpu.memory_space<hbm>> -> memref<100000x1024xf32, #tpu.memory_space<hbm>>
    tpu.enqueue_indirect_dma source(%dma_start3A_120 : memref<100000x1024xf32, #tpu.memory_space<hbm>>) target(%dma_start3A_114 : memref<16x1024xf32, #tpu.memory_space<vmem>>) offsets(%dma_start3A_117 : memref<16xi32, #tpu.memory_space<vmem>>) semaphore(%arg11 : memref<!tpu.dma_semaphore, #tpu.memory_space<semaphore_mem>>)
    %dma_start3A_121 = arith.constant 1 : i32
    %dma_start3A_122 = arith.constant 16 : i32
    %dma_start3A_123 = arith.constant 0 : i32
    %dma_start3A_124 = tpu.memref_slice %arg8[%dma_start3A_122, %dma_start3A_123] : memref<32x1024xf32, #tpu.memory_space<vmem>> -> memref<16x1024xf32, #tpu.memory_space<vmem>>
    %dma_start3A_125 = arith.constant 0 : i32
    %dma_start3A_126 = tpu.memref_slice %arg6[%dma_start3A_121, %dma_start3A_125] : memref<4x64xi32, #tpu.memory_space<vmem>> -> memref<1x16xi32, #tpu.memory_space<vmem>>
    %dma_start3A_127 = tpu.memref_squeeze %dma_start3A_126 : memref<1x16xi32, #tpu.memory_space<vmem>> -> memref<16xi32, #tpu.memory_space<vmem>>
    %dma_start3A_128 = arith.constant 0 : i32
    %dma_start3A_129 = arith.constant 0 : i32
    %dma_start3A_130 = tpu.memref_slice %arg3[%dma_start3A_128, %dma_start3A_129] : memref<100000x1024xf32, #tpu.memory_space<hbm>> -> memref<100000x1024xf32, #tpu.memory_space<hbm>>
    tpu.enqueue_indirect_dma source(%dma_start3A_130 : memref<100000x1024xf32, #tpu.memory_space<hbm>>) target(%dma_start3A_124 : memref<16x1024xf32, #tpu.memory_space<vmem>>) offsets(%dma_start3A_127 : memref<16xi32, #tpu.memory_space<vmem>>) semaphore(%arg11 : memref<!tpu.dma_semaphore, #tpu.memory_space<semaphore_mem>>)
    %dma_start3A_131 = arith.constant 2 : i32
    %dma_start3A_132 = arith.constant 0 : i32
    %dma_start3A_133 = arith.constant 0 : i32
    %dma_start3A_134 = tpu.memref_slice %arg9[%dma_start3A_132, %dma_start3A_133] : memref<32x1024xf32, #tpu.memory_space<vmem>> -> memref<16x1024xf32, #tpu.memory_space<vmem>>
    %dma_start3A_135 = arith.constant 0 : i32
    %dma_start3A_136 = tpu.memref_slice %arg6[%dma_start3A_131, %dma_start3A_135] : memref<4x64xi32, #tpu.memory_space<vmem>> -> memref<1x16xi32, #tpu.memory_space<vmem>>
    %dma_start3A_137 = tpu.memref_squeeze %dma_start3A_136 : memref<1x16xi32, #tpu.memory_space<vmem>> -> memref<16xi32, #tpu.memory_space<vmem>>
    %dma_start3A_138 = arith.constant 0 : i32
    %dma_start3A_139 = arith.constant 0 : i32
    %dma_start3A_140 = tpu.memref_slice %arg3[%dma_start3A_138, %dma_start3A_139] : memref<100000x1024xf32, #tpu.memory_space<hbm>> -> memref<100000x1024xf32, #tpu.memory_space<hbm>>
    tpu.enqueue_indirect_dma source(%dma_start3A_140 : memref<100000x1024xf32, #tpu.memory_space<hbm>>) target(%dma_start3A_134 : memref<16x1024xf32, #tpu.memory_space<vmem>>) offsets(%dma_start3A_137 : memref<16xi32, #tpu.memory_space<vmem>>) semaphore(%arg12 : memref<!tpu.dma_semaphore, #tpu.memory_space<semaphore_mem>>)
    %dma_start3A_141 = arith.constant 3 : i32
    %dma_start3A_142 = arith.constant 16 : i32
    %dma_start3A_143 = arith.constant 0 : i32
    %dma_start3A_144 = tpu.memref_slice %arg9[%dma_start3A_142, %dma_start3A_143] : memref<32x1024xf32, #tpu.memory_space<vmem>> -> memref<16x1024xf32, #tpu.memory_space<vmem>>
    %dma_start3A_145 = arith.constant 0 : i32
    %dma_start3A_146 = tpu.memref_slice %arg6[%dma_start3A_141, %dma_start3A_145] : memref<4x64xi32, #tpu.memory_space<vmem>> -> memref<1x16xi32, #tpu.memory_space<vmem>>
    %dma_start3A_147 = tpu.memref_squeeze %dma_start3A_146 : memref<1x16xi32, #tpu.memory_space<vmem>> -> memref<16xi32, #tpu.memory_space<vmem>>
    %dma_start3A_148 = arith.constant 0 : i32
    %dma_start3A_149 = arith.constant 0 : i32
    %dma_start3A_150 = tpu.memref_slice %arg3[%dma_start3A_148, %dma_start3A_149] : memref<100000x1024xf32, #tpu.memory_space<hbm>> -> memref<100000x1024xf32, #tpu.memory_space<hbm>>
    tpu.enqueue_indirect_dma source(%dma_start3A_150 : memref<100000x1024xf32, #tpu.memory_space<hbm>>) target(%dma_start3A_144 : memref<16x1024xf32, #tpu.memory_space<vmem>>) offsets(%dma_start3A_147 : memref<16xi32, #tpu.memory_space<vmem>>) semaphore(%arg12 : memref<!tpu.dma_semaphore, #tpu.memory_space<semaphore_mem>>)
    %dma_wait3A_151 = arith.constant 0 : i32
    %dma_wait3A_152 = arith.constant 0 : i32
    %dma_wait3A_153 = arith.constant 0 : i32
    %dma_wait3A_154 = tpu.memref_slice %arg8[%dma_wait3A_152, %dma_wait3A_153] : memref<32x1024xf32, #tpu.memory_space<vmem>> -> memref<16x1024xf32, #tpu.memory_space<vmem>>
    %dma_wait3A_155 = arith.constant 0 : i32
    %dma_wait3A_156 = tpu.memref_slice %arg6[%dma_wait3A_151, %dma_wait3A_155] : memref<4x64xi32, #tpu.memory_space<vmem>> -> memref<1x16xi32, #tpu.memory_space<vmem>>
    %dma_wait3A_157 = tpu.memref_squeeze %dma_wait3A_156 : memref<1x16xi32, #tpu.memory_space<vmem>> -> memref<16xi32, #tpu.memory_space<vmem>>
    %dma_wait3A_158 = arith.constant 0 : i32
    %dma_wait3A_159 = arith.constant 0 : i32
    %dma_wait3A_160 = tpu.memref_slice %arg3[%dma_wait3A_158, %dma_wait3A_159] : memref<100000x1024xf32, #tpu.memory_space<hbm>> -> memref<100000x1024xf32, #tpu.memory_space<hbm>>
    tpu.wait_indirect_dma semaphore(%arg11 : memref<!tpu.dma_semaphore, #tpu.memory_space<semaphore_mem>>) src(%dma_wait3A_160 : memref<100000x1024xf32, #tpu.memory_space<hbm>>) dst(%dma_wait3A_154 : memref<16x1024xf32, #tpu.memory_space<vmem>>)
    %dma_wait3A_161 = arith.constant 1 : i32
    %dma_wait3A_162 = arith.constant 16 : i32
    %dma_wait3A_163 = arith.constant 0 : i32
    %dma_wait3A_164 = tpu.memref_slice %arg8[%dma_wait3A_162, %dma_wait3A_163] : memref<32x1024xf32, #tpu.memory_space<vmem>> -> memref<16x1024xf32, #tpu.memory_space<vmem>>
    %dma_wait3A_165 = arith.constant 0 : i32
    %dma_wait3A_166 = tpu.memref_slice %arg6[%dma_wait3A_161, %dma_wait3A_165] : memref<4x64xi32, #tpu.memory_space<vmem>> -> memref<1x16xi32, #tpu.memory_space<vmem>>
    %dma_wait3A_167 = tpu.memref_squeeze %dma_wait3A_166 : memref<1x16xi32, #tpu.memory_space<vmem>> -> memref<16xi32, #tpu.memory_space<vmem>>
    %dma_wait3A_168 = arith.constant 0 : i32
    %dma_wait3A_169 = arith.constant 0 : i32
    %dma_wait3A_170 = tpu.memref_slice %arg3[%dma_wait3A_168, %dma_wait3A_169] : memref<100000x1024xf32, #tpu.memory_space<hbm>> -> memref<100000x1024xf32, #tpu.memory_space<hbm>>
    tpu.wait_indirect_dma semaphore(%arg11 : memref<!tpu.dma_semaphore, #tpu.memory_space<semaphore_mem>>) src(%dma_wait3A_170 : memref<100000x1024xf32, #tpu.memory_space<hbm>>) dst(%dma_wait3A_164 : memref<16x1024xf32, #tpu.memory_space<vmem>>)
    %dma_wait3A_171 = arith.constant 0 : i32
    %dma_wait3A_172 = tpu.memref_slice %arg4[%add3A_59, %dma_wait3A_171] : memref<2048x1024xf32, #tpu.memory_space<hbm>> -> memref<16x1024xf32, #tpu.memory_space<hbm>>
    %dma_wait3A_173 = arith.constant 0 : i32
    %dma_wait3A_174 = tpu.memref_slice %arg4[%add3A_59, %dma_wait3A_173] : memref<2048x1024xf32, #tpu.memory_space<hbm>> -> memref<16x1024xf32, #tpu.memory_space<hbm>>
    tpu.wait_dma2 semaphore(%arg17 : memref<!tpu.dma_semaphore, #tpu.memory_space<semaphore_mem>>) src(%dma_wait3A_174 : memref<16x1024xf32, #tpu.memory_space<hbm>>) dst(%arg7 : memref<16x1024xf32, #tpu.memory_space<vmem>>)
    %parallel_loop3A = arith.constant 0 : i32
    %parallel_loop3A_175 = arith.constant 16 : i32
    %parallel_loop3A_176 = arith.constant 1 : i32
    scf.for %parallel_loop3A_910 = %parallel_loop3A to %parallel_loop3A_175 step %parallel_loop3A_176  : i32 {
      %parallel_loop3A_911 = arith.constant 0 : i32
      %parallel_loop3A_912 = arith.constant 1024 : i32
      %parallel_loop3A_913 = arith.constant 16 : i32
      scf.for %parallel_loop3A_914 = %parallel_loop3A_911 to %parallel_loop3A_912 step %parallel_loop3A_913  : i32 {
        %parallel_loop3A_915 = arith.index_cast %parallel_loop3A_910 : i32 to index
        %parallel_loop3A_916 = arith.index_cast %parallel_loop3A_914 : i32 to index
        %parallel_loop3A_917 = tpu.vector_load %arg7[%parallel_loop3A_915, %parallel_loop3A_916] {strides = array<i32>} : memref<16x1024xf32, #tpu.memory_space<vmem>>, vector<1x16xf32>,
        %parallel_loop3A_918 = vector.shape_cast %parallel_loop3A_917 : vector<1x16xf32> to vector<16xf32>
        %parallel_loop3A_919 = arith.index_cast %parallel_loop3A_910 : i32 to index
        %parallel_loop3A_920 = arith.index_cast %parallel_loop3A_914 : i32 to index
        %parallel_loop3A_921 = tpu.vector_load %arg8[%parallel_loop3A_919, %parallel_loop3A_920] {strides = array<i32>} : memref<32x1024xf32, #tpu.memory_space<vmem>>, vector<1x16xf32>,
        %parallel_loop3A_922 = vector.shape_cast %parallel_loop3A_921 : vector<1x16xf32> to vector<16xf32>
        %parallel_loop3A_923 = arith.addf %parallel_loop3A_922, %parallel_loop3A_918 : vector<16xf32>
        %parallel_loop3A_924 = arith.index_cast %parallel_loop3A_910 : i32 to index
        %parallel_loop3A_925 = arith.index_cast %parallel_loop3A_914 : i32 to index
        %parallel_loop3A_926 = tpu.vector_load %arg8[%parallel_loop3A_924, %parallel_loop3A_925] {strides = array<i32>} : memref<32x1024xf32, #tpu.memory_space<vmem>>, vector<1x16xf32>,
        %parallel_loop3A_927 = vector.shape_cast %parallel_loop3A_926 : vector<1x16xf32> to vector<16xf32>
        %parallel_loop3A_928 = vector.shape_cast %parallel_loop3A_923 : vector<16xf32> to vector<1x16xf32>
        tpu.vector_store %arg8[%parallel_loop3A_924, %parallel_loop3A_925], %parallel_loop3A_928 {strides = array<i32>} : memref<32x1024xf32, #tpu.memory_space<vmem>>, vector<1x16xf32>,
        %parallel_loop3A_929 = arith.constant 16 : i32
        %parallel_loop3A_930 = arith.addi %parallel_loop3A_929, %parallel_loop3A_910 : i32
        %parallel_loop3A_931 = arith.index_cast %parallel_loop3A_930 : i32 to index
        %parallel_loop3A_932 = arith.index_cast %parallel_loop3A_914 : i32 to index
        %parallel_loop3A_933 = tpu.vector_load %arg8[%parallel_loop3A_931, %parallel_loop3A_932] {strides = array<i32>} : memref<32x1024xf32, #tpu.memory_space<vmem>>, vector<1x16xf32>,
        %parallel_loop3A_934 = vector.shape_cast %parallel_loop3A_933 : vector<1x16xf32> to vector<16xf32>
        %parallel_loop3A_935 = arith.addf %parallel_loop3A_934, %parallel_loop3A_918 : vector<16xf32>
        %parallel_loop3A_936 = arith.constant 16 : i32
        %parallel_loop3A_937 = arith.addi %parallel_loop3A_936, %parallel_loop3A_910 : i32
        %parallel_loop3A_938 = arith.index_cast %parallel_loop3A_937 : i32 to index
        %parallel_loop3A_939 = arith.index_cast %parallel_loop3A_914 : i32 to index
        %parallel_loop3A_940 = tpu.vector_load %arg8[%parallel_loop3A_938, %parallel_loop3A_939] {strides = array<i32>} : memref<32x1024xf32, #tpu.memory_space<vmem>>, vector<1x16xf32>,
        %parallel_loop3A_941 = vector.shape_cast %parallel_loop3A_940 : vector<1x16xf32> to vector<16xf32>
        %parallel_loop3A_942 = vector.shape_cast %parallel_loop3A_935 : vector<16xf32> to vector<1x16xf32>
        tpu.vector_store %arg8[%parallel_loop3A_938, %parallel_loop3A_939], %parallel_loop3A_942 {strides = array<i32>} : memref<32x1024xf32, #tpu.memory_space<vmem>>, vector<1x16xf32>,
      } {sc.loop_unroll_factor = 4 : i64, sc.parallel_access}
    } {sc.loop_unroll_factor = 1 : i64, sc.parallel_access}
    %mul3A_177 = arith.constant 64 : i32
    %mul3A_178 = arith.muli %add3A, %mul3A_177 : i32
    %add3A_179 = arith.constant 0 : i32
    %add3A_180 = arith.addi %add3A_179, %mul3A_178 : i32
    %add3A_181 = arith.constant 0 : i32
    %add3A_182 = arith.addi %add3A_180, %add3A_181 : i32
    %dma_start3A_183 = arith.constant 0 : i32
    %dma_start3A_184 = arith.constant 0 : i32
    %dma_start3A_185 = tpu.memref_slice %arg8[%dma_start3A_183, %dma_start3A_184] : memref<32x1024xf32, #tpu.memory_space<vmem>> -> memref<16x1024xf32, #tpu.memory_space<vmem>>
    %dma_start3A_186 = arith.constant 0 : i32
    %dma_start3A_187 = tpu.memref_slice %arg5[%add3A_182, %dma_start3A_186] : memref<8192x1024xf32, #tpu.memory_space<hbm>> -> memref<16x1024xf32, #tpu.memory_space<hbm>>
    %dma_start3A_188 = arith.constant 0 : i32
    %dma_start3A_189 = tpu.memref_slice %arg5[%add3A_182, %dma_start3A_188] : memref<8192x1024xf32, #tpu.memory_space<hbm>> -> memref<16x1024xf32, #tpu.memory_space<hbm>>
    %dma_start3A_190 = arith.constant 0 : i32
    %dma_start3A_191 = arith.constant 0 : i32
    %dma_start3A_192 = tpu.memref_slice %arg8[%dma_start3A_190, %dma_start3A_191] : memref<32x1024xf32, #tpu.memory_space<vmem>> -> memref<16x1024xf32, #tpu.memory_space<vmem>>
    tpu.enqueue_dma source(%dma_start3A_192 : memref<16x1024xf32, #tpu.memory_space<vmem>>) target(%dma_start3A_189 : memref<16x1024xf32, #tpu.memory_space<hbm>>) target_semaphore(%arg14 : memref<!tpu.dma_semaphore, #tpu.memory_space<semaphore_mem>>)
    %mul3A_193 = arith.constant 64 : i32
    %mul3A_194 = arith.muli %add3A, %mul3A_193 : i32
    %add3A_195 = arith.constant 2048 : i32
    %add3A_196 = arith.addi %add3A_195, %mul3A_194 : i32
    %add3A_197 = arith.constant 0 : i32
    %add3A_198 = arith.addi %add3A_196, %add3A_197 : i32
    %dma_start3A_199 = arith.constant 16 : i32
    %dma_start3A_200 = arith.constant 0 : i32
    %dma_start3A_201 = tpu.memref_slice %arg8[%dma_start3A_199, %dma_start3A_200] : memref<32x1024xf32, #tpu.memory_space<vmem>> -> memref<16x1024xf32, #tpu.memory_space<vmem>>
    %dma_start3A_202 = arith.constant 0 : i32
    %dma_start3A_203 = tpu.memref_slice %arg5[%add3A_198, %dma_start3A_202] : memref<8192x1024xf32, #tpu.memory_space<hbm>> -> memref<16x1024xf32, #tpu.memory_space<hbm>>
    %dma_start3A_204 = arith.constant 0 : i32
    %dma_start3A_205 = tpu.memref_slice %arg5[%add3A_198, %dma_start3A_204] : memref<8192x1024xf32, #tpu.memory_space<hbm>> -> memref<16x1024xf32, #tpu.memory_space<hbm>>
    %dma_start3A_206 = arith.constant 16 : i32
    %dma_start3A_207 = arith.constant 0 : i32
    %dma_start3A_208 = tpu.memref_slice %arg8[%dma_start3A_206, %dma_start3A_207] : memref<32x1024xf32, #tpu.memory_space<vmem>> -> memref<16x1024xf32, #tpu.memory_space<vmem>>
    tpu.enqueue_dma source(%dma_start3A_208 : memref<16x1024xf32, #tpu.memory_space<vmem>>) target(%dma_start3A_205 : memref<16x1024xf32, #tpu.memory_space<hbm>>) target_semaphore(%arg14 : memref<!tpu.dma_semaphore, #tpu.memory_space<semaphore_mem>>)
    %dma_start3A_209 = arith.constant 0 : i32
    %dma_start3A_210 = arith.constant 0 : i32
    %dma_start3A_211 = arith.constant 0 : i32
    %dma_start3A_212 = tpu.memref_slice %arg10[%dma_start3A_210, %dma_start3A_211] : memref<32x1024xf32, #tpu.memory_space<vmem>> -> memref<16x1024xf32, #tpu.memory_space<vmem>>
    %dma_start3A_213 = arith.constant 16 : i32
    %dma_start3A_214 = tpu.memref_slice %arg6[%dma_start3A_209, %dma_start3A_213] : memref<4x64xi32, #tpu.memory_space<vmem>> -> memref<1x16xi32, #tpu.memory_space<vmem>>
    %dma_start3A_215 = tpu.memref_squeeze %dma_start3A_214 : memref<1x16xi32, #tpu.memory_space<vmem>> -> memref<16xi32, #tpu.memory_space<vmem>>
    %dma_start3A_216 = arith.constant 0 : i32
    %dma_start3A_217 = arith.constant 0 : i32
    %dma_start3A_218 = tpu.memref_slice %arg3[%dma_start3A_216, %dma_start3A_217] : memref<100000x1024xf32, #tpu.memory_space<hbm>> -> memref<100000x1024xf32, #tpu.memory_space<hbm>>
    tpu.enqueue_indirect_dma source(%dma_start3A_218 : memref<100000x1024xf32, #tpu.memory_space<hbm>>) target(%dma_start3A_212 : memref<16x1024xf32, #tpu.memory_space<vmem>>) offsets(%dma_start3A_215 : memref<16xi32, #tpu.memory_space<vmem>>) semaphore(%arg13 : memref<!tpu.dma_semaphore, #tpu.memory_space<semaphore_mem>>)
    %dma_start3A_219 = arith.constant 1 : i32
    %dma_start3A_220 = arith.constant 16 : i32
    %dma_start3A_221 = arith.constant 0 : i32
    %dma_start3A_222 = tpu.memref_slice %arg10[%dma_start3A_220, %dma_start3A_221] : memref<32x1024xf32, #tpu.memory_space<vmem>> -> memref<16x1024xf32, #tpu.memory_space<vmem>>
    %dma_start3A_223 = arith.constant 16 : i32
    %dma_start3A_224 = tpu.memref_slice %arg6[%dma_start3A_219, %dma_start3A_223] : memref<4x64xi32, #tpu.memory_space<vmem>> -> memref<1x16xi32, #tpu.memory_space<vmem>>
    %dma_start3A_225 = tpu.memref_squeeze %dma_start3A_224 : memref<1x16xi32, #tpu.memory_space<vmem>> -> memref<16xi32, #tpu.memory_space<vmem>>
    %dma_start3A_226 = arith.constant 0 : i32
    %dma_start3A_227 = arith.constant 0 : i32
    %dma_start3A_228 = tpu.memref_slice %arg3[%dma_start3A_226, %dma_start3A_227] : memref<100000x1024xf32, #tpu.memory_space<hbm>> -> memref<100000x1024xf32, #tpu.memory_space<hbm>>
    tpu.enqueue_indirect_dma source(%dma_start3A_228 : memref<100000x1024xf32, #tpu.memory_space<hbm>>) target(%dma_start3A_222 : memref<16x1024xf32, #tpu.memory_space<vmem>>) offsets(%dma_start3A_225 : memref<16xi32, #tpu.memory_space<vmem>>) semaphore(%arg13 : memref<!tpu.dma_semaphore, #tpu.memory_space<semaphore_mem>>)
    %dma_wait3A_229 = arith.constant 2 : i32
    %dma_wait3A_230 = arith.constant 0 : i32
    %dma_wait3A_231 = arith.constant 0 : i32
    %dma_wait3A_232 = tpu.memref_slice %arg9[%dma_wait3A_230, %dma_wait3A_231] : memref<32x1024xf32, #tpu.memory_space<vmem>> -> memref<16x1024xf32, #tpu.memory_space<vmem>>
    %dma_wait3A_233 = arith.constant 0 : i32
    %dma_wait3A_234 = tpu.memref_slice %arg6[%dma_wait3A_229, %dma_wait3A_233] : memref<4x64xi32, #tpu.memory_space<vmem>> -> memref<1x16xi32, #tpu.memory_space<vmem>>
    %dma_wait3A_235 = tpu.memref_squeeze %dma_wait3A_234 : memref<1x16xi32, #tpu.memory_space<vmem>> -> memref<16xi32, #tpu.memory_space<vmem>>
    %dma_wait3A_236 = arith.constant 0 : i32
    %dma_wait3A_237 = arith.constant 0 : i32
    %dma_wait3A_238 = tpu.memref_slice %arg3[%dma_wait3A_236, %dma_wait3A_237] : memref<100000x1024xf32, #tpu.memory_space<hbm>> -> memref<100000x1024xf32, #tpu.memory_space<hbm>>
    tpu.wait_indirect_dma semaphore(%arg12 : memref<!tpu.dma_semaphore, #tpu.memory_space<semaphore_mem>>) src(%dma_wait3A_238 : memref<100000x1024xf32, #tpu.memory_space<hbm>>) dst(%dma_wait3A_232 : memref<16x1024xf32, #tpu.memory_space<vmem>>)
    %dma_wait3A_239 = arith.constant 3 : i32
    %dma_wait3A_240 = arith.constant 16 : i32
    %dma_wait3A_241 = arith.constant 0 : i32
    %dma_wait3A_242 = tpu.memref_slice %arg9[%dma_wait3A_240, %dma_wait3A_241] : memref<32x1024xf32, #tpu.memory_space<vmem>> -> memref<16x1024xf32, #tpu.memory_space<vmem>>
    %dma_wait3A_243 = arith.constant 0 : i32
    %dma_wait3A_244 = tpu.memref_slice %arg6[%dma_wait3A_239, %dma_wait3A_243] : memref<4x64xi32, #tpu.memory_space<vmem>> -> memref<1x16xi32, #tpu.memory_space<vmem>>
    %dma_wait3A_245 = tpu.memref_squeeze %dma_wait3A_244 : memref<1x16xi32, #tpu.memory_space<vmem>> -> memref<16xi32, #tpu.memory_space<vmem>>
    %dma_wait3A_246 = arith.constant 0 : i32
    %dma_wait3A_247 = arith.constant 0 : i32
    %dma_wait3A_248 = tpu.memref_slice %arg3[%dma_wait3A_246, %dma_wait3A_247] : memref<100000x1024xf32, #tpu.memory_space<hbm>> -> memref<100000x1024xf32, #tpu.memory_space<hbm>>
    tpu.wait_indirect_dma semaphore(%arg12 : memref<!tpu.dma_semaphore, #tpu.memory_space<semaphore_mem>>) src(%dma_wait3A_248 : memref<100000x1024xf32, #tpu.memory_space<hbm>>) dst(%dma_wait3A_242 : memref<16x1024xf32, #tpu.memory_space<vmem>>)
    %parallel_loop3A_249 = arith.constant 0 : i32
    %parallel_loop3A_250 = arith.constant 16 : i32
    %parallel_loop3A_251 = arith.constant 1 : i32
    scf.for %parallel_loop3A_910 = %parallel_loop3A_249 to %parallel_loop3A_250 step %parallel_loop3A_251  : i32 {
      %parallel_loop3A_911 = arith.constant 0 : i32
      %parallel_loop3A_912 = arith.constant 1024 : i32
      %parallel_loop3A_913 = arith.constant 16 : i32
      scf.for %parallel_loop3A_914 = %parallel_loop3A_911 to %parallel_loop3A_912 step %parallel_loop3A_913  : i32 {
        %parallel_loop3A_915 = arith.index_cast %parallel_loop3A_910 : i32 to index
        %parallel_loop3A_916 = arith.index_cast %parallel_loop3A_914 : i32 to index
        %parallel_loop3A_917 = tpu.vector_load %arg7[%parallel_loop3A_915, %parallel_loop3A_916] {strides = array<i32>} : memref<16x1024xf32, #tpu.memory_space<vmem>>, vector<1x16xf32>,
        %parallel_loop3A_918 = vector.shape_cast %parallel_loop3A_917 : vector<1x16xf32> to vector<16xf32>
        %parallel_loop3A_919 = arith.index_cast %parallel_loop3A_910 : i32 to index
        %parallel_loop3A_920 = arith.index_cast %parallel_loop3A_914 : i32 to index
        %parallel_loop3A_921 = tpu.vector_load %arg9[%parallel_loop3A_919, %parallel_loop3A_920] {strides = array<i32>} : memref<32x1024xf32, #tpu.memory_space<vmem>>, vector<1x16xf32>,
        %parallel_loop3A_922 = vector.shape_cast %parallel_loop3A_921 : vector<1x16xf32> to vector<16xf32>
        %parallel_loop3A_923 = arith.addf %parallel_loop3A_922, %parallel_loop3A_918 : vector<16xf32>
        %parallel_loop3A_924 = arith.index_cast %parallel_loop3A_910 : i32 to index
        %parallel_loop3A_925 = arith.index_cast %parallel_loop3A_914 : i32 to index
        %parallel_loop3A_926 = tpu.vector_load %arg9[%parallel_loop3A_924, %parallel_loop3A_925] {strides = array<i32>} : memref<32x1024xf32, #tpu.memory_space<vmem>>, vector<1x16xf32>,
        %parallel_loop3A_927 = vector.shape_cast %parallel_loop3A_926 : vector<1x16xf32> to vector<16xf32>
        %parallel_loop3A_928 = vector.shape_cast %parallel_loop3A_923 : vector<16xf32> to vector<1x16xf32>
        tpu.vector_store %arg9[%parallel_loop3A_924, %parallel_loop3A_925], %parallel_loop3A_928 {strides = array<i32>} : memref<32x1024xf32, #tpu.memory_space<vmem>>, vector<1x16xf32>,
        %parallel_loop3A_929 = arith.constant 16 : i32
        %parallel_loop3A_930 = arith.addi %parallel_loop3A_929, %parallel_loop3A_910 : i32
        %parallel_loop3A_931 = arith.index_cast %parallel_loop3A_930 : i32 to index
        %parallel_loop3A_932 = arith.index_cast %parallel_loop3A_914 : i32 to index
        %parallel_loop3A_933 = tpu.vector_load %arg9[%parallel_loop3A_931, %parallel_loop3A_932] {strides = array<i32>} : memref<32x1024xf32, #tpu.memory_space<vmem>>, vector<1x16xf32>,
        %parallel_loop3A_934 = vector.shape_cast %parallel_loop3A_933 : vector<1x16xf32> to vector<16xf32>
        %parallel_loop3A_935 = arith.addf %parallel_loop3A_934, %parallel_loop3A_918 : vector<16xf32>
        %parallel_loop3A_936 = arith.constant 16 : i32
        %parallel_loop3A_937 = arith.addi %parallel_loop3A_936, %parallel_loop3A_910 : i32
        %parallel_loop3A_938 = arith.index_cast %parallel_loop3A_937 : i32 to index
        %parallel_loop3A_939 = arith.index_cast %parallel_loop3A_914 : i32 to index
        %parallel_loop3A_940 = tpu.vector_load %arg9[%parallel_loop3A_938, %parallel_loop3A_939] {strides = array<i32>} : memref<32x1024xf32, #tpu.memory_space<vmem>>, vector<1x16xf32>,
        %parallel_loop3A_941 = vector.shape_cast %parallel_loop3A_940 : vector<1x16xf32> to vector<16xf32>
        %parallel_loop3A_942 = vector.shape_cast %parallel_loop3A_935 : vector<16xf32> to vector<1x16xf32>
        tpu.vector_store %arg9[%parallel_loop3A_938, %parallel_loop3A_939], %parallel_loop3A_942 {strides = array<i32>} : memref<32x1024xf32, #tpu.memory_space<vmem>>, vector<1x16xf32>,
      } {sc.loop_unroll_factor = 4 : i64, sc.parallel_access}
    } {sc.loop_unroll_factor = 1 : i64, sc.parallel_access}
    %mul3A_252 = arith.constant 64 : i32
    %mul3A_253 = arith.muli %add3A, %mul3A_252 : i32
    %add3A_254 = arith.constant 4096 : i32
    %add3A_255 = arith.addi %add3A_254, %mul3A_253 : i32
    %add3A_256 = arith.constant 0 : i32
    %add3A_257 = arith.addi %add3A_255, %add3A_256 : i32
    %dma_start3A_258 = arith.constant 0 : i32
    %dma_start3A_259 = arith.constant 0 : i32
    %dma_start3A_260 = tpu.memref_slice %arg9[%dma_start3A_258, %dma_start3A_259] : memref<32x1024xf32, #tpu.memory_space<vmem>> -> memref<16x1024xf32, #tpu.memory_space<vmem>>
    %dma_start3A_261 = arith.constant 0 : i32
    %dma_start3A_262 = tpu.memref_slice %arg5[%add3A_257, %dma_start3A_261] : memref<8192x1024xf32, #tpu.memory_space<hbm>> -> memref<16x1024xf32, #tpu.memory_space<hbm>>
    %dma_start3A_263 = arith.constant 0 : i32
    %dma_start3A_264 = tpu.memref_slice %arg5[%add3A_257, %dma_start3A_263] : memref<8192x1024xf32, #tpu.memory_space<hbm>> -> memref<16x1024xf32, #tpu.memory_space<hbm>>
    %dma_start3A_265 = arith.constant 0 : i32
    %dma_start3A_266 = arith.constant 0 : i32
    %dma_start3A_267 = tpu.memref_slice %arg9[%dma_start3A_265, %dma_start3A_266] : memref<32x1024xf32, #tpu.memory_space<vmem>> -> memref<16x1024xf32, #tpu.memory_space<vmem>>
    tpu.enqueue_dma source(%dma_start3A_267 : memref<16x1024xf32, #tpu.memory_space<vmem>>) target(%dma_start3A_264 : memref<16x1024xf32, #tpu.memory_space<hbm>>) target_semaphore(%arg15 : memref<!tpu.dma_semaphore, #tpu.memory_space<semaphore_mem>>)
    %mul3A_268 = arith.constant 64 : i32
    %mul3A_269 = arith.muli %add3A, %mul3A_268 : i32
    %add3A_270 = arith.constant 6144 : i32
    %add3A_271 = arith.addi %add3A_270, %mul3A_269 : i32
    %add3A_272 = arith.constant 0 : i32
    %add3A_273 = arith.addi %add3A_271, %add3A_272 : i32
    %dma_start3A_274 = arith.constant 16 : i32
    %dma_start3A_275 = arith.constant 0 : i32
    %dma_start3A_276 = tpu.memref_slice %arg9[%dma_start3A_274, %dma_start3A_275] : memref<32x1024xf32, #tpu.memory_space<vmem>> -> memref<16x1024xf32, #tpu.memory_space<vmem>>
    %dma_start3A_277 = arith.constant 0 : i32
    %dma_start3A_278 = tpu.memref_slice %arg5[%add3A_273, %dma_start3A_277] : memref<8192x1024xf32, #tpu.memory_space<hbm>> -> memref<16x1024xf32, #tpu.memory_space<hbm>>
    %dma_start3A_279 = arith.constant 0 : i32
    %dma_start3A_280 = tpu.memref_slice %arg5[%add3A_273, %dma_start3A_279] : memref<8192x1024xf32, #tpu.memory_space<hbm>> -> memref<16x1024xf32, #tpu.memory_space<hbm>>
    %dma_start3A_281 = arith.constant 16 : i32
    %dma_start3A_282 = arith.constant 0 : i32
    %dma_start3A_283 = tpu.memref_slice %arg9[%dma_start3A_281, %dma_start3A_282] : memref<32x1024xf32, #tpu.memory_space<vmem>> -> memref<16x1024xf32, #tpu.memory_space<vmem>>
    tpu.enqueue_dma source(%dma_start3A_283 : memref<16x1024xf32, #tpu.memory_space<vmem>>) target(%dma_start3A_280 : memref<16x1024xf32, #tpu.memory_space<hbm>>) target_semaphore(%arg15 : memref<!tpu.dma_semaphore, #tpu.memory_space<semaphore_mem>>)
    %mul3A_284 = arith.constant 64 : i32
    %mul3A_285 = arith.muli %add3A, %mul3A_284 : i32
    %add3A_286 = arith.constant 16 : i32
    %add3A_287 = arith.addi %mul3A_285, %add3A_286 : i32
    %dma_start3A_288 = arith.constant 0 : i32
    %dma_start3A_289 = tpu.memref_slice %arg4[%add3A_287, %dma_start3A_288] : memref<2048x1024xf32, #tpu.memory_space<hbm>> -> memref<16x1024xf32, #tpu.memory_space<hbm>>
    %dma_start3A_290 = arith.constant 0 : i32
    %dma_start3A_291 = tpu.memref_slice %arg4[%add3A_287, %dma_start3A_290] : memref<2048x1024xf32, #tpu.memory_space<hbm>> -> memref<16x1024xf32, #tpu.memory_space<hbm>>
    tpu.enqueue_dma source(%dma_start3A_291 : memref<16x1024xf32, #tpu.memory_space<hbm>>) target(%arg7 : memref<16x1024xf32, #tpu.memory_space<vmem>>) target_semaphore(%arg17 : memref<!tpu.dma_semaphore, #tpu.memory_space<semaphore_mem>>)
    %dma_wait3A_292 = arith.constant 0 : i32
    %dma_wait3A_293 = arith.constant 0 : i32
    %dma_wait3A_294 = tpu.memref_slice %arg8[%dma_wait3A_292, %dma_wait3A_293] : memref<32x1024xf32, #tpu.memory_space<vmem>> -> memref<16x1024xf32, #tpu.memory_space<vmem>>
    %dma_wait3A_295 = arith.constant 0 : i32
    %dma_wait3A_296 = tpu.memref_slice %arg5[%add3A_182, %dma_wait3A_295] : memref<8192x1024xf32, #tpu.memory_space<hbm>> -> memref<16x1024xf32, #tpu.memory_space<hbm>>
    %dma_wait3A_297 = arith.constant 0 : i32
    %dma_wait3A_298 = tpu.memref_slice %arg5[%add3A_182, %dma_wait3A_297] : memref<8192x1024xf32, #tpu.memory_space<hbm>> -> memref<16x1024xf32, #tpu.memory_space<hbm>>
    %dma_wait3A_299 = arith.constant 0 : i32
    %dma_wait3A_300 = arith.constant 0 : i32
    %dma_wait3A_301 = tpu.memref_slice %arg8[%dma_wait3A_299, %dma_wait3A_300] : memref<32x1024xf32, #tpu.memory_space<vmem>> -> memref<16x1024xf32, #tpu.memory_space<vmem>>
    tpu.wait_dma2 semaphore(%arg14 : memref<!tpu.dma_semaphore, #tpu.memory_space<semaphore_mem>>) src(%dma_wait3A_301 : memref<16x1024xf32, #tpu.memory_space<vmem>>) dst(%dma_wait3A_298 : memref<16x1024xf32, #tpu.memory_space<hbm>>)
    %dma_wait3A_302 = arith.constant 16 : i32
    %dma_wait3A_303 = arith.constant 0 : i32
    %dma_wait3A_304 = tpu.memref_slice %arg8[%dma_wait3A_302, %dma_wait3A_303] : memref<32x1024xf32, #tpu.memory_space<vmem>> -> memref<16x1024xf32, #tpu.memory_space<vmem>>
    %dma_wait3A_305 = arith.constant 0 : i32
    %dma_wait3A_306 = tpu.memref_slice %arg5[%add3A_198, %dma_wait3A_305] : memref<8192x1024xf32, #tpu.memory_space<hbm>> -> memref<16x1024xf32, #tpu.memory_space<hbm>>
    %dma_wait3A_307 = arith.constant 0 : i32
    %dma_wait3A_308 = tpu.memref_slice %arg5[%add3A_198, %dma_wait3A_307] : memref<8192x1024xf32, #tpu.memory_space<hbm>> -> memref<16x1024xf32, #tpu.memory_space<hbm>>
    %dma_wait3A_309 = arith.constant 16 : i32
    %dma_wait3A_310 = arith.constant 0 : i32
    %dma_wait3A_311 = tpu.memref_slice %arg8[%dma_wait3A_309, %dma_wait3A_310] : memref<32x1024xf32, #tpu.memory_space<vmem>> -> memref<16x1024xf32, #tpu.memory_space<vmem>>
    tpu.wait_dma2 semaphore(%arg14 : memref<!tpu.dma_semaphore, #tpu.memory_space<semaphore_mem>>) src(%dma_wait3A_311 : memref<16x1024xf32, #tpu.memory_space<vmem>>) dst(%dma_wait3A_308 : memref<16x1024xf32, #tpu.memory_space<hbm>>)
    %dma_start3A_312 = arith.constant 2 : i32
    %dma_start3A_313 = arith.constant 0 : i32
    %dma_start3A_314 = arith.constant 0 : i32
    %dma_start3A_315 = tpu.memref_slice %arg8[%dma_start3A_313, %dma_start3A_314] : memref<32x1024xf32, #tpu.memory_space<vmem>> -> memref<16x1024xf32, #tpu.memory_space<vmem>>
    %dma_start3A_316 = arith.constant 16 : i32
    %dma_start3A_317 = tpu.memref_slice %arg6[%dma_start3A_312, %dma_start3A_316] : memref<4x64xi32, #tpu.memory_space<vmem>> -> memref<1x16xi32, #tpu.memory_space<vmem>>
    %dma_start3A_318 = tpu.memref_squeeze %dma_start3A_317 : memref<1x16xi32, #tpu.memory_space<vmem>> -> memref<16xi32, #tpu.memory_space<vmem>>
    %dma_start3A_319 = arith.constant 0 : i32
    %dma_start3A_320 = arith.constant 0 : i32
    %dma_start3A_321 = tpu.memref_slice %arg3[%dma_start3A_319, %dma_start3A_320] : memref<100000x1024xf32, #tpu.memory_space<hbm>> -> memref<100000x1024xf32, #tpu.memory_space<hbm>>
    tpu.enqueue_indirect_dma source(%dma_start3A_321 : memref<100000x1024xf32, #tpu.memory_space<hbm>>) target(%dma_start3A_315 : memref<16x1024xf32, #tpu.memory_space<vmem>>) offsets(%dma_start3A_318 : memref<16xi32, #tpu.memory_space<vmem>>) semaphore(%arg11 : memref<!tpu.dma_semaphore, #tpu.memory_space<semaphore_mem>>)
    %dma_start3A_322 = arith.constant 3 : i32
    %dma_start3A_323 = arith.constant 16 : i32
    %dma_start3A_324 = arith.constant 0 : i32
    %dma_start3A_325 = tpu.memref_slice %arg8[%dma_start3A_323, %dma_start3A_324] : memref<32x1024xf32, #tpu.memory_space<vmem>> -> memref<16x1024xf32, #tpu.memory_space<vmem>>
    %dma_start3A_326 = arith.constant 16 : i32
    %dma_start3A_327 = tpu.memref_slice %arg6[%dma_start3A_322, %dma_start3A_326] : memref<4x64xi32, #tpu.memory_space<vmem>> -> memref<1x16xi32, #tpu.memory_space<vmem>>
    %dma_start3A_328 = tpu.memref_squeeze %dma_start3A_327 : memref<1x16xi32, #tpu.memory_space<vmem>> -> memref<16xi32, #tpu.memory_space<vmem>>
    %dma_start3A_329 = arith.constant 0 : i32
    %dma_start3A_330 = arith.constant 0 : i32
    %dma_start3A_331 = tpu.memref_slice %arg3[%dma_start3A_329, %dma_start3A_330] : memref<100000x1024xf32, #tpu.memory_space<hbm>> -> memref<100000x1024xf32, #tpu.memory_space<hbm>>
    tpu.enqueue_indirect_dma source(%dma_start3A_331 : memref<100000x1024xf32, #tpu.memory_space<hbm>>) target(%dma_start3A_325 : memref<16x1024xf32, #tpu.memory_space<vmem>>) offsets(%dma_start3A_328 : memref<16xi32, #tpu.memory_space<vmem>>) semaphore(%arg11 : memref<!tpu.dma_semaphore, #tpu.memory_space<semaphore_mem>>)
    %dma_wait3A_332 = arith.constant 0 : i32
    %dma_wait3A_333 = arith.constant 0 : i32
    %dma_wait3A_334 = arith.constant 0 : i32
    %dma_wait3A_335 = tpu.memref_slice %arg10[%dma_wait3A_333, %dma_wait3A_334] : memref<32x1024xf32, #tpu.memory_space<vmem>> -> memref<16x1024xf32, #tpu.memory_space<vmem>>
    %dma_wait3A_336 = arith.constant 16 : i32
    %dma_wait3A_337 = tpu.memref_slice %arg6[%dma_wait3A_332, %dma_wait3A_336] : memref<4x64xi32, #tpu.memory_space<vmem>> -> memref<1x16xi32, #tpu.memory_space<vmem>>
    %dma_wait3A_338 = tpu.memref_squeeze %dma_wait3A_337 : memref<1x16xi32, #tpu.memory_space<vmem>> -> memref<16xi32, #tpu.memory_space<vmem>>
    %dma_wait3A_339 = arith.constant 0 : i32
    %dma_wait3A_340 = arith.constant 0 : i32
    %dma_wait3A_341 = tpu.memref_slice %arg3[%dma_wait3A_339, %dma_wait3A_340] : memref<100000x1024xf32, #tpu.memory_space<hbm>> -> memref<100000x1024xf32, #tpu.memory_space<hbm>>
    tpu.wait_indirect_dma semaphore(%arg13 : memref<!tpu.dma_semaphore, #tpu.memory_space<semaphore_mem>>) src(%dma_wait3A_341 : memref<100000x1024xf32, #tpu.memory_space<hbm>>) dst(%dma_wait3A_335 : memref<16x1024xf32, #tpu.memory_space<vmem>>)
    %dma_wait3A_342 = arith.constant 1 : i32
    %dma_wait3A_343 = arith.constant 16 : i32
    %dma_wait3A_344 = arith.constant 0 : i32
    %dma_wait3A_345 = tpu.memref_slice %arg10[%dma_wait3A_343, %dma_wait3A_344] : memref<32x1024xf32, #tpu.memory_space<vmem>> -> memref<16x1024xf32, #tpu.memory_space<vmem>>
    %dma_wait3A_346 = arith.constant 16 : i32
    %dma_wait3A_347 = tpu.memref_slice %arg6[%dma_wait3A_342, %dma_wait3A_346] : memref<4x64xi32, #tpu.memory_space<vmem>> -> memref<1x16xi32, #tpu.memory_space<vmem>>
    %dma_wait3A_348 = tpu.memref_squeeze %dma_wait3A_347 : memref<1x16xi32, #tpu.memory_space<vmem>> -> memref<16xi32, #tpu.memory_space<vmem>>
    %dma_wait3A_349 = arith.constant 0 : i32
    %dma_wait3A_350 = arith.constant 0 : i32
    %dma_wait3A_351 = tpu.memref_slice %arg3[%dma_wait3A_349, %dma_wait3A_350] : memref<100000x1024xf32, #tpu.memory_space<hbm>> -> memref<100000x1024xf32, #tpu.memory_space<hbm>>
    tpu.wait_indirect_dma semaphore(%arg13 : memref<!tpu.dma_semaphore, #tpu.memory_space<semaphore_mem>>) src(%dma_wait3A_351 : memref<100000x1024xf32, #tpu.memory_space<hbm>>) dst(%dma_wait3A_345 : memref<16x1024xf32, #tpu.memory_space<vmem>>)
    %dma_wait3A_352 = arith.constant 0 : i32
    %dma_wait3A_353 = tpu.memref_slice %arg4[%add3A_287, %dma_wait3A_352] : memref<2048x1024xf32, #tpu.memory_space<hbm>> -> memref<16x1024xf32, #tpu.memory_space<hbm>>
    %dma_wait3A_354 = arith.constant 0 : i32
    %dma_wait3A_355 = tpu.memref_slice %arg4[%add3A_287, %dma_wait3A_354] : memref<2048x1024xf32, #tpu.memory_space<hbm>> -> memref<16x1024xf32, #tpu.memory_space<hbm>>
    tpu.wait_dma2 semaphore(%arg17 : memref<!tpu.dma_semaphore, #tpu.memory_space<semaphore_mem>>) src(%dma_wait3A_355 : memref<16x1024xf32, #tpu.memory_space<hbm>>) dst(%arg7 : memref<16x1024xf32, #tpu.memory_space<vmem>>)
    %parallel_loop3A_356 = arith.constant 0 : i32
    %parallel_loop3A_357 = arith.constant 16 : i32
    %parallel_loop3A_358 = arith.constant 1 : i32
    scf.for %parallel_loop3A_910 = %parallel_loop3A_356 to %parallel_loop3A_357 step %parallel_loop3A_358  : i32 {
      %parallel_loop3A_911 = arith.constant 0 : i32
      %parallel_loop3A_912 = arith.constant 1024 : i32
      %parallel_loop3A_913 = arith.constant 16 : i32
      scf.for %parallel_loop3A_914 = %parallel_loop3A_911 to %parallel_loop3A_912 step %parallel_loop3A_913  : i32 {
        %parallel_loop3A_915 = arith.index_cast %parallel_loop3A_910 : i32 to index
        %parallel_loop3A_916 = arith.index_cast %parallel_loop3A_914 : i32 to index
        %parallel_loop3A_917 = tpu.vector_load %arg7[%parallel_loop3A_915, %parallel_loop3A_916] {strides = array<i32>} : memref<16x1024xf32, #tpu.memory_space<vmem>>, vector<1x16xf32>,
        %parallel_loop3A_918 = vector.shape_cast %parallel_loop3A_917 : vector<1x16xf32> to vector<16xf32>
        %parallel_loop3A_919 = arith.index_cast %parallel_loop3A_910 : i32 to index
        %parallel_loop3A_920 = arith.index_cast %parallel_loop3A_914 : i32 to index
        %parallel_loop3A_921 = tpu.vector_load %arg10[%parallel_loop3A_919, %parallel_loop3A_920] {strides = array<i32>} : memref<32x1024xf32, #tpu.memory_space<vmem>>, vector<1x16xf32>,
        %parallel_loop3A_922 = vector.shape_cast %parallel_loop3A_921 : vector<1x16xf32> to vector<16xf32>
        %parallel_loop3A_923 = arith.addf %parallel_loop3A_922, %parallel_loop3A_918 : vector<16xf32>
        %parallel_loop3A_924 = arith.index_cast %parallel_loop3A_910 : i32 to index
        %parallel_loop3A_925 = arith.index_cast %parallel_loop3A_914 : i32 to index
        %parallel_loop3A_926 = tpu.vector_load %arg10[%parallel_loop3A_924, %parallel_loop3A_925] {strides = array<i32>} : memref<32x1024xf32, #tpu.memory_space<vmem>>, vector<1x16xf32>,
        %parallel_loop3A_927 = vector.shape_cast %parallel_loop3A_926 : vector<1x16xf32> to vector<16xf32>
        %parallel_loop3A_928 = vector.shape_cast %parallel_loop3A_923 : vector<16xf32> to vector<1x16xf32>
        tpu.vector_store %arg10[%parallel_loop3A_924, %parallel_loop3A_925], %parallel_loop3A_928 {strides = array<i32>} : memref<32x1024xf32, #tpu.memory_space<vmem>>, vector<1x16xf32>,
        %parallel_loop3A_929 = arith.constant 16 : i32
        %parallel_loop3A_930 = arith.addi %parallel_loop3A_929, %parallel_loop3A_910 : i32
        %parallel_loop3A_931 = arith.index_cast %parallel_loop3A_930 : i32 to index
        %parallel_loop3A_932 = arith.index_cast %parallel_loop3A_914 : i32 to index
        %parallel_loop3A_933 = tpu.vector_load %arg10[%parallel_loop3A_931, %parallel_loop3A_932] {strides = array<i32>} : memref<32x1024xf32, #tpu.memory_space<vmem>>, vector<1x16xf32>,
        %parallel_loop3A_934 = vector.shape_cast %parallel_loop3A_933 : vector<1x16xf32> to vector<16xf32>
        %parallel_loop3A_935 = arith.addf %parallel_loop3A_934, %parallel_loop3A_918 : vector<16xf32>
        %parallel_loop3A_936 = arith.constant 16 : i32
        %parallel_loop3A_937 = arith.addi %parallel_loop3A_936, %parallel_loop3A_910 : i32
        %parallel_loop3A_938 = arith.index_cast %parallel_loop3A_937 : i32 to index
        %parallel_loop3A_939 = arith.index_cast %parallel_loop3A_914 : i32 to index
        %parallel_loop3A_940 = tpu.vector_load %arg10[%parallel_loop3A_938, %parallel_loop3A_939] {strides = array<i32>} : memref<32x1024xf32, #tpu.memory_space<vmem>>, vector<1x16xf32>,
        %parallel_loop3A_941 = vector.shape_cast %parallel_loop3A_940 : vector<1x16xf32> to vector<16xf32>
        %parallel_loop3A_942 = vector.shape_cast %parallel_loop3A_935 : vector<16xf32> to vector<1x16xf32>
        tpu.vector_store %arg10[%parallel_loop3A_938, %parallel_loop3A_939], %parallel_loop3A_942 {strides = array<i32>} : memref<32x1024xf32, #tpu.memory_space<vmem>>, vector<1x16xf32>,
      } {sc.loop_unroll_factor = 4 : i64, sc.parallel_access}
    } {sc.loop_unroll_factor = 1 : i64, sc.parallel_access}
    %mul3A_359 = arith.constant 64 : i32
    %mul3A_360 = arith.muli %add3A, %mul3A_359 : i32
    %add3A_361 = arith.constant 0 : i32
    %add3A_362 = arith.addi %add3A_361, %mul3A_360 : i32
    %add3A_363 = arith.constant 16 : i32
    %add3A_364 = arith.addi %add3A_362, %add3A_363 : i32
    %dma_start3A_365 = arith.constant 0 : i32
    %dma_start3A_366 = arith.constant 0 : i32
    %dma_start3A_367 = tpu.memref_slice %arg10[%dma_start3A_365, %dma_start3A_366] : memref<32x1024xf32, #tpu.memory_space<vmem>> -> memref<16x1024xf32, #tpu.memory_space<vmem>>
    %dma_start3A_368 = arith.constant 0 : i32
    %dma_start3A_369 = tpu.memref_slice %arg5[%add3A_364, %dma_start3A_368] : memref<8192x1024xf32, #tpu.memory_space<hbm>> -> memref<16x1024xf32, #tpu.memory_space<hbm>>
    %dma_start3A_370 = arith.constant 0 : i32
    %dma_start3A_371 = tpu.memref_slice %arg5[%add3A_364, %dma_start3A_370] : memref<8192x1024xf32, #tpu.memory_space<hbm>> -> memref<16x1024xf32, #tpu.memory_space<hbm>>
    %dma_start3A_372 = arith.constant 0 : i32
    %dma_start3A_373 = arith.constant 0 : i32
    %dma_start3A_374 = tpu.memref_slice %arg10[%dma_start3A_372, %dma_start3A_373] : memref<32x1024xf32, #tpu.memory_space<vmem>> -> memref<16x1024xf32, #tpu.memory_space<vmem>>
    tpu.enqueue_dma source(%dma_start3A_374 : memref<16x1024xf32, #tpu.memory_space<vmem>>) target(%dma_start3A_371 : memref<16x1024xf32, #tpu.memory_space<hbm>>) target_semaphore(%arg16 : memref<!tpu.dma_semaphore, #tpu.memory_space<semaphore_mem>>)
    %mul3A_375 = arith.constant 64 : i32
    %mul3A_376 = arith.muli %add3A, %mul3A_375 : i32
    %add3A_377 = arith.constant 2048 : i32
    %add3A_378 = arith.addi %add3A_377, %mul3A_376 : i32
    %add3A_379 = arith.constant 16 : i32
    %add3A_380 = arith.addi %add3A_378, %add3A_379 : i32
    %dma_start3A_381 = arith.constant 16 : i32
    %dma_start3A_382 = arith.constant 0 : i32
    %dma_start3A_383 = tpu.memref_slice %arg10[%dma_start3A_381, %dma_start3A_382] : memref<32x1024xf32, #tpu.memory_space<vmem>> -> memref<16x1024xf32, #tpu.memory_space<vmem>>
    %dma_start3A_384 = arith.constant 0 : i32
    %dma_start3A_385 = tpu.memref_slice %arg5[%add3A_380, %dma_start3A_384] : memref<8192x1024xf32, #tpu.memory_space<hbm>> -> memref<16x1024xf32, #tpu.memory_space<hbm>>
    %dma_start3A_386 = arith.constant 0 : i32
    %dma_start3A_387 = tpu.memref_slice %arg5[%add3A_380, %dma_start3A_386] : memref<8192x1024xf32, #tpu.memory_space<hbm>> -> memref<16x1024xf32, #tpu.memory_space<hbm>>
    %dma_start3A_388 = arith.constant 16 : i32
    %dma_start3A_389 = arith.constant 0 : i32
    %dma_start3A_390 = tpu.memref_slice %arg10[%dma_start3A_388, %dma_start3A_389] : memref<32x1024xf32, #tpu.memory_space<vmem>> -> memref<16x1024xf32, #tpu.memory_space<vmem>>
    tpu.enqueue_dma source(%dma_start3A_390 : memref<16x1024xf32, #tpu.memory_space<vmem>>) target(%dma_start3A_387 : memref<16x1024xf32, #tpu.memory_space<hbm>>) target_semaphore(%arg16 : memref<!tpu.dma_semaphore, #tpu.memory_space<semaphore_mem>>)
    %dma_wait3A_391 = arith.constant 0 : i32
    %dma_wait3A_392 = arith.constant 0 : i32
    %dma_wait3A_393 = tpu.memref_slice %arg9[%dma_wait3A_391, %dma_wait3A_392] : memref<32x1024xf32, #tpu.memory_space<vmem>> -> memref<16x1024xf32, #tpu.memory_space<vmem>>
    %dma_wait3A_394 = arith.constant 0 : i32
    %dma_wait3A_395 = tpu.memref_slice %arg5[%add3A_257, %dma_wait3A_394] : memref<8192x1024xf32, #tpu.memory_space<hbm>> -> memref<16x1024xf32, #tpu.memory_space<hbm>>
    %dma_wait3A_396 = arith.constant 0 : i32
    %dma_wait3A_397 = tpu.memref_slice %arg5[%add3A_257, %dma_wait3A_396] : memref<8192x1024xf32, #tpu.memory_space<hbm>> -> memref<16x1024xf32, #tpu.memory_space<hbm>>
    %dma_wait3A_398 = arith.constant 0 : i32
    %dma_wait3A_399 = arith.constant 0 : i32
    %dma_wait3A_400 = tpu.memref_slice %arg9[%dma_wait3A_398, %dma_wait3A_399] : memref<32x1024xf32, #tpu.memory_space<vmem>> -> memref<16x1024xf32, #tpu.memory_space<vmem>>
    tpu.wait_dma2 semaphore(%arg15 : memref<!tpu.dma_semaphore, #tpu.memory_space<semaphore_mem>>) src(%dma_wait3A_400 : memref<16x1024xf32, #tpu.memory_space<vmem>>) dst(%dma_wait3A_397 : memref<16x1024xf32, #tpu.memory_space<hbm>>)
    %dma_wait3A_401 = arith.constant 16 : i32
    %dma_wait3A_402 = arith.constant 0 : i32
    %dma_wait3A_403 = tpu.memref_slice %arg9[%dma_wait3A_401, %dma_wait3A_402] : memref<32x1024xf32, #tpu.memory_space<vmem>> -> memref<16x1024xf32, #tpu.memory_space<vmem>>
    %dma_wait3A_404 = arith.constant 0 : i32
    %dma_wait3A_405 = tpu.memref_slice %arg5[%add3A_273, %dma_wait3A_404] : memref<8192x1024xf32, #tpu.memory_space<hbm>> -> memref<16x1024xf32, #tpu.memory_space<hbm>>
    %dma_wait3A_406 = arith.constant 0 : i32
    %dma_wait3A_407 = tpu.memref_slice %arg5[%add3A_273, %dma_wait3A_406] : memref<8192x1024xf32, #tpu.memory_space<hbm>> -> memref<16x1024xf32, #tpu.memory_space<hbm>>
    %dma_wait3A_408 = arith.constant 16 : i32
    %dma_wait3A_409 = arith.constant 0 : i32
    %dma_wait3A_410 = tpu.memref_slice %arg9[%dma_wait3A_408, %dma_wait3A_409] : memref<32x1024xf32, #tpu.memory_space<vmem>> -> memref<16x1024xf32, #tpu.memory_space<vmem>>
    tpu.wait_dma2 semaphore(%arg15 : memref<!tpu.dma_semaphore, #tpu.memory_space<semaphore_mem>>) src(%dma_wait3A_410 : memref<16x1024xf32, #tpu.memory_space<vmem>>) dst(%dma_wait3A_407 : memref<16x1024xf32, #tpu.memory_space<hbm>>)
    %dma_start3A_411 = arith.constant 0 : i32
    %dma_start3A_412 = arith.constant 0 : i32
    %dma_start3A_413 = arith.constant 0 : i32
    %dma_start3A_414 = tpu.memref_slice %arg9[%dma_start3A_412, %dma_start3A_413] : memref<32x1024xf32, #tpu.memory_space<vmem>> -> memref<16x1024xf32, #tpu.memory_space<vmem>>
    %dma_start3A_415 = arith.constant 32 : i32
    %dma_start3A_416 = tpu.memref_slice %arg6[%dma_start3A_411, %dma_start3A_415] : memref<4x64xi32, #tpu.memory_space<vmem>> -> memref<1x16xi32, #tpu.memory_space<vmem>>
    %dma_start3A_417 = tpu.memref_squeeze %dma_start3A_416 : memref<1x16xi32, #tpu.memory_space<vmem>> -> memref<16xi32, #tpu.memory_space<vmem>>
    %dma_start3A_418 = arith.constant 0 : i32
    %dma_start3A_419 = arith.constant 0 : i32
    %dma_start3A_420 = tpu.memref_slice %arg3[%dma_start3A_418, %dma_start3A_419] : memref<100000x1024xf32, #tpu.memory_space<hbm>> -> memref<100000x1024xf32, #tpu.memory_space<hbm>>
    tpu.enqueue_indirect_dma source(%dma_start3A_420 : memref<100000x1024xf32, #tpu.memory_space<hbm>>) target(%dma_start3A_414 : memref<16x1024xf32, #tpu.memory_space<vmem>>) offsets(%dma_start3A_417 : memref<16xi32, #tpu.memory_space<vmem>>) semaphore(%arg12 : memref<!tpu.dma_semaphore, #tpu.memory_space<semaphore_mem>>)
    %dma_start3A_421 = arith.constant 1 : i32
    %dma_start3A_422 = arith.constant 16 : i32
    %dma_start3A_423 = arith.constant 0 : i32
    %dma_start3A_424 = tpu.memref_slice %arg9[%dma_start3A_422, %dma_start3A_423] : memref<32x1024xf32, #tpu.memory_space<vmem>> -> memref<16x1024xf32, #tpu.memory_space<vmem>>
    %dma_start3A_425 = arith.constant 32 : i32
    %dma_start3A_426 = tpu.memref_slice %arg6[%dma_start3A_421, %dma_start3A_425] : memref<4x64xi32, #tpu.memory_space<vmem>> -> memref<1x16xi32, #tpu.memory_space<vmem>>
    %dma_start3A_427 = tpu.memref_squeeze %dma_start3A_426 : memref<1x16xi32, #tpu.memory_space<vmem>> -> memref<16xi32, #tpu.memory_space<vmem>>
    %dma_start3A_428 = arith.constant 0 : i32
    %dma_start3A_429 = arith.constant 0 : i32
    %dma_start3A_430 = tpu.memref_slice %arg3[%dma_start3A_428, %dma_start3A_429] : memref<100000x1024xf32, #tpu.memory_space<hbm>> -> memref<100000x1024xf32, #tpu.memory_space<hbm>>
    tpu.enqueue_indirect_dma source(%dma_start3A_430 : memref<100000x1024xf32, #tpu.memory_space<hbm>>) target(%dma_start3A_424 : memref<16x1024xf32, #tpu.memory_space<vmem>>) offsets(%dma_start3A_427 : memref<16xi32, #tpu.memory_space<vmem>>) semaphore(%arg12 : memref<!tpu.dma_semaphore, #tpu.memory_space<semaphore_mem>>)
    %dma_wait3A_431 = arith.constant 2 : i32
    %dma_wait3A_432 = arith.constant 0 : i32
    %dma_wait3A_433 = arith.constant 0 : i32
    %dma_wait3A_434 = tpu.memref_slice %arg8[%dma_wait3A_432, %dma_wait3A_433] : memref<32x1024xf32, #tpu.memory_space<vmem>> -> memref<16x1024xf32, #tpu.memory_space<vmem>>
    %dma_wait3A_435 = arith.constant 16 : i32
    %dma_wait3A_436 = tpu.memref_slice %arg6[%dma_wait3A_431, %dma_wait3A_435] : memref<4x64xi32, #tpu.memory_space<vmem>> -> memref<1x16xi32, #tpu.memory_space<vmem>>
    %dma_wait3A_437 = tpu.memref_squeeze %dma_wait3A_436 : memref<1x16xi32, #tpu.memory_space<vmem>> -> memref<16xi32, #tpu.memory_space<vmem>>
    %dma_wait3A_438 = arith.constant 0 : i32
    %dma_wait3A_439 = arith.constant 0 : i32
    %dma_wait3A_440 = tpu.memref_slice %arg3[%dma_wait3A_438, %dma_wait3A_439] : memref<100000x1024xf32, #tpu.memory_space<hbm>> -> memref<100000x1024xf32, #tpu.memory_space<hbm>>
    tpu.wait_indirect_dma semaphore(%arg11 : memref<!tpu.dma_semaphore, #tpu.memory_space<semaphore_mem>>) src(%dma_wait3A_440 : memref<100000x1024xf32, #tpu.memory_space<hbm>>) dst(%dma_wait3A_434 : memref<16x1024xf32, #tpu.memory_space<vmem>>)
    %dma_wait3A_441 = arith.constant 3 : i32
    %dma_wait3A_442 = arith.constant 16 : i32
    %dma_wait3A_443 = arith.constant 0 : i32
    %dma_wait3A_444 = tpu.memref_slice %arg8[%dma_wait3A_442, %dma_wait3A_443] : memref<32x1024xf32, #tpu.memory_space<vmem>> -> memref<16x1024xf32, #tpu.memory_space<vmem>>
    %dma_wait3A_445 = arith.constant 16 : i32
    %dma_wait3A_446 = tpu.memref_slice %arg6[%dma_wait3A_441, %dma_wait3A_445] : memref<4x64xi32, #tpu.memory_space<vmem>> -> memref<1x16xi32, #tpu.memory_space<vmem>>
    %dma_wait3A_447 = tpu.memref_squeeze %dma_wait3A_446 : memref<1x16xi32, #tpu.memory_space<vmem>> -> memref<16xi32, #tpu.memory_space<vmem>>
    %dma_wait3A_448 = arith.constant 0 : i32
    %dma_wait3A_449 = arith.constant 0 : i32
    %dma_wait3A_450 = tpu.memref_slice %arg3[%dma_wait3A_448, %dma_wait3A_449] : memref<100000x1024xf32, #tpu.memory_space<hbm>> -> memref<100000x1024xf32, #tpu.memory_space<hbm>>
    tpu.wait_indirect_dma semaphore(%arg11 : memref<!tpu.dma_semaphore, #tpu.memory_space<semaphore_mem>>) src(%dma_wait3A_450 : memref<100000x1024xf32, #tpu.memory_space<hbm>>) dst(%dma_wait3A_444 : memref<16x1024xf32, #tpu.memory_space<vmem>>)
    %parallel_loop3A_451 = arith.constant 0 : i32
    %parallel_loop3A_452 = arith.constant 16 : i32
    %parallel_loop3A_453 = arith.constant 1 : i32
    scf.for %parallel_loop3A_910 = %parallel_loop3A_451 to %parallel_loop3A_452 step %parallel_loop3A_453  : i32 {
      %parallel_loop3A_911 = arith.constant 0 : i32
      %parallel_loop3A_912 = arith.constant 1024 : i32
      %parallel_loop3A_913 = arith.constant 16 : i32
      scf.for %parallel_loop3A_914 = %parallel_loop3A_911 to %parallel_loop3A_912 step %parallel_loop3A_913  : i32 {
        %parallel_loop3A_915 = arith.index_cast %parallel_loop3A_910 : i32 to index
        %parallel_loop3A_916 = arith.index_cast %parallel_loop3A_914 : i32 to index
        %parallel_loop3A_917 = tpu.vector_load %arg7[%parallel_loop3A_915, %parallel_loop3A_916] {strides = array<i32>} : memref<16x1024xf32, #tpu.memory_space<vmem>>, vector<1x16xf32>,
        %parallel_loop3A_918 = vector.shape_cast %parallel_loop3A_917 : vector<1x16xf32> to vector<16xf32>
        %parallel_loop3A_919 = arith.index_cast %parallel_loop3A_910 : i32 to index
        %parallel_loop3A_920 = arith.index_cast %parallel_loop3A_914 : i32 to index
        %parallel_loop3A_921 = tpu.vector_load %arg8[%parallel_loop3A_919, %parallel_loop3A_920] {strides = array<i32>} : memref<32x1024xf32, #tpu.memory_space<vmem>>, vector<1x16xf32>,
        %parallel_loop3A_922 = vector.shape_cast %parallel_loop3A_921 : vector<1x16xf32> to vector<16xf32>
        %parallel_loop3A_923 = arith.addf %parallel_loop3A_922, %parallel_loop3A_918 : vector<16xf32>
        %parallel_loop3A_924 = arith.index_cast %parallel_loop3A_910 : i32 to index
        %parallel_loop3A_925 = arith.index_cast %parallel_loop3A_914 : i32 to index
        %parallel_loop3A_926 = tpu.vector_load %arg8[%parallel_loop3A_924, %parallel_loop3A_925] {strides = array<i32>} : memref<32x1024xf32, #tpu.memory_space<vmem>>, vector<1x16xf32>,
        %parallel_loop3A_927 = vector.shape_cast %parallel_loop3A_926 : vector<1x16xf32> to vector<16xf32>
        %parallel_loop3A_928 = vector.shape_cast %parallel_loop3A_923 : vector<16xf32> to vector<1x16xf32>
        tpu.vector_store %arg8[%parallel_loop3A_924, %parallel_loop3A_925], %parallel_loop3A_928 {strides = array<i32>} : memref<32x1024xf32, #tpu.memory_space<vmem>>, vector<1x16xf32>,
        %parallel_loop3A_929 = arith.constant 16 : i32
        %parallel_loop3A_930 = arith.addi %parallel_loop3A_929, %parallel_loop3A_910 : i32
        %parallel_loop3A_931 = arith.index_cast %parallel_loop3A_930 : i32 to index
        %parallel_loop3A_932 = arith.index_cast %parallel_loop3A_914 : i32 to index
        %parallel_loop3A_933 = tpu.vector_load %arg8[%parallel_loop3A_931, %parallel_loop3A_932] {strides = array<i32>} : memref<32x1024xf32, #tpu.memory_space<vmem>>, vector<1x16xf32>,
        %parallel_loop3A_934 = vector.shape_cast %parallel_loop3A_933 : vector<1x16xf32> to vector<16xf32>
        %parallel_loop3A_935 = arith.addf %parallel_loop3A_934, %parallel_loop3A_918 : vector<16xf32>
        %parallel_loop3A_936 = arith.constant 16 : i32
        %parallel_loop3A_937 = arith.addi %parallel_loop3A_936, %parallel_loop3A_910 : i32
        %parallel_loop3A_938 = arith.index_cast %parallel_loop3A_937 : i32 to index
        %parallel_loop3A_939 = arith.index_cast %parallel_loop3A_914 : i32 to index
        %parallel_loop3A_940 = tpu.vector_load %arg8[%parallel_loop3A_938, %parallel_loop3A_939] {strides = array<i32>} : memref<32x1024xf32, #tpu.memory_space<vmem>>, vector<1x16xf32>,
        %parallel_loop3A_941 = vector.shape_cast %parallel_loop3A_940 : vector<1x16xf32> to vector<16xf32>
        %parallel_loop3A_942 = vector.shape_cast %parallel_loop3A_935 : vector<16xf32> to vector<1x16xf32>
        tpu.vector_store %arg8[%parallel_loop3A_938, %parallel_loop3A_939], %parallel_loop3A_942 {strides = array<i32>} : memref<32x1024xf32, #tpu.memory_space<vmem>>, vector<1x16xf32>,
      } {sc.loop_unroll_factor = 4 : i64, sc.parallel_access}
    } {sc.loop_unroll_factor = 1 : i64, sc.parallel_access}
    %mul3A_454 = arith.constant 64 : i32
    %mul3A_455 = arith.muli %add3A, %mul3A_454 : i32
    %add3A_456 = arith.constant 4096 : i32
    %add3A_457 = arith.addi %add3A_456, %mul3A_455 : i32
    %add3A_458 = arith.constant 16 : i32
    %add3A_459 = arith.addi %add3A_457, %add3A_458 : i32
    %dma_start3A_460 = arith.constant 0 : i32
    %dma_start3A_461 = arith.constant 0 : i32
    %dma_start3A_462 = tpu.memref_slice %arg8[%dma_start3A_460, %dma_start3A_461] : memref<32x1024xf32, #tpu.memory_space<vmem>> -> memref<16x1024xf32, #tpu.memory_space<vmem>>
    %dma_start3A_463 = arith.constant 0 : i32
    %dma_start3A_464 = tpu.memref_slice %arg5[%add3A_459, %dma_start3A_463] : memref<8192x1024xf32, #tpu.memory_space<hbm>> -> memref<16x1024xf32, #tpu.memory_space<hbm>>
    %dma_start3A_465 = arith.constant 0 : i32
    %dma_start3A_466 = tpu.memref_slice %arg5[%add3A_459, %dma_start3A_465] : memref<8192x1024xf32, #tpu.memory_space<hbm>> -> memref<16x1024xf32, #tpu.memory_space<hbm>>
    %dma_start3A_467 = arith.constant 0 : i32
    %dma_start3A_468 = arith.constant 0 : i32
    %dma_start3A_469 = tpu.memref_slice %arg8[%dma_start3A_467, %dma_start3A_468] : memref<32x1024xf32, #tpu.memory_space<vmem>> -> memref<16x1024xf32, #tpu.memory_space<vmem>>
    tpu.enqueue_dma source(%dma_start3A_469 : memref<16x1024xf32, #tpu.memory_space<vmem>>) target(%dma_start3A_466 : memref<16x1024xf32, #tpu.memory_space<hbm>>) target_semaphore(%arg14 : memref<!tpu.dma_semaphore, #tpu.memory_space<semaphore_mem>>)
    %mul3A_470 = arith.constant 64 : i32
    %mul3A_471 = arith.muli %add3A, %mul3A_470 : i32
    %add3A_472 = arith.constant 6144 : i32
    %add3A_473 = arith.addi %add3A_472, %mul3A_471 : i32
    %add3A_474 = arith.constant 16 : i32
    %add3A_475 = arith.addi %add3A_473, %add3A_474 : i32
    %dma_start3A_476 = arith.constant 16 : i32
    %dma_start3A_477 = arith.constant 0 : i32
    %dma_start3A_478 = tpu.memref_slice %arg8[%dma_start3A_476, %dma_start3A_477] : memref<32x1024xf32, #tpu.memory_space<vmem>> -> memref<16x1024xf32, #tpu.memory_space<vmem>>
    %dma_start3A_479 = arith.constant 0 : i32
    %dma_start3A_480 = tpu.memref_slice %arg5[%add3A_475, %dma_start3A_479] : memref<8192x1024xf32, #tpu.memory_space<hbm>> -> memref<16x1024xf32, #tpu.memory_space<hbm>>
    %dma_start3A_481 = arith.constant 0 : i32
    %dma_start3A_482 = tpu.memref_slice %arg5[%add3A_475, %dma_start3A_481] : memref<8192x1024xf32, #tpu.memory_space<hbm>> -> memref<16x1024xf32, #tpu.memory_space<hbm>>
    %dma_start3A_483 = arith.constant 16 : i32
    %dma_start3A_484 = arith.constant 0 : i32
    %dma_start3A_485 = tpu.memref_slice %arg8[%dma_start3A_483, %dma_start3A_484] : memref<32x1024xf32, #tpu.memory_space<vmem>> -> memref<16x1024xf32, #tpu.memory_space<vmem>>
    tpu.enqueue_dma source(%dma_start3A_485 : memref<16x1024xf32, #tpu.memory_space<vmem>>) target(%dma_start3A_482 : memref<16x1024xf32, #tpu.memory_space<hbm>>) target_semaphore(%arg14 : memref<!tpu.dma_semaphore, #tpu.memory_space<semaphore_mem>>)
    %mul3A_486 = arith.constant 64 : i32
    %mul3A_487 = arith.muli %add3A, %mul3A_486 : i32
    %add3A_488 = arith.constant 32 : i32
    %add3A_489 = arith.addi %mul3A_487, %add3A_488 : i32
    %dma_start3A_490 = arith.constant 0 : i32
    %dma_start3A_491 = tpu.memref_slice %arg4[%add3A_489, %dma_start3A_490] : memref<2048x1024xf32, #tpu.memory_space<hbm>> -> memref<16x1024xf32, #tpu.memory_space<hbm>>
    %dma_start3A_492 = arith.constant 0 : i32
    %dma_start3A_493 = tpu.memref_slice %arg4[%add3A_489, %dma_start3A_492] : memref<2048x1024xf32, #tpu.memory_space<hbm>> -> memref<16x1024xf32, #tpu.memory_space<hbm>>
    tpu.enqueue_dma source(%dma_start3A_493 : memref<16x1024xf32, #tpu.memory_space<hbm>>) target(%arg7 : memref<16x1024xf32, #tpu.memory_space<vmem>>) target_semaphore(%arg17 : memref<!tpu.dma_semaphore, #tpu.memory_space<semaphore_mem>>)
    %dma_wait3A_494 = arith.constant 0 : i32
    %dma_wait3A_495 = arith.constant 0 : i32
    %dma_wait3A_496 = tpu.memref_slice %arg10[%dma_wait3A_494, %dma_wait3A_495] : memref<32x1024xf32, #tpu.memory_space<vmem>> -> memref<16x1024xf32, #tpu.memory_space<vmem>>
    %dma_wait3A_497 = arith.constant 0 : i32
    %dma_wait3A_498 = tpu.memref_slice %arg5[%add3A_364, %dma_wait3A_497] : memref<8192x1024xf32, #tpu.memory_space<hbm>> -> memref<16x1024xf32, #tpu.memory_space<hbm>>
    %dma_wait3A_499 = arith.constant 0 : i32
    %dma_wait3A_500 = tpu.memref_slice %arg5[%add3A_364, %dma_wait3A_499] : memref<8192x1024xf32, #tpu.memory_space<hbm>> -> memref<16x1024xf32, #tpu.memory_space<hbm>>
    %dma_wait3A_501 = arith.constant 0 : i32
    %dma_wait3A_502 = arith.constant 0 : i32
    %dma_wait3A_503 = tpu.memref_slice %arg10[%dma_wait3A_501, %dma_wait3A_502] : memref<32x1024xf32, #tpu.memory_space<vmem>> -> memref<16x1024xf32, #tpu.memory_space<vmem>>
    tpu.wait_dma2 semaphore(%arg16 : memref<!tpu.dma_semaphore, #tpu.memory_space<semaphore_mem>>) src(%dma_wait3A_503 : memref<16x1024xf32, #tpu.memory_space<vmem>>) dst(%dma_wait3A_500 : memref<16x1024xf32, #tpu.memory_space<hbm>>)
    %dma_wait3A_504 = arith.constant 16 : i32
    %dma_wait3A_505 = arith.constant 0 : i32
    %dma_wait3A_506 = tpu.memref_slice %arg10[%dma_wait3A_504, %dma_wait3A_505] : memref<32x1024xf32, #tpu.memory_space<vmem>> -> memref<16x1024xf32, #tpu.memory_space<vmem>>
    %dma_wait3A_507 = arith.constant 0 : i32
    %dma_wait3A_508 = tpu.memref_slice %arg5[%add3A_380, %dma_wait3A_507] : memref<8192x1024xf32, #tpu.memory_space<hbm>> -> memref<16x1024xf32, #tpu.memory_space<hbm>>
    %dma_wait3A_509 = arith.constant 0 : i32
    %dma_wait3A_510 = tpu.memref_slice %arg5[%add3A_380, %dma_wait3A_509] : memref<8192x1024xf32, #tpu.memory_space<hbm>> -> memref<16x1024xf32, #tpu.memory_space<hbm>>
    %dma_wait3A_511 = arith.constant 16 : i32
    %dma_wait3A_512 = arith.constant 0 : i32
    %dma_wait3A_513 = tpu.memref_slice %arg10[%dma_wait3A_511, %dma_wait3A_512] : memref<32x1024xf32, #tpu.memory_space<vmem>> -> memref<16x1024xf32, #tpu.memory_space<vmem>>
    tpu.wait_dma2 semaphore(%arg16 : memref<!tpu.dma_semaphore, #tpu.memory_space<semaphore_mem>>) src(%dma_wait3A_513 : memref<16x1024xf32, #tpu.memory_space<vmem>>) dst(%dma_wait3A_510 : memref<16x1024xf32, #tpu.memory_space<hbm>>)
    %dma_start3A_514 = arith.constant 2 : i32
    %dma_start3A_515 = arith.constant 0 : i32
    %dma_start3A_516 = arith.constant 0 : i32
    %dma_start3A_517 = tpu.memref_slice %arg10[%dma_start3A_515, %dma_start3A_516] : memref<32x1024xf32, #tpu.memory_space<vmem>> -> memref<16x1024xf32, #tpu.memory_space<vmem>>
    %dma_start3A_518 = arith.constant 32 : i32
    %dma_start3A_519 = tpu.memref_slice %arg6[%dma_start3A_514, %dma_start3A_518] : memref<4x64xi32, #tpu.memory_space<vmem>> -> memref<1x16xi32, #tpu.memory_space<vmem>>
    %dma_start3A_520 = tpu.memref_squeeze %dma_start3A_519 : memref<1x16xi32, #tpu.memory_space<vmem>> -> memref<16xi32, #tpu.memory_space<vmem>>
    %dma_start3A_521 = arith.constant 0 : i32
    %dma_start3A_522 = arith.constant 0 : i32
    %dma_start3A_523 = tpu.memref_slice %arg3[%dma_start3A_521, %dma_start3A_522] : memref<100000x1024xf32, #tpu.memory_space<hbm>> -> memref<100000x1024xf32, #tpu.memory_space<hbm>>
    tpu.enqueue_indirect_dma source(%dma_start3A_523 : memref<100000x1024xf32, #tpu.memory_space<hbm>>) target(%dma_start3A_517 : memref<16x1024xf32, #tpu.memory_space<vmem>>) offsets(%dma_start3A_520 : memref<16xi32, #tpu.memory_space<vmem>>) semaphore(%arg13 : memref<!tpu.dma_semaphore, #tpu.memory_space<semaphore_mem>>)
    %dma_start3A_524 = arith.constant 3 : i32
    %dma_start3A_525 = arith.constant 16 : i32
    %dma_start3A_526 = arith.constant 0 : i32
    %dma_start3A_527 = tpu.memref_slice %arg10[%dma_start3A_525, %dma_start3A_526] : memref<32x1024xf32, #tpu.memory_space<vmem>> -> memref<16x1024xf32, #tpu.memory_space<vmem>>
    %dma_start3A_528 = arith.constant 32 : i32
    %dma_start3A_529 = tpu.memref_slice %arg6[%dma_start3A_524, %dma_start3A_528] : memref<4x64xi32, #tpu.memory_space<vmem>> -> memref<1x16xi32, #tpu.memory_space<vmem>>
    %dma_start3A_530 = tpu.memref_squeeze %dma_start3A_529 : memref<1x16xi32, #tpu.memory_space<vmem>> -> memref<16xi32, #tpu.memory_space<vmem>>
    %dma_start3A_531 = arith.constant 0 : i32
    %dma_start3A_532 = arith.constant 0 : i32
    %dma_start3A_533 = tpu.memref_slice %arg3[%dma_start3A_531, %dma_start3A_532] : memref<100000x1024xf32, #tpu.memory_space<hbm>> -> memref<100000x1024xf32, #tpu.memory_space<hbm>>
    tpu.enqueue_indirect_dma source(%dma_start3A_533 : memref<100000x1024xf32, #tpu.memory_space<hbm>>) target(%dma_start3A_527 : memref<16x1024xf32, #tpu.memory_space<vmem>>) offsets(%dma_start3A_530 : memref<16xi32, #tpu.memory_space<vmem>>) semaphore(%arg13 : memref<!tpu.dma_semaphore, #tpu.memory_space<semaphore_mem>>)
    %dma_wait3A_534 = arith.constant 0 : i32
    %dma_wait3A_535 = arith.constant 0 : i32
    %dma_wait3A_536 = arith.constant 0 : i32
    %dma_wait3A_537 = tpu.memref_slice %arg9[%dma_wait3A_535, %dma_wait3A_536] : memref<32x1024xf32, #tpu.memory_space<vmem>> -> memref<16x1024xf32, #tpu.memory_space<vmem>>
    %dma_wait3A_538 = arith.constant 32 : i32
    %dma_wait3A_539 = tpu.memref_slice %arg6[%dma_wait3A_534, %dma_wait3A_538] : memref<4x64xi32, #tpu.memory_space<vmem>> -> memref<1x16xi32, #tpu.memory_space<vmem>>
    %dma_wait3A_540 = tpu.memref_squeeze %dma_wait3A_539 : memref<1x16xi32, #tpu.memory_space<vmem>> -> memref<16xi32, #tpu.memory_space<vmem>>
    %dma_wait3A_541 = arith.constant 0 : i32
    %dma_wait3A_542 = arith.constant 0 : i32
    %dma_wait3A_543 = tpu.memref_slice %arg3[%dma_wait3A_541, %dma_wait3A_542] : memref<100000x1024xf32, #tpu.memory_space<hbm>> -> memref<100000x1024xf32, #tpu.memory_space<hbm>>
    tpu.wait_indirect_dma semaphore(%arg12 : memref<!tpu.dma_semaphore, #tpu.memory_space<semaphore_mem>>) src(%dma_wait3A_543 : memref<100000x1024xf32, #tpu.memory_space<hbm>>) dst(%dma_wait3A_537 : memref<16x1024xf32, #tpu.memory_space<vmem>>)
    %dma_wait3A_544 = arith.constant 1 : i32
    %dma_wait3A_545 = arith.constant 16 : i32
    %dma_wait3A_546 = arith.constant 0 : i32
    %dma_wait3A_547 = tpu.memref_slice %arg9[%dma_wait3A_545, %dma_wait3A_546] : memref<32x1024xf32, #tpu.memory_space<vmem>> -> memref<16x1024xf32, #tpu.memory_space<vmem>>
    %dma_wait3A_548 = arith.constant 32 : i32
    %dma_wait3A_549 = tpu.memref_slice %arg6[%dma_wait3A_544, %dma_wait3A_548] : memref<4x64xi32, #tpu.memory_space<vmem>> -> memref<1x16xi32, #tpu.memory_space<vmem>>
    %dma_wait3A_550 = tpu.memref_squeeze %dma_wait3A_549 : memref<1x16xi32, #tpu.memory_space<vmem>> -> memref<16xi32, #tpu.memory_space<vmem>>
    %dma_wait3A_551 = arith.constant 0 : i32
    %dma_wait3A_552 = arith.constant 0 : i32
    %dma_wait3A_553 = tpu.memref_slice %arg3[%dma_wait3A_551, %dma_wait3A_552] : memref<100000x1024xf32, #tpu.memory_space<hbm>> -> memref<100000x1024xf32, #tpu.memory_space<hbm>>
    tpu.wait_indirect_dma semaphore(%arg12 : memref<!tpu.dma_semaphore, #tpu.memory_space<semaphore_mem>>) src(%dma_wait3A_553 : memref<100000x1024xf32, #tpu.memory_space<hbm>>) dst(%dma_wait3A_547 : memref<16x1024xf32, #tpu.memory_space<vmem>>)
    %dma_wait3A_554 = arith.constant 0 : i32
    %dma_wait3A_555 = tpu.memref_slice %arg4[%add3A_489, %dma_wait3A_554] : memref<2048x1024xf32, #tpu.memory_space<hbm>> -> memref<16x1024xf32, #tpu.memory_space<hbm>>
    %dma_wait3A_556 = arith.constant 0 : i32
    %dma_wait3A_557 = tpu.memref_slice %arg4[%add3A_489, %dma_wait3A_556] : memref<2048x1024xf32, #tpu.memory_space<hbm>> -> memref<16x1024xf32, #tpu.memory_space<hbm>>
    tpu.wait_dma2 semaphore(%arg17 : memref<!tpu.dma_semaphore, #tpu.memory_space<semaphore_mem>>) src(%dma_wait3A_557 : memref<16x1024xf32, #tpu.memory_space<hbm>>) dst(%arg7 : memref<16x1024xf32, #tpu.memory_space<vmem>>)
    %parallel_loop3A_558 = arith.constant 0 : i32
    %parallel_loop3A_559 = arith.constant 16 : i32
    %parallel_loop3A_560 = arith.constant 1 : i32
    scf.for %parallel_loop3A_910 = %parallel_loop3A_558 to %parallel_loop3A_559 step %parallel_loop3A_560  : i32 {
      %parallel_loop3A_911 = arith.constant 0 : i32
      %parallel_loop3A_912 = arith.constant 1024 : i32
      %parallel_loop3A_913 = arith.constant 16 : i32
      scf.for %parallel_loop3A_914 = %parallel_loop3A_911 to %parallel_loop3A_912 step %parallel_loop3A_913  : i32 {
        %parallel_loop3A_915 = arith.index_cast %parallel_loop3A_910 : i32 to index
        %parallel_loop3A_916 = arith.index_cast %parallel_loop3A_914 : i32 to index
        %parallel_loop3A_917 = tpu.vector_load %arg7[%parallel_loop3A_915, %parallel_loop3A_916] {strides = array<i32>} : memref<16x1024xf32, #tpu.memory_space<vmem>>, vector<1x16xf32>,
        %parallel_loop3A_918 = vector.shape_cast %parallel_loop3A_917 : vector<1x16xf32> to vector<16xf32>
        %parallel_loop3A_919 = arith.index_cast %parallel_loop3A_910 : i32 to index
        %parallel_loop3A_920 = arith.index_cast %parallel_loop3A_914 : i32 to index
        %parallel_loop3A_921 = tpu.vector_load %arg9[%parallel_loop3A_919, %parallel_loop3A_920] {strides = array<i32>} : memref<32x1024xf32, #tpu.memory_space<vmem>>, vector<1x16xf32>,
        %parallel_loop3A_922 = vector.shape_cast %parallel_loop3A_921 : vector<1x16xf32> to vector<16xf32>
        %parallel_loop3A_923 = arith.addf %parallel_loop3A_922, %parallel_loop3A_918 : vector<16xf32>
        %parallel_loop3A_924 = arith.index_cast %parallel_loop3A_910 : i32 to index
        %parallel_loop3A_925 = arith.index_cast %parallel_loop3A_914 : i32 to index
        %parallel_loop3A_926 = tpu.vector_load %arg9[%parallel_loop3A_924, %parallel_loop3A_925] {strides = array<i32>} : memref<32x1024xf32, #tpu.memory_space<vmem>>, vector<1x16xf32>,
        %parallel_loop3A_927 = vector.shape_cast %parallel_loop3A_926 : vector<1x16xf32> to vector<16xf32>
        %parallel_loop3A_928 = vector.shape_cast %parallel_loop3A_923 : vector<16xf32> to vector<1x16xf32>
        tpu.vector_store %arg9[%parallel_loop3A_924, %parallel_loop3A_925], %parallel_loop3A_928 {strides = array<i32>} : memref<32x1024xf32, #tpu.memory_space<vmem>>, vector<1x16xf32>,
        %parallel_loop3A_929 = arith.constant 16 : i32
        %parallel_loop3A_930 = arith.addi %parallel_loop3A_929, %parallel_loop3A_910 : i32
        %parallel_loop3A_931 = arith.index_cast %parallel_loop3A_930 : i32 to index
        %parallel_loop3A_932 = arith.index_cast %parallel_loop3A_914 : i32 to index
        %parallel_loop3A_933 = tpu.vector_load %arg9[%parallel_loop3A_931, %parallel_loop3A_932] {strides = array<i32>} : memref<32x1024xf32, #tpu.memory_space<vmem>>, vector<1x16xf32>,
        %parallel_loop3A_934 = vector.shape_cast %parallel_loop3A_933 : vector<1x16xf32> to vector<16xf32>
        %parallel_loop3A_935 = arith.addf %parallel_loop3A_934, %parallel_loop3A_918 : vector<16xf32>
        %parallel_loop3A_936 = arith.constant 16 : i32
        %parallel_loop3A_937 = arith.addi %parallel_loop3A_936, %parallel_loop3A_910 : i32
        %parallel_loop3A_938 = arith.index_cast %parallel_loop3A_937 : i32 to index
        %parallel_loop3A_939 = arith.index_cast %parallel_loop3A_914 : i32 to index
        %parallel_loop3A_940 = tpu.vector_load %arg9[%parallel_loop3A_938, %parallel_loop3A_939] {strides = array<i32>} : memref<32x1024xf32, #tpu.memory_space<vmem>>, vector<1x16xf32>,
        %parallel_loop3A_941 = vector.shape_cast %parallel_loop3A_940 : vector<1x16xf32> to vector<16xf32>
        %parallel_loop3A_942 = vector.shape_cast %parallel_loop3A_935 : vector<16xf32> to vector<1x16xf32>
        tpu.vector_store %arg9[%parallel_loop3A_938, %parallel_loop3A_939], %parallel_loop3A_942 {strides = array<i32>} : memref<32x1024xf32, #tpu.memory_space<vmem>>, vector<1x16xf32>,
      } {sc.loop_unroll_factor = 4 : i64, sc.parallel_access}
    } {sc.loop_unroll_factor = 1 : i64, sc.parallel_access}
    %mul3A_561 = arith.constant 64 : i32
    %mul3A_562 = arith.muli %add3A, %mul3A_561 : i32
    %add3A_563 = arith.constant 0 : i32
    %add3A_564 = arith.addi %add3A_563, %mul3A_562 : i32
    %add3A_565 = arith.constant 32 : i32
    %add3A_566 = arith.addi %add3A_564, %add3A_565 : i32
    %dma_start3A_567 = arith.constant 0 : i32
    %dma_start3A_568 = arith.constant 0 : i32
    %dma_start3A_569 = tpu.memref_slice %arg9[%dma_start3A_567, %dma_start3A_568] : memref<32x1024xf32, #tpu.memory_space<vmem>> -> memref<16x1024xf32, #tpu.memory_space<vmem>>
    %dma_start3A_570 = arith.constant 0 : i32
    %dma_start3A_571 = tpu.memref_slice %arg5[%add3A_566, %dma_start3A_570] : memref<8192x1024xf32, #tpu.memory_space<hbm>> -> memref<16x1024xf32, #tpu.memory_space<hbm>>
    %dma_start3A_572 = arith.constant 0 : i32
    %dma_start3A_573 = tpu.memref_slice %arg5[%add3A_566, %dma_start3A_572] : memref<8192x1024xf32, #tpu.memory_space<hbm>> -> memref<16x1024xf32, #tpu.memory_space<hbm>>
    %dma_start3A_574 = arith.constant 0 : i32
    %dma_start3A_575 = arith.constant 0 : i32
    %dma_start3A_576 = tpu.memref_slice %arg9[%dma_start3A_574, %dma_start3A_575] : memref<32x1024xf32, #tpu.memory_space<vmem>> -> memref<16x1024xf32, #tpu.memory_space<vmem>>
    tpu.enqueue_dma source(%dma_start3A_576 : memref<16x1024xf32, #tpu.memory_space<vmem>>) target(%dma_start3A_573 : memref<16x1024xf32, #tpu.memory_space<hbm>>) target_semaphore(%arg15 : memref<!tpu.dma_semaphore, #tpu.memory_space<semaphore_mem>>)
    %mul3A_577 = arith.constant 64 : i32
    %mul3A_578 = arith.muli %add3A, %mul3A_577 : i32
    %add3A_579 = arith.constant 2048 : i32
    %add3A_580 = arith.addi %add3A_579, %mul3A_578 : i32
    %add3A_581 = arith.constant 32 : i32
    %add3A_582 = arith.addi %add3A_580, %add3A_581 : i32
    %dma_start3A_583 = arith.constant 16 : i32
    %dma_start3A_584 = arith.constant 0 : i32
    %dma_start3A_585 = tpu.memref_slice %arg9[%dma_start3A_583, %dma_start3A_584] : memref<32x1024xf32, #tpu.memory_space<vmem>> -> memref<16x1024xf32, #tpu.memory_space<vmem>>
    %dma_start3A_586 = arith.constant 0 : i32
    %dma_start3A_587 = tpu.memref_slice %arg5[%add3A_582, %dma_start3A_586] : memref<8192x1024xf32, #tpu.memory_space<hbm>> -> memref<16x1024xf32, #tpu.memory_space<hbm>>
    %dma_start3A_588 = arith.constant 0 : i32
    %dma_start3A_589 = tpu.memref_slice %arg5[%add3A_582, %dma_start3A_588] : memref<8192x1024xf32, #tpu.memory_space<hbm>> -> memref<16x1024xf32, #tpu.memory_space<hbm>>
    %dma_start3A_590 = arith.constant 16 : i32
    %dma_start3A_591 = arith.constant 0 : i32
    %dma_start3A_592 = tpu.memref_slice %arg9[%dma_start3A_590, %dma_start3A_591] : memref<32x1024xf32, #tpu.memory_space<vmem>> -> memref<16x1024xf32, #tpu.memory_space<vmem>>
    tpu.enqueue_dma source(%dma_start3A_592 : memref<16x1024xf32, #tpu.memory_space<vmem>>) target(%dma_start3A_589 : memref<16x1024xf32, #tpu.memory_space<hbm>>) target_semaphore(%arg15 : memref<!tpu.dma_semaphore, #tpu.memory_space<semaphore_mem>>)
    %dma_wait3A_593 = arith.constant 0 : i32
    %dma_wait3A_594 = arith.constant 0 : i32
    %dma_wait3A_595 = tpu.memref_slice %arg8[%dma_wait3A_593, %dma_wait3A_594] : memref<32x1024xf32, #tpu.memory_space<vmem>> -> memref<16x1024xf32, #tpu.memory_space<vmem>>
    %dma_wait3A_596 = arith.constant 0 : i32
    %dma_wait3A_597 = tpu.memref_slice %arg5[%add3A_459, %dma_wait3A_596] : memref<8192x1024xf32, #tpu.memory_space<hbm>> -> memref<16x1024xf32, #tpu.memory_space<hbm>>
    %dma_wait3A_598 = arith.constant 0 : i32
    %dma_wait3A_599 = tpu.memref_slice %arg5[%add3A_459, %dma_wait3A_598] : memref<8192x1024xf32, #tpu.memory_space<hbm>> -> memref<16x1024xf32, #tpu.memory_space<hbm>>
    %dma_wait3A_600 = arith.constant 0 : i32
    %dma_wait3A_601 = arith.constant 0 : i32
    %dma_wait3A_602 = tpu.memref_slice %arg8[%dma_wait3A_600, %dma_wait3A_601] : memref<32x1024xf32, #tpu.memory_space<vmem>> -> memref<16x1024xf32, #tpu.memory_space<vmem>>
    tpu.wait_dma2 semaphore(%arg14 : memref<!tpu.dma_semaphore, #tpu.memory_space<semaphore_mem>>) src(%dma_wait3A_602 : memref<16x1024xf32, #tpu.memory_space<vmem>>) dst(%dma_wait3A_599 : memref<16x1024xf32, #tpu.memory_space<hbm>>)
    %dma_wait3A_603 = arith.constant 16 : i32
    %dma_wait3A_604 = arith.constant 0 : i32
    %dma_wait3A_605 = tpu.memref_slice %arg8[%dma_wait3A_603, %dma_wait3A_604] : memref<32x1024xf32, #tpu.memory_space<vmem>> -> memref<16x1024xf32, #tpu.memory_space<vmem>>
    %dma_wait3A_606 = arith.constant 0 : i32
    %dma_wait3A_607 = tpu.memref_slice %arg5[%add3A_475, %dma_wait3A_606] : memref<8192x1024xf32, #tpu.memory_space<hbm>> -> memref<16x1024xf32, #tpu.memory_space<hbm>>
    %dma_wait3A_608 = arith.constant 0 : i32
    %dma_wait3A_609 = tpu.memref_slice %arg5[%add3A_475, %dma_wait3A_608] : memref<8192x1024xf32, #tpu.memory_space<hbm>> -> memref<16x1024xf32, #tpu.memory_space<hbm>>
    %dma_wait3A_610 = arith.constant 16 : i32
    %dma_wait3A_611 = arith.constant 0 : i32
    %dma_wait3A_612 = tpu.memref_slice %arg8[%dma_wait3A_610, %dma_wait3A_611] : memref<32x1024xf32, #tpu.memory_space<vmem>> -> memref<16x1024xf32, #tpu.memory_space<vmem>>
    tpu.wait_dma2 semaphore(%arg14 : memref<!tpu.dma_semaphore, #tpu.memory_space<semaphore_mem>>) src(%dma_wait3A_612 : memref<16x1024xf32, #tpu.memory_space<vmem>>) dst(%dma_wait3A_609 : memref<16x1024xf32, #tpu.memory_space<hbm>>)
    %dma_start3A_613 = arith.constant 0 : i32
    %dma_start3A_614 = arith.constant 0 : i32
    %dma_start3A_615 = arith.constant 0 : i32
    %dma_start3A_616 = tpu.memref_slice %arg8[%dma_start3A_614, %dma_start3A_615] : memref<32x1024xf32, #tpu.memory_space<vmem>> -> memref<16x1024xf32, #tpu.memory_space<vmem>>
    %dma_start3A_617 = arith.constant 48 : i32
    %dma_start3A_618 = tpu.memref_slice %arg6[%dma_start3A_613, %dma_start3A_617] : memref<4x64xi32, #tpu.memory_space<vmem>> -> memref<1x16xi32, #tpu.memory_space<vmem>>
    %dma_start3A_619 = tpu.memref_squeeze %dma_start3A_618 : memref<1x16xi32, #tpu.memory_space<vmem>> -> memref<16xi32, #tpu.memory_space<vmem>>
    %dma_start3A_620 = arith.constant 0 : i32
    %dma_start3A_621 = arith.constant 0 : i32
    %dma_start3A_622 = tpu.memref_slice %arg3[%dma_start3A_620, %dma_start3A_621] : memref<100000x1024xf32, #tpu.memory_space<hbm>> -> memref<100000x1024xf32, #tpu.memory_space<hbm>>
    tpu.enqueue_indirect_dma source(%dma_start3A_622 : memref<100000x1024xf32, #tpu.memory_space<hbm>>) target(%dma_start3A_616 : memref<16x1024xf32, #tpu.memory_space<vmem>>) offsets(%dma_start3A_619 : memref<16xi32, #tpu.memory_space<vmem>>) semaphore(%arg11 : memref<!tpu.dma_semaphore, #tpu.memory_space<semaphore_mem>>)
    %dma_start3A_623 = arith.constant 1 : i32
    %dma_start3A_624 = arith.constant 16 : i32
    %dma_start3A_625 = arith.constant 0 : i32
    %dma_start3A_626 = tpu.memref_slice %arg8[%dma_start3A_624, %dma_start3A_625] : memref<32x1024xf32, #tpu.memory_space<vmem>> -> memref<16x1024xf32, #tpu.memory_space<vmem>>
    %dma_start3A_627 = arith.constant 48 : i32
    %dma_start3A_628 = tpu.memref_slice %arg6[%dma_start3A_623, %dma_start3A_627] : memref<4x64xi32, #tpu.memory_space<vmem>> -> memref<1x16xi32, #tpu.memory_space<vmem>>
    %dma_start3A_629 = tpu.memref_squeeze %dma_start3A_628 : memref<1x16xi32, #tpu.memory_space<vmem>> -> memref<16xi32, #tpu.memory_space<vmem>>
    %dma_start3A_630 = arith.constant 0 : i32
    %dma_start3A_631 = arith.constant 0 : i32
    %dma_start3A_632 = tpu.memref_slice %arg3[%dma_start3A_630, %dma_start3A_631] : memref<100000x1024xf32, #tpu.memory_space<hbm>> -> memref<100000x1024xf32, #tpu.memory_space<hbm>>
    tpu.enqueue_indirect_dma source(%dma_start3A_632 : memref<100000x1024xf32, #tpu.memory_space<hbm>>) target(%dma_start3A_626 : memref<16x1024xf32, #tpu.memory_space<vmem>>) offsets(%dma_start3A_629 : memref<16xi32, #tpu.memory_space<vmem>>) semaphore(%arg11 : memref<!tpu.dma_semaphore, #tpu.memory_space<semaphore_mem>>)
    %dma_wait3A_633 = arith.constant 2 : i32
    %dma_wait3A_634 = arith.constant 0 : i32
    %dma_wait3A_635 = arith.constant 0 : i32
    %dma_wait3A_636 = tpu.memref_slice %arg10[%dma_wait3A_634, %dma_wait3A_635] : memref<32x1024xf32, #tpu.memory_space<vmem>> -> memref<16x1024xf32, #tpu.memory_space<vmem>>
    %dma_wait3A_637 = arith.constant 32 : i32
    %dma_wait3A_638 = tpu.memref_slice %arg6[%dma_wait3A_633, %dma_wait3A_637] : memref<4x64xi32, #tpu.memory_space<vmem>> -> memref<1x16xi32, #tpu.memory_space<vmem>>
    %dma_wait3A_639 = tpu.memref_squeeze %dma_wait3A_638 : memref<1x16xi32, #tpu.memory_space<vmem>> -> memref<16xi32, #tpu.memory_space<vmem>>
    %dma_wait3A_640 = arith.constant 0 : i32
    %dma_wait3A_641 = arith.constant 0 : i32
    %dma_wait3A_642 = tpu.memref_slice %arg3[%dma_wait3A_640, %dma_wait3A_641] : memref<100000x1024xf32, #tpu.memory_space<hbm>> -> memref<100000x1024xf32, #tpu.memory_space<hbm>>
    tpu.wait_indirect_dma semaphore(%arg13 : memref<!tpu.dma_semaphore, #tpu.memory_space<semaphore_mem>>) src(%dma_wait3A_642 : memref<100000x1024xf32, #tpu.memory_space<hbm>>) dst(%dma_wait3A_636 : memref<16x1024xf32, #tpu.memory_space<vmem>>)
    %dma_wait3A_643 = arith.constant 3 : i32
    %dma_wait3A_644 = arith.constant 16 : i32
    %dma_wait3A_645 = arith.constant 0 : i32
    %dma_wait3A_646 = tpu.memref_slice %arg10[%dma_wait3A_644, %dma_wait3A_645] : memref<32x1024xf32, #tpu.memory_space<vmem>> -> memref<16x1024xf32, #tpu.memory_space<vmem>>
    %dma_wait3A_647 = arith.constant 32 : i32
    %dma_wait3A_648 = tpu.memref_slice %arg6[%dma_wait3A_643, %dma_wait3A_647] : memref<4x64xi32, #tpu.memory_space<vmem>> -> memref<1x16xi32, #tpu.memory_space<vmem>>
    %dma_wait3A_649 = tpu.memref_squeeze %dma_wait3A_648 : memref<1x16xi32, #tpu.memory_space<vmem>> -> memref<16xi32, #tpu.memory_space<vmem>>
    %dma_wait3A_650 = arith.constant 0 : i32
    %dma_wait3A_651 = arith.constant 0 : i32
    %dma_wait3A_652 = tpu.memref_slice %arg3[%dma_wait3A_650, %dma_wait3A_651] : memref<100000x1024xf32, #tpu.memory_space<hbm>> -> memref<100000x1024xf32, #tpu.memory_space<hbm>>
    tpu.wait_indirect_dma semaphore(%arg13 : memref<!tpu.dma_semaphore, #tpu.memory_space<semaphore_mem>>) src(%dma_wait3A_652 : memref<100000x1024xf32, #tpu.memory_space<hbm>>) dst(%dma_wait3A_646 : memref<16x1024xf32, #tpu.memory_space<vmem>>)
    %parallel_loop3A_653 = arith.constant 0 : i32
    %parallel_loop3A_654 = arith.constant 16 : i32
    %parallel_loop3A_655 = arith.constant 1 : i32
    scf.for %parallel_loop3A_910 = %parallel_loop3A_653 to %parallel_loop3A_654 step %parallel_loop3A_655  : i32 {
      %parallel_loop3A_911 = arith.constant 0 : i32
      %parallel_loop3A_912 = arith.constant 1024 : i32
      %parallel_loop3A_913 = arith.constant 16 : i32
      scf.for %parallel_loop3A_914 = %parallel_loop3A_911 to %parallel_loop3A_912 step %parallel_loop3A_913  : i32 {
        %parallel_loop3A_915 = arith.index_cast %parallel_loop3A_910 : i32 to index
        %parallel_loop3A_916 = arith.index_cast %parallel_loop3A_914 : i32 to index
        %parallel_loop3A_917 = tpu.vector_load %arg7[%parallel_loop3A_915, %parallel_loop3A_916] {strides = array<i32>} : memref<16x1024xf32, #tpu.memory_space<vmem>>, vector<1x16xf32>,
        %parallel_loop3A_918 = vector.shape_cast %parallel_loop3A_917 : vector<1x16xf32> to vector<16xf32>
        %parallel_loop3A_919 = arith.index_cast %parallel_loop3A_910 : i32 to index
        %parallel_loop3A_920 = arith.index_cast %parallel_loop3A_914 : i32 to index
        %parallel_loop3A_921 = tpu.vector_load %arg10[%parallel_loop3A_919, %parallel_loop3A_920] {strides = array<i32>} : memref<32x1024xf32, #tpu.memory_space<vmem>>, vector<1x16xf32>,
        %parallel_loop3A_922 = vector.shape_cast %parallel_loop3A_921 : vector<1x16xf32> to vector<16xf32>
        %parallel_loop3A_923 = arith.addf %parallel_loop3A_922, %parallel_loop3A_918 : vector<16xf32>
        %parallel_loop3A_924 = arith.index_cast %parallel_loop3A_910 : i32 to index
        %parallel_loop3A_925 = arith.index_cast %parallel_loop3A_914 : i32 to index
        %parallel_loop3A_926 = tpu.vector_load %arg10[%parallel_loop3A_924, %parallel_loop3A_925] {strides = array<i32>} : memref<32x1024xf32, #tpu.memory_space<vmem>>, vector<1x16xf32>,
        %parallel_loop3A_927 = vector.shape_cast %parallel_loop3A_926 : vector<1x16xf32> to vector<16xf32>
        %parallel_loop3A_928 = vector.shape_cast %parallel_loop3A_923 : vector<16xf32> to vector<1x16xf32>
        tpu.vector_store %arg10[%parallel_loop3A_924, %parallel_loop3A_925], %parallel_loop3A_928 {strides = array<i32>} : memref<32x1024xf32, #tpu.memory_space<vmem>>, vector<1x16xf32>,
        %parallel_loop3A_929 = arith.constant 16 : i32
        %parallel_loop3A_930 = arith.addi %parallel_loop3A_929, %parallel_loop3A_910 : i32
        %parallel_loop3A_931 = arith.index_cast %parallel_loop3A_930 : i32 to index
        %parallel_loop3A_932 = arith.index_cast %parallel_loop3A_914 : i32 to index
        %parallel_loop3A_933 = tpu.vector_load %arg10[%parallel_loop3A_931, %parallel_loop3A_932] {strides = array<i32>} : memref<32x1024xf32, #tpu.memory_space<vmem>>, vector<1x16xf32>,
        %parallel_loop3A_934 = vector.shape_cast %parallel_loop3A_933 : vector<1x16xf32> to vector<16xf32>
        %parallel_loop3A_935 = arith.addf %parallel_loop3A_934, %parallel_loop3A_918 : vector<16xf32>
        %parallel_loop3A_936 = arith.constant 16 : i32
        %parallel_loop3A_937 = arith.addi %parallel_loop3A_936, %parallel_loop3A_910 : i32
        %parallel_loop3A_938 = arith.index_cast %parallel_loop3A_937 : i32 to index
        %parallel_loop3A_939 = arith.index_cast %parallel_loop3A_914 : i32 to index
        %parallel_loop3A_940 = tpu.vector_load %arg10[%parallel_loop3A_938, %parallel_loop3A_939] {strides = array<i32>} : memref<32x1024xf32, #tpu.memory_space<vmem>>, vector<1x16xf32>,
        %parallel_loop3A_941 = vector.shape_cast %parallel_loop3A_940 : vector<1x16xf32> to vector<16xf32>
        %parallel_loop3A_942 = vector.shape_cast %parallel_loop3A_935 : vector<16xf32> to vector<1x16xf32>
        tpu.vector_store %arg10[%parallel_loop3A_938, %parallel_loop3A_939], %parallel_loop3A_942 {strides = array<i32>} : memref<32x1024xf32, #tpu.memory_space<vmem>>, vector<1x16xf32>,
      } {sc.loop_unroll_factor = 4 : i64, sc.parallel_access}
    } {sc.loop_unroll_factor = 1 : i64, sc.parallel_access}
    %mul3A_656 = arith.constant 64 : i32
    %mul3A_657 = arith.muli %add3A, %mul3A_656 : i32
    %add3A_658 = arith.constant 4096 : i32
    %add3A_659 = arith.addi %add3A_658, %mul3A_657 : i32
    %add3A_660 = arith.constant 32 : i32
    %add3A_661 = arith.addi %add3A_659, %add3A_660 : i32
    %dma_start3A_662 = arith.constant 0 : i32
    %dma_start3A_663 = arith.constant 0 : i32
    %dma_start3A_664 = tpu.memref_slice %arg10[%dma_start3A_662, %dma_start3A_663] : memref<32x1024xf32, #tpu.memory_space<vmem>> -> memref<16x1024xf32, #tpu.memory_space<vmem>>
    %dma_start3A_665 = arith.constant 0 : i32
    %dma_start3A_666 = tpu.memref_slice %arg5[%add3A_661, %dma_start3A_665] : memref<8192x1024xf32, #tpu.memory_space<hbm>> -> memref<16x1024xf32, #tpu.memory_space<hbm>>
    %dma_start3A_667 = arith.constant 0 : i32
    %dma_start3A_668 = tpu.memref_slice %arg5[%add3A_661, %dma_start3A_667] : memref<8192x1024xf32, #tpu.memory_space<hbm>> -> memref<16x1024xf32, #tpu.memory_space<hbm>>
    %dma_start3A_669 = arith.constant 0 : i32
    %dma_start3A_670 = arith.constant 0 : i32
    %dma_start3A_671 = tpu.memref_slice %arg10[%dma_start3A_669, %dma_start3A_670] : memref<32x1024xf32, #tpu.memory_space<vmem>> -> memref<16x1024xf32, #tpu.memory_space<vmem>>
    tpu.enqueue_dma source(%dma_start3A_671 : memref<16x1024xf32, #tpu.memory_space<vmem>>) target(%dma_start3A_668 : memref<16x1024xf32, #tpu.memory_space<hbm>>) target_semaphore(%arg16 : memref<!tpu.dma_semaphore, #tpu.memory_space<semaphore_mem>>)
    %mul3A_672 = arith.constant 64 : i32
    %mul3A_673 = arith.muli %add3A, %mul3A_672 : i32
    %add3A_674 = arith.constant 6144 : i32
    %add3A_675 = arith.addi %add3A_674, %mul3A_673 : i32
    %add3A_676 = arith.constant 32 : i32
    %add3A_677 = arith.addi %add3A_675, %add3A_676 : i32
    %dma_start3A_678 = arith.constant 16 : i32
    %dma_start3A_679 = arith.constant 0 : i32
    %dma_start3A_680 = tpu.memref_slice %arg10[%dma_start3A_678, %dma_start3A_679] : memref<32x1024xf32, #tpu.memory_space<vmem>> -> memref<16x1024xf32, #tpu.memory_space<vmem>>
    %dma_start3A_681 = arith.constant 0 : i32
    %dma_start3A_682 = tpu.memref_slice %arg5[%add3A_677, %dma_start3A_681] : memref<8192x1024xf32, #tpu.memory_space<hbm>> -> memref<16x1024xf32, #tpu.memory_space<hbm>>
    %dma_start3A_683 = arith.constant 0 : i32
    %dma_start3A_684 = tpu.memref_slice %arg5[%add3A_677, %dma_start3A_683] : memref<8192x1024xf32, #tpu.memory_space<hbm>> -> memref<16x1024xf32, #tpu.memory_space<hbm>>
    %dma_start3A_685 = arith.constant 16 : i32
    %dma_start3A_686 = arith.constant 0 : i32
    %dma_start3A_687 = tpu.memref_slice %arg10[%dma_start3A_685, %dma_start3A_686] : memref<32x1024xf32, #tpu.memory_space<vmem>> -> memref<16x1024xf32, #tpu.memory_space<vmem>>
    tpu.enqueue_dma source(%dma_start3A_687 : memref<16x1024xf32, #tpu.memory_space<vmem>>) target(%dma_start3A_684 : memref<16x1024xf32, #tpu.memory_space<hbm>>) target_semaphore(%arg16 : memref<!tpu.dma_semaphore, #tpu.memory_space<semaphore_mem>>)
    %mul3A_688 = arith.constant 64 : i32
    %mul3A_689 = arith.muli %add3A, %mul3A_688 : i32
    %add3A_690 = arith.constant 48 : i32
    %add3A_691 = arith.addi %mul3A_689, %add3A_690 : i32
    %dma_start3A_692 = arith.constant 0 : i32
    %dma_start3A_693 = tpu.memref_slice %arg4[%add3A_691, %dma_start3A_692] : memref<2048x1024xf32, #tpu.memory_space<hbm>> -> memref<16x1024xf32, #tpu.memory_space<hbm>>
    %dma_start3A_694 = arith.constant 0 : i32
    %dma_start3A_695 = tpu.memref_slice %arg4[%add3A_691, %dma_start3A_694] : memref<2048x1024xf32, #tpu.memory_space<hbm>> -> memref<16x1024xf32, #tpu.memory_space<hbm>>
    tpu.enqueue_dma source(%dma_start3A_695 : memref<16x1024xf32, #tpu.memory_space<hbm>>) target(%arg7 : memref<16x1024xf32, #tpu.memory_space<vmem>>) target_semaphore(%arg17 : memref<!tpu.dma_semaphore, #tpu.memory_space<semaphore_mem>>)
    %dma_wait3A_696 = arith.constant 0 : i32
    %dma_wait3A_697 = arith.constant 0 : i32
    %dma_wait3A_698 = tpu.memref_slice %arg9[%dma_wait3A_696, %dma_wait3A_697] : memref<32x1024xf32, #tpu.memory_space<vmem>> -> memref<16x1024xf32, #tpu.memory_space<vmem>>
    %dma_wait3A_699 = arith.constant 0 : i32
    %dma_wait3A_700 = tpu.memref_slice %arg5[%add3A_566, %dma_wait3A_699] : memref<8192x1024xf32, #tpu.memory_space<hbm>> -> memref<16x1024xf32, #tpu.memory_space<hbm>>
    %dma_wait3A_701 = arith.constant 0 : i32
    %dma_wait3A_702 = tpu.memref_slice %arg5[%add3A_566, %dma_wait3A_701] : memref<8192x1024xf32, #tpu.memory_space<hbm>> -> memref<16x1024xf32, #tpu.memory_space<hbm>>
    %dma_wait3A_703 = arith.constant 0 : i32
    %dma_wait3A_704 = arith.constant 0 : i32
    %dma_wait3A_705 = tpu.memref_slice %arg9[%dma_wait3A_703, %dma_wait3A_704] : memref<32x1024xf32, #tpu.memory_space<vmem>> -> memref<16x1024xf32, #tpu.memory_space<vmem>>
    tpu.wait_dma2 semaphore(%arg15 : memref<!tpu.dma_semaphore, #tpu.memory_space<semaphore_mem>>) src(%dma_wait3A_705 : memref<16x1024xf32, #tpu.memory_space<vmem>>) dst(%dma_wait3A_702 : memref<16x1024xf32, #tpu.memory_space<hbm>>)
    %dma_wait3A_706 = arith.constant 16 : i32
    %dma_wait3A_707 = arith.constant 0 : i32
    %dma_wait3A_708 = tpu.memref_slice %arg9[%dma_wait3A_706, %dma_wait3A_707] : memref<32x1024xf32, #tpu.memory_space<vmem>> -> memref<16x1024xf32, #tpu.memory_space<vmem>>
    %dma_wait3A_709 = arith.constant 0 : i32
    %dma_wait3A_710 = tpu.memref_slice %arg5[%add3A_582, %dma_wait3A_709] : memref<8192x1024xf32, #tpu.memory_space<hbm>> -> memref<16x1024xf32, #tpu.memory_space<hbm>>
    %dma_wait3A_711 = arith.constant 0 : i32
    %dma_wait3A_712 = tpu.memref_slice %arg5[%add3A_582, %dma_wait3A_711] : memref<8192x1024xf32, #tpu.memory_space<hbm>> -> memref<16x1024xf32, #tpu.memory_space<hbm>>
    %dma_wait3A_713 = arith.constant 16 : i32
    %dma_wait3A_714 = arith.constant 0 : i32
    %dma_wait3A_715 = tpu.memref_slice %arg9[%dma_wait3A_713, %dma_wait3A_714] : memref<32x1024xf32, #tpu.memory_space<vmem>> -> memref<16x1024xf32, #tpu.memory_space<vmem>>
    tpu.wait_dma2 semaphore(%arg15 : memref<!tpu.dma_semaphore, #tpu.memory_space<semaphore_mem>>) src(%dma_wait3A_715 : memref<16x1024xf32, #tpu.memory_space<vmem>>) dst(%dma_wait3A_712 : memref<16x1024xf32, #tpu.memory_space<hbm>>)
    %dma_start3A_716 = arith.constant 2 : i32
    %dma_start3A_717 = arith.constant 0 : i32
    %dma_start3A_718 = arith.constant 0 : i32
    %dma_start3A_719 = tpu.memref_slice %arg9[%dma_start3A_717, %dma_start3A_718] : memref<32x1024xf32, #tpu.memory_space<vmem>> -> memref<16x1024xf32, #tpu.memory_space<vmem>>
    %dma_start3A_720 = arith.constant 48 : i32
    %dma_start3A_721 = tpu.memref_slice %arg6[%dma_start3A_716, %dma_start3A_720] : memref<4x64xi32, #tpu.memory_space<vmem>> -> memref<1x16xi32, #tpu.memory_space<vmem>>
    %dma_start3A_722 = tpu.memref_squeeze %dma_start3A_721 : memref<1x16xi32, #tpu.memory_space<vmem>> -> memref<16xi32, #tpu.memory_space<vmem>>
    %dma_start3A_723 = arith.constant 0 : i32
    %dma_start3A_724 = arith.constant 0 : i32
    %dma_start3A_725 = tpu.memref_slice %arg3[%dma_start3A_723, %dma_start3A_724] : memref<100000x1024xf32, #tpu.memory_space<hbm>> -> memref<100000x1024xf32, #tpu.memory_space<hbm>>
    tpu.enqueue_indirect_dma source(%dma_start3A_725 : memref<100000x1024xf32, #tpu.memory_space<hbm>>) target(%dma_start3A_719 : memref<16x1024xf32, #tpu.memory_space<vmem>>) offsets(%dma_start3A_722 : memref<16xi32, #tpu.memory_space<vmem>>) semaphore(%arg12 : memref<!tpu.dma_semaphore, #tpu.memory_space<semaphore_mem>>)
    %dma_start3A_726 = arith.constant 3 : i32
    %dma_start3A_727 = arith.constant 16 : i32
    %dma_start3A_728 = arith.constant 0 : i32
    %dma_start3A_729 = tpu.memref_slice %arg9[%dma_start3A_727, %dma_start3A_728] : memref<32x1024xf32, #tpu.memory_space<vmem>> -> memref<16x1024xf32, #tpu.memory_space<vmem>>
    %dma_start3A_730 = arith.constant 48 : i32
    %dma_start3A_731 = tpu.memref_slice %arg6[%dma_start3A_726, %dma_start3A_730] : memref<4x64xi32, #tpu.memory_space<vmem>> -> memref<1x16xi32, #tpu.memory_space<vmem>>
    %dma_start3A_732 = tpu.memref_squeeze %dma_start3A_731 : memref<1x16xi32, #tpu.memory_space<vmem>> -> memref<16xi32, #tpu.memory_space<vmem>>
    %dma_start3A_733 = arith.constant 0 : i32
    %dma_start3A_734 = arith.constant 0 : i32
    %dma_start3A_735 = tpu.memref_slice %arg3[%dma_start3A_733, %dma_start3A_734] : memref<100000x1024xf32, #tpu.memory_space<hbm>> -> memref<100000x1024xf32, #tpu.memory_space<hbm>>
    tpu.enqueue_indirect_dma source(%dma_start3A_735 : memref<100000x1024xf32, #tpu.memory_space<hbm>>) target(%dma_start3A_729 : memref<16x1024xf32, #tpu.memory_space<vmem>>) offsets(%dma_start3A_732 : memref<16xi32, #tpu.memory_space<vmem>>) semaphore(%arg12 : memref<!tpu.dma_semaphore, #tpu.memory_space<semaphore_mem>>)
    %dma_wait3A_736 = arith.constant 0 : i32
    %dma_wait3A_737 = arith.constant 0 : i32
    %dma_wait3A_738 = arith.constant 0 : i32
    %dma_wait3A_739 = tpu.memref_slice %arg8[%dma_wait3A_737, %dma_wait3A_738] : memref<32x1024xf32, #tpu.memory_space<vmem>> -> memref<16x1024xf32, #tpu.memory_space<vmem>>
    %dma_wait3A_740 = arith.constant 48 : i32
    %dma_wait3A_741 = tpu.memref_slice %arg6[%dma_wait3A_736, %dma_wait3A_740] : memref<4x64xi32, #tpu.memory_space<vmem>> -> memref<1x16xi32, #tpu.memory_space<vmem>>
    %dma_wait3A_742 = tpu.memref_squeeze %dma_wait3A_741 : memref<1x16xi32, #tpu.memory_space<vmem>> -> memref<16xi32, #tpu.memory_space<vmem>>
    %dma_wait3A_743 = arith.constant 0 : i32
    %dma_wait3A_744 = arith.constant 0 : i32
    %dma_wait3A_745 = tpu.memref_slice %arg3[%dma_wait3A_743, %dma_wait3A_744] : memref<100000x1024xf32, #tpu.memory_space<hbm>> -> memref<100000x1024xf32, #tpu.memory_space<hbm>>
    tpu.wait_indirect_dma semaphore(%arg11 : memref<!tpu.dma_semaphore, #tpu.memory_space<semaphore_mem>>) src(%dma_wait3A_745 : memref<100000x1024xf32, #tpu.memory_space<hbm>>) dst(%dma_wait3A_739 : memref<16x1024xf32, #tpu.memory_space<vmem>>)
    %dma_wait3A_746 = arith.constant 1 : i32
    %dma_wait3A_747 = arith.constant 16 : i32
    %dma_wait3A_748 = arith.constant 0 : i32
    %dma_wait3A_749 = tpu.memref_slice %arg8[%dma_wait3A_747, %dma_wait3A_748] : memref<32x1024xf32, #tpu.memory_space<vmem>> -> memref<16x1024xf32, #tpu.memory_space<vmem>>
    %dma_wait3A_750 = arith.constant 48 : i32
    %dma_wait3A_751 = tpu.memref_slice %arg6[%dma_wait3A_746, %dma_wait3A_750] : memref<4x64xi32, #tpu.memory_space<vmem>> -> memref<1x16xi32, #tpu.memory_space<vmem>>
    %dma_wait3A_752 = tpu.memref_squeeze %dma_wait3A_751 : memref<1x16xi32, #tpu.memory_space<vmem>> -> memref<16xi32, #tpu.memory_space<vmem>>
    %dma_wait3A_753 = arith.constant 0 : i32
    %dma_wait3A_754 = arith.constant 0 : i32
    %dma_wait3A_755 = tpu.memref_slice %arg3[%dma_wait3A_753, %dma_wait3A_754] : memref<100000x1024xf32, #tpu.memory_space<hbm>> -> memref<100000x1024xf32, #tpu.memory_space<hbm>>
    tpu.wait_indirect_dma semaphore(%arg11 : memref<!tpu.dma_semaphore, #tpu.memory_space<semaphore_mem>>) src(%dma_wait3A_755 : memref<100000x1024xf32, #tpu.memory_space<hbm>>) dst(%dma_wait3A_749 : memref<16x1024xf32, #tpu.memory_space<vmem>>)
    %dma_wait3A_756 = arith.constant 0 : i32
    %dma_wait3A_757 = tpu.memref_slice %arg4[%add3A_691, %dma_wait3A_756] : memref<2048x1024xf32, #tpu.memory_space<hbm>> -> memref<16x1024xf32, #tpu.memory_space<hbm>>
    %dma_wait3A_758 = arith.constant 0 : i32
    %dma_wait3A_759 = tpu.memref_slice %arg4[%add3A_691, %dma_wait3A_758] : memref<2048x1024xf32, #tpu.memory_space<hbm>> -> memref<16x1024xf32, #tpu.memory_space<hbm>>
    tpu.wait_dma2 semaphore(%arg17 : memref<!tpu.dma_semaphore, #tpu.memory_space<semaphore_mem>>) src(%dma_wait3A_759 : memref<16x1024xf32, #tpu.memory_space<hbm>>) dst(%arg7 : memref<16x1024xf32, #tpu.memory_space<vmem>>)
    %parallel_loop3A_760 = arith.constant 0 : i32
    %parallel_loop3A_761 = arith.constant 16 : i32
    %parallel_loop3A_762 = arith.constant 1 : i32
    scf.for %parallel_loop3A_910 = %parallel_loop3A_760 to %parallel_loop3A_761 step %parallel_loop3A_762  : i32 {
      %parallel_loop3A_911 = arith.constant 0 : i32
      %parallel_loop3A_912 = arith.constant 1024 : i32
      %parallel_loop3A_913 = arith.constant 16 : i32
      scf.for %parallel_loop3A_914 = %parallel_loop3A_911 to %parallel_loop3A_912 step %parallel_loop3A_913  : i32 {
        %parallel_loop3A_915 = arith.index_cast %parallel_loop3A_910 : i32 to index
        %parallel_loop3A_916 = arith.index_cast %parallel_loop3A_914 : i32 to index
        %parallel_loop3A_917 = tpu.vector_load %arg7[%parallel_loop3A_915, %parallel_loop3A_916] {strides = array<i32>} : memref<16x1024xf32, #tpu.memory_space<vmem>>, vector<1x16xf32>,
        %parallel_loop3A_918 = vector.shape_cast %parallel_loop3A_917 : vector<1x16xf32> to vector<16xf32>
        %parallel_loop3A_919 = arith.index_cast %parallel_loop3A_910 : i32 to index
        %parallel_loop3A_920 = arith.index_cast %parallel_loop3A_914 : i32 to index
        %parallel_loop3A_921 = tpu.vector_load %arg8[%parallel_loop3A_919, %parallel_loop3A_920] {strides = array<i32>} : memref<32x1024xf32, #tpu.memory_space<vmem>>, vector<1x16xf32>,
        %parallel_loop3A_922 = vector.shape_cast %parallel_loop3A_921 : vector<1x16xf32> to vector<16xf32>
        %parallel_loop3A_923 = arith.addf %parallel_loop3A_922, %parallel_loop3A_918 : vector<16xf32>
        %parallel_loop3A_924 = arith.index_cast %parallel_loop3A_910 : i32 to index
        %parallel_loop3A_925 = arith.index_cast %parallel_loop3A_914 : i32 to index
        %parallel_loop3A_926 = tpu.vector_load %arg8[%parallel_loop3A_924, %parallel_loop3A_925] {strides = array<i32>} : memref<32x1024xf32, #tpu.memory_space<vmem>>, vector<1x16xf32>,
        %parallel_loop3A_927 = vector.shape_cast %parallel_loop3A_926 : vector<1x16xf32> to vector<16xf32>
        %parallel_loop3A_928 = vector.shape_cast %parallel_loop3A_923 : vector<16xf32> to vector<1x16xf32>
        tpu.vector_store %arg8[%parallel_loop3A_924, %parallel_loop3A_925], %parallel_loop3A_928 {strides = array<i32>} : memref<32x1024xf32, #tpu.memory_space<vmem>>, vector<1x16xf32>,
        %parallel_loop3A_929 = arith.constant 16 : i32
        %parallel_loop3A_930 = arith.addi %parallel_loop3A_929, %parallel_loop3A_910 : i32
        %parallel_loop3A_931 = arith.index_cast %parallel_loop3A_930 : i32 to index
        %parallel_loop3A_932 = arith.index_cast %parallel_loop3A_914 : i32 to index
        %parallel_loop3A_933 = tpu.vector_load %arg8[%parallel_loop3A_931, %parallel_loop3A_932] {strides = array<i32>} : memref<32x1024xf32, #tpu.memory_space<vmem>>, vector<1x16xf32>,
        %parallel_loop3A_934 = vector.shape_cast %parallel_loop3A_933 : vector<1x16xf32> to vector<16xf32>
        %parallel_loop3A_935 = arith.addf %parallel_loop3A_934, %parallel_loop3A_918 : vector<16xf32>
        %parallel_loop3A_936 = arith.constant 16 : i32
        %parallel_loop3A_937 = arith.addi %parallel_loop3A_936, %parallel_loop3A_910 : i32
        %parallel_loop3A_938 = arith.index_cast %parallel_loop3A_937 : i32 to index
        %parallel_loop3A_939 = arith.index_cast %parallel_loop3A_914 : i32 to index
        %parallel_loop3A_940 = tpu.vector_load %arg8[%parallel_loop3A_938, %parallel_loop3A_939] {strides = array<i32>} : memref<32x1024xf32, #tpu.memory_space<vmem>>, vector<1x16xf32>,
        %parallel_loop3A_941 = vector.shape_cast %parallel_loop3A_940 : vector<1x16xf32> to vector<16xf32>
        %parallel_loop3A_942 = vector.shape_cast %parallel_loop3A_935 : vector<16xf32> to vector<1x16xf32>
        tpu.vector_store %arg8[%parallel_loop3A_938, %parallel_loop3A_939], %parallel_loop3A_942 {strides = array<i32>} : memref<32x1024xf32, #tpu.memory_space<vmem>>, vector<1x16xf32>,
      } {sc.loop_unroll_factor = 4 : i64, sc.parallel_access}
    } {sc.loop_unroll_factor = 1 : i64, sc.parallel_access}
    %mul3A_763 = arith.constant 64 : i32
    %mul3A_764 = arith.muli %add3A, %mul3A_763 : i32
    %add3A_765 = arith.constant 0 : i32
    %add3A_766 = arith.addi %add3A_765, %mul3A_764 : i32
    %add3A_767 = arith.constant 48 : i32
    %add3A_768 = arith.addi %add3A_766, %add3A_767 : i32
    %dma_start3A_769 = arith.constant 0 : i32
    %dma_start3A_770 = arith.constant 0 : i32
    %dma_start3A_771 = tpu.memref_slice %arg8[%dma_start3A_769, %dma_start3A_770] : memref<32x1024xf32, #tpu.memory_space<vmem>> -> memref<16x1024xf32, #tpu.memory_space<vmem>>
    %dma_start3A_772 = arith.constant 0 : i32
    %dma_start3A_773 = tpu.memref_slice %arg5[%add3A_768, %dma_start3A_772] : memref<8192x1024xf32, #tpu.memory_space<hbm>> -> memref<16x1024xf32, #tpu.memory_space<hbm>>
    %dma_start3A_774 = arith.constant 0 : i32
    %dma_start3A_775 = tpu.memref_slice %arg5[%add3A_768, %dma_start3A_774] : memref<8192x1024xf32, #tpu.memory_space<hbm>> -> memref<16x1024xf32, #tpu.memory_space<hbm>>
    %dma_start3A_776 = arith.constant 0 : i32
    %dma_start3A_777 = arith.constant 0 : i32
    %dma_start3A_778 = tpu.memref_slice %arg8[%dma_start3A_776, %dma_start3A_777] : memref<32x1024xf32, #tpu.memory_space<vmem>> -> memref<16x1024xf32, #tpu.memory_space<vmem>>
    tpu.enqueue_dma source(%dma_start3A_778 : memref<16x1024xf32, #tpu.memory_space<vmem>>) target(%dma_start3A_775 : memref<16x1024xf32, #tpu.memory_space<hbm>>) target_semaphore(%arg14 : memref<!tpu.dma_semaphore, #tpu.memory_space<semaphore_mem>>)
    %mul3A_779 = arith.constant 64 : i32
    %mul3A_780 = arith.muli %add3A, %mul3A_779 : i32
    %add3A_781 = arith.constant 2048 : i32
    %add3A_782 = arith.addi %add3A_781, %mul3A_780 : i32
    %add3A_783 = arith.constant 48 : i32
    %add3A_784 = arith.addi %add3A_782, %add3A_783 : i32
    %dma_start3A_785 = arith.constant 16 : i32
    %dma_start3A_786 = arith.constant 0 : i32
    %dma_start3A_787 = tpu.memref_slice %arg8[%dma_start3A_785, %dma_start3A_786] : memref<32x1024xf32, #tpu.memory_space<vmem>> -> memref<16x1024xf32, #tpu.memory_space<vmem>>
    %dma_start3A_788 = arith.constant 0 : i32
    %dma_start3A_789 = tpu.memref_slice %arg5[%add3A_784, %dma_start3A_788] : memref<8192x1024xf32, #tpu.memory_space<hbm>> -> memref<16x1024xf32, #tpu.memory_space<hbm>>
    %dma_start3A_790 = arith.constant 0 : i32
    %dma_start3A_791 = tpu.memref_slice %arg5[%add3A_784, %dma_start3A_790] : memref<8192x1024xf32, #tpu.memory_space<hbm>> -> memref<16x1024xf32, #tpu.memory_space<hbm>>
    %dma_start3A_792 = arith.constant 16 : i32
    %dma_start3A_793 = arith.constant 0 : i32
    %dma_start3A_794 = tpu.memref_slice %arg8[%dma_start3A_792, %dma_start3A_793] : memref<32x1024xf32, #tpu.memory_space<vmem>> -> memref<16x1024xf32, #tpu.memory_space<vmem>>
    tpu.enqueue_dma source(%dma_start3A_794 : memref<16x1024xf32, #tpu.memory_space<vmem>>) target(%dma_start3A_791 : memref<16x1024xf32, #tpu.memory_space<hbm>>) target_semaphore(%arg14 : memref<!tpu.dma_semaphore, #tpu.memory_space<semaphore_mem>>)
    %dma_wait3A_795 = arith.constant 2 : i32
    %dma_wait3A_796 = arith.constant 0 : i32
    %dma_wait3A_797 = arith.constant 0 : i32
    %dma_wait3A_798 = tpu.memref_slice %arg9[%dma_wait3A_796, %dma_wait3A_797] : memref<32x1024xf32, #tpu.memory_space<vmem>> -> memref<16x1024xf32, #tpu.memory_space<vmem>>
    %dma_wait3A_799 = arith.constant 48 : i32
    %dma_wait3A_800 = tpu.memref_slice %arg6[%dma_wait3A_795, %dma_wait3A_799] : memref<4x64xi32, #tpu.memory_space<vmem>> -> memref<1x16xi32, #tpu.memory_space<vmem>>
    %dma_wait3A_801 = tpu.memref_squeeze %dma_wait3A_800 : memref<1x16xi32, #tpu.memory_space<vmem>> -> memref<16xi32, #tpu.memory_space<vmem>>
    %dma_wait3A_802 = arith.constant 0 : i32
    %dma_wait3A_803 = arith.constant 0 : i32
    %dma_wait3A_804 = tpu.memref_slice %arg3[%dma_wait3A_802, %dma_wait3A_803] : memref<100000x1024xf32, #tpu.memory_space<hbm>> -> memref<100000x1024xf32, #tpu.memory_space<hbm>>
    tpu.wait_indirect_dma semaphore(%arg12 : memref<!tpu.dma_semaphore, #tpu.memory_space<semaphore_mem>>) src(%dma_wait3A_804 : memref<100000x1024xf32, #tpu.memory_space<hbm>>) dst(%dma_wait3A_798 : memref<16x1024xf32, #tpu.memory_space<vmem>>)
    %dma_wait3A_805 = arith.constant 3 : i32
    %dma_wait3A_806 = arith.constant 16 : i32
    %dma_wait3A_807 = arith.constant 0 : i32
    %dma_wait3A_808 = tpu.memref_slice %arg9[%dma_wait3A_806, %dma_wait3A_807] : memref<32x1024xf32, #tpu.memory_space<vmem>> -> memref<16x1024xf32, #tpu.memory_space<vmem>>
    %dma_wait3A_809 = arith.constant 48 : i32
    %dma_wait3A_810 = tpu.memref_slice %arg6[%dma_wait3A_805, %dma_wait3A_809] : memref<4x64xi32, #tpu.memory_space<vmem>> -> memref<1x16xi32, #tpu.memory_space<vmem>>
    %dma_wait3A_811 = tpu.memref_squeeze %dma_wait3A_810 : memref<1x16xi32, #tpu.memory_space<vmem>> -> memref<16xi32, #tpu.memory_space<vmem>>
    %dma_wait3A_812 = arith.constant 0 : i32
    %dma_wait3A_813 = arith.constant 0 : i32
    %dma_wait3A_814 = tpu.memref_slice %arg3[%dma_wait3A_812, %dma_wait3A_813] : memref<100000x1024xf32, #tpu.memory_space<hbm>> -> memref<100000x1024xf32, #tpu.memory_space<hbm>>
    tpu.wait_indirect_dma semaphore(%arg12 : memref<!tpu.dma_semaphore, #tpu.memory_space<semaphore_mem>>) src(%dma_wait3A_814 : memref<100000x1024xf32, #tpu.memory_space<hbm>>) dst(%dma_wait3A_808 : memref<16x1024xf32, #tpu.memory_space<vmem>>)
    %parallel_loop3A_815 = arith.constant 0 : i32
    %parallel_loop3A_816 = arith.constant 16 : i32
    %parallel_loop3A_817 = arith.constant 1 : i32
    scf.for %parallel_loop3A_910 = %parallel_loop3A_815 to %parallel_loop3A_816 step %parallel_loop3A_817  : i32 {
      %parallel_loop3A_911 = arith.constant 0 : i32
      %parallel_loop3A_912 = arith.constant 1024 : i32
      %parallel_loop3A_913 = arith.constant 16 : i32
      scf.for %parallel_loop3A_914 = %parallel_loop3A_911 to %parallel_loop3A_912 step %parallel_loop3A_913  : i32 {
        %parallel_loop3A_915 = arith.index_cast %parallel_loop3A_910 : i32 to index
        %parallel_loop3A_916 = arith.index_cast %parallel_loop3A_914 : i32 to index
        %parallel_loop3A_917 = tpu.vector_load %arg7[%parallel_loop3A_915, %parallel_loop3A_916] {strides = array<i32>} : memref<16x1024xf32, #tpu.memory_space<vmem>>, vector<1x16xf32>,
        %parallel_loop3A_918 = vector.shape_cast %parallel_loop3A_917 : vector<1x16xf32> to vector<16xf32>
        %parallel_loop3A_919 = arith.index_cast %parallel_loop3A_910 : i32 to index
        %parallel_loop3A_920 = arith.index_cast %parallel_loop3A_914 : i32 to index
        %parallel_loop3A_921 = tpu.vector_load %arg9[%parallel_loop3A_919, %parallel_loop3A_920] {strides = array<i32>} : memref<32x1024xf32, #tpu.memory_space<vmem>>, vector<1x16xf32>,
        %parallel_loop3A_922 = vector.shape_cast %parallel_loop3A_921 : vector<1x16xf32> to vector<16xf32>
        %parallel_loop3A_923 = arith.addf %parallel_loop3A_922, %parallel_loop3A_918 : vector<16xf32>
        %parallel_loop3A_924 = arith.index_cast %parallel_loop3A_910 : i32 to index
        %parallel_loop3A_925 = arith.index_cast %parallel_loop3A_914 : i32 to index
        %parallel_loop3A_926 = tpu.vector_load %arg9[%parallel_loop3A_924, %parallel_loop3A_925] {strides = array<i32>} : memref<32x1024xf32, #tpu.memory_space<vmem>>, vector<1x16xf32>,
        %parallel_loop3A_927 = vector.shape_cast %parallel_loop3A_926 : vector<1x16xf32> to vector<16xf32>
        %parallel_loop3A_928 = vector.shape_cast %parallel_loop3A_923 : vector<16xf32> to vector<1x16xf32>
        tpu.vector_store %arg9[%parallel_loop3A_924, %parallel_loop3A_925], %parallel_loop3A_928 {strides = array<i32>} : memref<32x1024xf32, #tpu.memory_space<vmem>>, vector<1x16xf32>,
        %parallel_loop3A_929 = arith.constant 16 : i32
        %parallel_loop3A_930 = arith.addi %parallel_loop3A_929, %parallel_loop3A_910 : i32
        %parallel_loop3A_931 = arith.index_cast %parallel_loop3A_930 : i32 to index
        %parallel_loop3A_932 = arith.index_cast %parallel_loop3A_914 : i32 to index
        %parallel_loop3A_933 = tpu.vector_load %arg9[%parallel_loop3A_931, %parallel_loop3A_932] {strides = array<i32>} : memref<32x1024xf32, #tpu.memory_space<vmem>>, vector<1x16xf32>,
        %parallel_loop3A_934 = vector.shape_cast %parallel_loop3A_933 : vector<1x16xf32> to vector<16xf32>
        %parallel_loop3A_935 = arith.addf %parallel_loop3A_934, %parallel_loop3A_918 : vector<16xf32>
        %parallel_loop3A_936 = arith.constant 16 : i32
        %parallel_loop3A_937 = arith.addi %parallel_loop3A_936, %parallel_loop3A_910 : i32
        %parallel_loop3A_938 = arith.index_cast %parallel_loop3A_937 : i32 to index
        %parallel_loop3A_939 = arith.index_cast %parallel_loop3A_914 : i32 to index
        %parallel_loop3A_940 = tpu.vector_load %arg9[%parallel_loop3A_938, %parallel_loop3A_939] {strides = array<i32>} : memref<32x1024xf32, #tpu.memory_space<vmem>>, vector<1x16xf32>,
        %parallel_loop3A_941 = vector.shape_cast %parallel_loop3A_940 : vector<1x16xf32> to vector<16xf32>
        %parallel_loop3A_942 = vector.shape_cast %parallel_loop3A_935 : vector<16xf32> to vector<1x16xf32>
        tpu.vector_store %arg9[%parallel_loop3A_938, %parallel_loop3A_939], %parallel_loop3A_942 {strides = array<i32>} : memref<32x1024xf32, #tpu.memory_space<vmem>>, vector<1x16xf32>,
      } {sc.loop_unroll_factor = 4 : i64, sc.parallel_access}
    } {sc.loop_unroll_factor = 1 : i64, sc.parallel_access}
    %mul3A_818 = arith.constant 64 : i32
    %mul3A_819 = arith.muli %add3A, %mul3A_818 : i32
    %add3A_820 = arith.constant 4096 : i32
    %add3A_821 = arith.addi %add3A_820, %mul3A_819 : i32
    %add3A_822 = arith.constant 48 : i32
    %add3A_823 = arith.addi %add3A_821, %add3A_822 : i32
    %dma_start3A_824 = arith.constant 0 : i32
    %dma_start3A_825 = arith.constant 0 : i32
    %dma_start3A_826 = tpu.memref_slice %arg9[%dma_start3A_824, %dma_start3A_825] : memref<32x1024xf32, #tpu.memory_space<vmem>> -> memref<16x1024xf32, #tpu.memory_space<vmem>>
    %dma_start3A_827 = arith.constant 0 : i32
    %dma_start3A_828 = tpu.memref_slice %arg5[%add3A_823, %dma_start3A_827] : memref<8192x1024xf32, #tpu.memory_space<hbm>> -> memref<16x1024xf32, #tpu.memory_space<hbm>>
    %dma_start3A_829 = arith.constant 0 : i32
    %dma_start3A_830 = tpu.memref_slice %arg5[%add3A_823, %dma_start3A_829] : memref<8192x1024xf32, #tpu.memory_space<hbm>> -> memref<16x1024xf32, #tpu.memory_space<hbm>>
    %dma_start3A_831 = arith.constant 0 : i32
    %dma_start3A_832 = arith.constant 0 : i32
    %dma_start3A_833 = tpu.memref_slice %arg9[%dma_start3A_831, %dma_start3A_832] : memref<32x1024xf32, #tpu.memory_space<vmem>> -> memref<16x1024xf32, #tpu.memory_space<vmem>>
    tpu.enqueue_dma source(%dma_start3A_833 : memref<16x1024xf32, #tpu.memory_space<vmem>>) target(%dma_start3A_830 : memref<16x1024xf32, #tpu.memory_space<hbm>>) target_semaphore(%arg15 : memref<!tpu.dma_semaphore, #tpu.memory_space<semaphore_mem>>)
    %mul3A_834 = arith.constant 64 : i32
    %mul3A_835 = arith.muli %add3A, %mul3A_834 : i32
    %add3A_836 = arith.constant 6144 : i32
    %add3A_837 = arith.addi %add3A_836, %mul3A_835 : i32
    %add3A_838 = arith.constant 48 : i32
    %add3A_839 = arith.addi %add3A_837, %add3A_838 : i32
    %dma_start3A_840 = arith.constant 16 : i32
    %dma_start3A_841 = arith.constant 0 : i32
    %dma_start3A_842 = tpu.memref_slice %arg9[%dma_start3A_840, %dma_start3A_841] : memref<32x1024xf32, #tpu.memory_space<vmem>> -> memref<16x1024xf32, #tpu.memory_space<vmem>>
    %dma_start3A_843 = arith.constant 0 : i32
    %dma_start3A_844 = tpu.memref_slice %arg5[%add3A_839, %dma_start3A_843] : memref<8192x1024xf32, #tpu.memory_space<hbm>> -> memref<16x1024xf32, #tpu.memory_space<hbm>>
    %dma_start3A_845 = arith.constant 0 : i32
    %dma_start3A_846 = tpu.memref_slice %arg5[%add3A_839, %dma_start3A_845] : memref<8192x1024xf32, #tpu.memory_space<hbm>> -> memref<16x1024xf32, #tpu.memory_space<hbm>>
    %dma_start3A_847 = arith.constant 16 : i32
    %dma_start3A_848 = arith.constant 0 : i32
    %dma_start3A_849 = tpu.memref_slice %arg9[%dma_start3A_847, %dma_start3A_848] : memref<32x1024xf32, #tpu.memory_space<vmem>> -> memref<16x1024xf32, #tpu.memory_space<vmem>>
    tpu.enqueue_dma source(%dma_start3A_849 : memref<16x1024xf32, #tpu.memory_space<vmem>>) target(%dma_start3A_846 : memref<16x1024xf32, #tpu.memory_space<hbm>>) target_semaphore(%arg15 : memref<!tpu.dma_semaphore, #tpu.memory_space<semaphore_mem>>)
    %dma_wait3A_850 = arith.constant 0 : i32
    %dma_wait3A_851 = arith.constant 0 : i32
    %dma_wait3A_852 = tpu.memref_slice %arg8[%dma_wait3A_850, %dma_wait3A_851] : memref<32x1024xf32, #tpu.memory_space<vmem>> -> memref<16x1024xf32, #tpu.memory_space<vmem>>
    %dma_wait3A_853 = arith.constant 0 : i32
    %dma_wait3A_854 = tpu.memref_slice %arg5[%add3A_768, %dma_wait3A_853] : memref<8192x1024xf32, #tpu.memory_space<hbm>> -> memref<16x1024xf32, #tpu.memory_space<hbm>>
    %dma_wait3A_855 = arith.constant 0 : i32
    %dma_wait3A_856 = tpu.memref_slice %arg5[%add3A_768, %dma_wait3A_855] : memref<8192x1024xf32, #tpu.memory_space<hbm>> -> memref<16x1024xf32, #tpu.memory_space<hbm>>
    %dma_wait3A_857 = arith.constant 0 : i32
    %dma_wait3A_858 = arith.constant 0 : i32
    %dma_wait3A_859 = tpu.memref_slice %arg8[%dma_wait3A_857, %dma_wait3A_858] : memref<32x1024xf32, #tpu.memory_space<vmem>> -> memref<16x1024xf32, #tpu.memory_space<vmem>>
    tpu.wait_dma2 semaphore(%arg14 : memref<!tpu.dma_semaphore, #tpu.memory_space<semaphore_mem>>) src(%dma_wait3A_859 : memref<16x1024xf32, #tpu.memory_space<vmem>>) dst(%dma_wait3A_856 : memref<16x1024xf32, #tpu.memory_space<hbm>>)
    %dma_wait3A_860 = arith.constant 16 : i32
    %dma_wait3A_861 = arith.constant 0 : i32
    %dma_wait3A_862 = tpu.memref_slice %arg8[%dma_wait3A_860, %dma_wait3A_861] : memref<32x1024xf32, #tpu.memory_space<vmem>> -> memref<16x1024xf32, #tpu.memory_space<vmem>>
    %dma_wait3A_863 = arith.constant 0 : i32
    %dma_wait3A_864 = tpu.memref_slice %arg5[%add3A_784, %dma_wait3A_863] : memref<8192x1024xf32, #tpu.memory_space<hbm>> -> memref<16x1024xf32, #tpu.memory_space<hbm>>
    %dma_wait3A_865 = arith.constant 0 : i32
    %dma_wait3A_866 = tpu.memref_slice %arg5[%add3A_784, %dma_wait3A_865] : memref<8192x1024xf32, #tpu.memory_space<hbm>> -> memref<16x1024xf32, #tpu.memory_space<hbm>>
    %dma_wait3A_867 = arith.constant 16 : i32
    %dma_wait3A_868 = arith.constant 0 : i32
    %dma_wait3A_869 = tpu.memref_slice %arg8[%dma_wait3A_867, %dma_wait3A_868] : memref<32x1024xf32, #tpu.memory_space<vmem>> -> memref<16x1024xf32, #tpu.memory_space<vmem>>
    tpu.wait_dma2 semaphore(%arg14 : memref<!tpu.dma_semaphore, #tpu.memory_space<semaphore_mem>>) src(%dma_wait3A_869 : memref<16x1024xf32, #tpu.memory_space<vmem>>) dst(%dma_wait3A_866 : memref<16x1024xf32, #tpu.memory_space<hbm>>)
    %dma_wait3A_870 = arith.constant 0 : i32
    %dma_wait3A_871 = arith.constant 0 : i32
    %dma_wait3A_872 = tpu.memref_slice %arg9[%dma_wait3A_870, %dma_wait3A_871] : memref<32x1024xf32, #tpu.memory_space<vmem>> -> memref<16x1024xf32, #tpu.memory_space<vmem>>
    %dma_wait3A_873 = arith.constant 0 : i32
    %dma_wait3A_874 = tpu.memref_slice %arg5[%add3A_823, %dma_wait3A_873] : memref<8192x1024xf32, #tpu.memory_space<hbm>> -> memref<16x1024xf32, #tpu.memory_space<hbm>>
    %dma_wait3A_875 = arith.constant 0 : i32
    %dma_wait3A_876 = tpu.memref_slice %arg5[%add3A_823, %dma_wait3A_875] : memref<8192x1024xf32, #tpu.memory_space<hbm>> -> memref<16x1024xf32, #tpu.memory_space<hbm>>
    %dma_wait3A_877 = arith.constant 0 : i32
    %dma_wait3A_878 = arith.constant 0 : i32
    %dma_wait3A_879 = tpu.memref_slice %arg9[%dma_wait3A_877, %dma_wait3A_878] : memref<32x1024xf32, #tpu.memory_space<vmem>> -> memref<16x1024xf32, #tpu.memory_space<vmem>>
    tpu.wait_dma2 semaphore(%arg15 : memref<!tpu.dma_semaphore, #tpu.memory_space<semaphore_mem>>) src(%dma_wait3A_879 : memref<16x1024xf32, #tpu.memory_space<vmem>>) dst(%dma_wait3A_876 : memref<16x1024xf32, #tpu.memory_space<hbm>>)
    %dma_wait3A_880 = arith.constant 16 : i32
    %dma_wait3A_881 = arith.constant 0 : i32
    %dma_wait3A_882 = tpu.memref_slice %arg9[%dma_wait3A_880, %dma_wait3A_881] : memref<32x1024xf32, #tpu.memory_space<vmem>> -> memref<16x1024xf32, #tpu.memory_space<vmem>>
    %dma_wait3A_883 = arith.constant 0 : i32
    %dma_wait3A_884 = tpu.memref_slice %arg5[%add3A_839, %dma_wait3A_883] : memref<8192x1024xf32, #tpu.memory_space<hbm>> -> memref<16x1024xf32, #tpu.memory_space<hbm>>
    %dma_wait3A_885 = arith.constant 0 : i32
    %dma_wait3A_886 = tpu.memref_slice %arg5[%add3A_839, %dma_wait3A_885] : memref<8192x1024xf32, #tpu.memory_space<hbm>> -> memref<16x1024xf32, #tpu.memory_space<hbm>>
    %dma_wait3A_887 = arith.constant 16 : i32
    %dma_wait3A_888 = arith.constant 0 : i32
    %dma_wait3A_889 = tpu.memref_slice %arg9[%dma_wait3A_887, %dma_wait3A_888] : memref<32x1024xf32, #tpu.memory_space<vmem>> -> memref<16x1024xf32, #tpu.memory_space<vmem>>
    tpu.wait_dma2 semaphore(%arg15 : memref<!tpu.dma_semaphore, #tpu.memory_space<semaphore_mem>>) src(%dma_wait3A_889 : memref<16x1024xf32, #tpu.memory_space<vmem>>) dst(%dma_wait3A_886 : memref<16x1024xf32, #tpu.memory_space<hbm>>)
    %dma_wait3A_890 = arith.constant 0 : i32
    %dma_wait3A_891 = arith.constant 0 : i32
    %dma_wait3A_892 = tpu.memref_slice %arg10[%dma_wait3A_890, %dma_wait3A_891] : memref<32x1024xf32, #tpu.memory_space<vmem>> -> memref<16x1024xf32, #tpu.memory_space<vmem>>
    %dma_wait3A_893 = arith.constant 0 : i32
    %dma_wait3A_894 = tpu.memref_slice %arg5[%add3A_661, %dma_wait3A_893] : memref<8192x1024xf32, #tpu.memory_space<hbm>> -> memref<16x1024xf32, #tpu.memory_space<hbm>>
    %dma_wait3A_895 = arith.constant 0 : i32
    %dma_wait3A_896 = tpu.memref_slice %arg5[%add3A_661, %dma_wait3A_895] : memref<8192x1024xf32, #tpu.memory_space<hbm>> -> memref<16x1024xf32, #tpu.memory_space<hbm>>
    %dma_wait3A_897 = arith.constant 0 : i32
    %dma_wait3A_898 = arith.constant 0 : i32
    %dma_wait3A_899 = tpu.memref_slice %arg10[%dma_wait3A_897, %dma_wait3A_898] : memref<32x1024xf32, #tpu.memory_space<vmem>> -> memref<16x1024xf32, #tpu.memory_space<vmem>>
    tpu.wait_dma2 semaphore(%arg16 : memref<!tpu.dma_semaphore, #tpu.memory_space<semaphore_mem>>) src(%dma_wait3A_899 : memref<16x1024xf32, #tpu.memory_space<vmem>>) dst(%dma_wait3A_896 : memref<16x1024xf32, #tpu.memory_space<hbm>>)
    %dma_wait3A_900 = arith.constant 16 : i32
    %dma_wait3A_901 = arith.constant 0 : i32
    %dma_wait3A_902 = tpu.memref_slice %arg10[%dma_wait3A_900, %dma_wait3A_901] : memref<32x1024xf32, #tpu.memory_space<vmem>> -> memref<16x1024xf32, #tpu.memory_space<vmem>>
    %dma_wait3A_903 = arith.constant 0 : i32
    %dma_wait3A_904 = tpu.memref_slice %arg5[%add3A_677, %dma_wait3A_903] : memref<8192x1024xf32, #tpu.memory_space<hbm>> -> memref<16x1024xf32, #tpu.memory_space<hbm>>
    %dma_wait3A_905 = arith.constant 0 : i32
    %dma_wait3A_906 = tpu.memref_slice %arg5[%add3A_677, %dma_wait3A_905] : memref<8192x1024xf32, #tpu.memory_space<hbm>> -> memref<16x1024xf32, #tpu.memory_space<hbm>>
    %dma_wait3A_907 = arith.constant 16 : i32
    %dma_wait3A_908 = arith.constant 0 : i32
    %dma_wait3A_909 = tpu.memref_slice %arg10[%dma_wait3A_907, %dma_wait3A_908] : memref<32x1024xf32, #tpu.memory_space<vmem>> -> memref<16x1024xf32, #tpu.memory_space<vmem>>
    tpu.wait_dma2 semaphore(%arg16 : memref<!tpu.dma_semaphore, #tpu.memory_space<semaphore_mem>>) src(%dma_wait3A_909 : memref<16x1024xf32, #tpu.memory_space<vmem>>) dst(%dma_wait3A_906 : memref<16x1024xf32, #tpu.memory_space<hbm>>)
    return
  }
}

</mosaic_0001>

<sc_bundles>
// kernel: kernel.3.cloned.1.call-start
scs
__scs_entry_jumppad:
0x0: {  	(pc) =	sbr.rel $0x88, $3  }
0x1: {  	(tag) =	ssettag $0x0;
	lr =	simm.s32 $0x1  }
0x2: {  	[smem:$0x3F9E] =	sst lr;
	_ =	strace $0xD0000000  }
0x3: {  	_ = 	snop  }
0x4: {  	_ = 	snop  }
0x5: {  	_ = 	snop  }
0x6: {  	_ = 	snop  }
0x7: {  	_ = 	snop  }
__scs_overlays_trampoline_lowered:
0x8: {  	[smem:$0x3FAD] =	sst s0  }
0x9: {  	[smem:$0x3FAE] =	sst s1  }
0xa: {  	[smem:$0x3FAF] =	sst s2  }
0xb: {  	[smem:$0x3FB0] =	sst s3  }
0xc: {  	[smem:$0x3FB1] =	sst s4  }
0xd: {  	[smem:$0x3FB2] =	sst s5  }
0xe: {  	[smem:$0x3FB3] =	sst s6  }
0xf: {  	[smem:$0x3FB4] =	sst s7  }
0x10: {  	[smem:$0x3FB5] =	sst s8  }
0x11: {  	[smem:$0x3FB6] =	sst s9;
	s0 =	simm.s32 @!p0 $0x0  }
0x12: {  	s1 =	sld [smem:$0x3F9C];
	s0 =	simm.s32 @p0 $0x1  }
0x13: {  	[smem:$0x3FB7] =	sst s0;
	s0 =	simm.s32 @!p1 $0x0  }
0x14: {  	s2 =	sld [smem:$0x3F9B];
	s0 =	simm.s32 @p1 $0x1  }
0x15: {  	[smem:$0x3FB8] =	sst s0;
	s0 =	simm.s32 @!p2 $0x0  }
0x16: {  	s3 =	sld [smem:$0x3FDB];
	s0 =	simm.s32 @p2 $0x1  }
0x17: {  	s4 =	simm.s32 $0x1BF5;
	[smem:$0x3FBA] =	sst s0  }
0x18: {  	s0 =	sld [smem:$0x3F9D];
	_ =	swait.ge [sflag:s4], $0x0  }
0x19: {  	s7 =	sld [smem:$0x3F9E]  }
0x1a: {  	s8 =	sadd.s32 $0xFFFFE003, lr  }
0x1b: {  	s9 =	sadd.s32 $0xFFFFFEF7, lr;
	s5 =	simm.s32 $0xFFFFFFFF;
	p2 =	slt.u32 s8, $0xFFFFF086  }
0x1c: {  	p1 =	slt.u32 s9, $0xF7A;
	s5 =	simm.s32 @!p2 $0x0  }
0x1d: {  	s5 =	simm.s32 @p1 $0x1;
	p0 =	seq.s32 s7, s2  }
0x1e: {  	s7 =	smul.u32 @!p0 $0xF7A, s2;
	p2 =	seq.s32 @!p0 s5, $0x0  }
0x1f: {  	s9 =	smul.u32 $0xF7A, s1;
	s8 =	simm.s32 @!p0 $0x1BF5;
	p2 =	por !p2, p0  }
0x20: {  	[sflag:s8] =	ssyncset.s32 @!p0 $0xFFFFF086;
	s6 =	sadd.s32 @!p0 s3, s7;
	s7 =	simm.s32 @!p0 $0x108  }
0x21: {  	s3 =	sadd.s32 s3, s9;
	s6 =	sadd.s32 @!p0 $0x88, s6;
	s7 =	simm.s32 @p2 $0x1082  }
0x22: {  	[simem:s7], [sflag:s8] =	dma.local @!p0 [hbm:s6], $0xF7A  }
0x23: {  	s9 =	sor.u32 $0xD0000000, s2;
	s6 =	simm.s32 $0x108;
	_ =	swait.ge @!p0 [sflag:s8], $0x0  }
0x24: {  	s3 =	sadd.s32 $0x88, s3;
	s6 =	simm.s32 @!p1 $0x1082;
	[sflag:s4] =	ssyncset.s32 $0xFFFFF086  }
0x25: {  	[simem:s6], [sflag:s4] =	dma.local [hbm:s3], $0xF7A  }
0x26: {  	[smem:$0x3F9E] =	sst s1;
	(tag) =	ssettag s2;
	_ =	strace s9  }
0x27: {  	s1 =	sld [smem:$0x3FAE]  }
0x28: {  	s2 =	sld [smem:$0x3FAF]  }
0x29: {  	s4 =	sld [smem:$0x3FB1]  }
0x2a: {  	p0 =	seq.s32 s5, $0x0;
	s5 =	sld [smem:$0x3FB2]  }
0x2b: {  	s6 =	sld [smem:$0x3FB3]  }
0x2c: {  	s7 =	sld [smem:$0x3FB4]  }
0x2d: {  	s3 =	simm.s32 $0x108;
	s8 =	sld [smem:$0x3FB5]  }
0x2e: {  	s3 =	simm.s32 @!p0 $0x1082;
	s9 =	sld [smem:$0x3FB6]  }
0x2f: {  	lr =	sadd.s32 s0, s3;
	s0 =	sld [smem:$0x3FAD]  }
0x30: {  	s3 =	sld [smem:$0x3FB0]  }
0x31: {  	[smem:$0x3FB9] =	sst s10  }
0x32: {  	s10 =	sld [smem:$0x3FB7];
	_ =	sdelay $0x3  }
0x33: {  	p0 =	seq.s32 s10, $0x1;
	s10 =	sld [smem:$0x3FB9];
	_ =	sdelay $0x3  }
0x34: {  	[smem:$0x3FB9] =	sst s10  }
0x35: {  	s10 =	sld [smem:$0x3FB8];
	_ =	sdelay $0x3  }
0x36: {  	p1 =	seq.s32 s10, $0x1;
	s10 =	sld [smem:$0x3FB9];
	_ =	sdelay $0x3  }
0x37: {  	[smem:$0x3FB9] =	sst s10  }
0x38: {  	s10 =	sld [smem:$0x3FBA]  }
0x39: {  	_ = 	snop;
	(pc) =	sbr.ind lr, $3  }
0x3a: {  	_ = 	snop  }
0x3b: {  	_ = 	snop  }
0x3c: {  	p2 =	seq.s32 s10, $0x1;
	s10 =	sld [smem:$0x3FB9]  }
0x3d: {  	_ =	shalt  }
0x3e: {  	_ =	shalt  }
0x3f: {  	_ =	shalt  }
0x40: {  	_ =	shalt  }
0x41: {  	_ =	shalt  }
0x42: {  	_ =	shalt  }
0x43: {  	_ =	shalt  }
0x44: {  	_ =	shalt  }
0x45: {  	_ =	shalt  }
0x46: {  	_ =	shalt  }
0x47: {  	_ =	shalt  }
0x48: {  	_ =	shalt  }
0x49: {  	_ =	shalt  }
0x4a: {  	_ =	shalt  }
0x4b: {  	_ =	shalt  }
0x4c: {  	_ =	shalt  }
0x4d: {  	_ =	shalt  }
0x4e: {  	_ =	shalt  }
0x4f: {  	_ =	shalt  }
0x50: {  	_ =	shalt  }
0x51: {  	_ =	shalt  }
0x52: {  	_ =	shalt  }
0x53: {  	_ =	shalt  }
0x54: {  	_ =	shalt  }
0x55: {  	_ =	shalt  }
0x56: {  	_ =	shalt  }
0x57: {  	_ =	shalt  }
0x58: {  	_ =	shalt  }
0x59: {  	_ =	shalt  }
0x5a: {  	_ =	shalt  }
0x5b: {  	_ =	shalt  }
0x5c: {  	_ =	shalt  }
0x5d: {  	_ =	shalt  }
0x5e: {  	_ =	shalt  }
0x5f: {  	_ =	shalt  }
0x60: {  	_ =	shalt  }
0x61: {  	_ =	shalt  }
0x62: {  	_ =	shalt  }
0x63: {  	_ =	shalt  }
0x64: {  	_ =	shalt  }
0x65: {  	_ =	shalt  }
0x66: {  	_ =	shalt  }
0x67: {  	_ =	shalt  }
0x68: {  	_ =	shalt  }
0x69: {  	_ =	shalt  }
0x6a: {  	_ =	shalt  }
0x6b: {  	_ =	shalt  }
0x6c: {  	_ =	shalt  }
0x6d: {  	_ =	shalt  }
0x6e: {  	_ =	shalt  }
0x6f: {  	_ =	shalt  }
0x70: {  	_ =	shalt  }
0x71: {  	_ =	shalt  }
0x72: {  	_ =	shalt  }
0x73: {  	_ =	shalt  }
0x74: {  	_ =	shalt  }
0x75: {  	_ =	shalt  }
0x76: {  	_ =	shalt  }
0x77: {  	_ =	shalt  }
0x78: {  	_ =	shalt  }
0x79: {  	_ =	shalt  }
0x7a: {  	_ =	shalt  }
0x7b: {  	_ =	shalt  }
0x7c: {  	_ =	shalt  }
0x7d: {  	_ =	shalt  }
0x7e: {  	_ =	shalt  }
0x7f: {  	_ =	shalt  }
0x80: {  	_ =	shalt  }
0x81: {  	_ =	shalt  }
0x82: {  	_ =	shalt  }
0x83: {  	_ =	shalt  }
0x84: {  	_ =	shalt  }
0x85: {  	_ =	shalt  }
0x86: {  	_ =	shalt  }
0x87: {  	_ =	shalt  }
.Lfunc_end0:
.L_simem_size_0:
called_computation_lowered:
.L_overlay_start_0:
0x88: {  	s2 =	sld [smem:$0x3FD9]  }
0x89: {  	s3 =	sld [smem:$0x3FFE];
	_ =	sdelay $0x1  }
0x8a: {  	s1 =	srdreg.scid  }
0x8b: {  	s0 =	sand.u32 $0x1, s1  }
0x8c: {  	s18 =	sshll.u32 s0, $0xA;
	s2 =	sadd.s32 s3, s2  }
0x8d: {  	s2 =	sadd.s32 s2, s18  }
0x8e: {  	[smem:$0x3FC5] =	sst s2  }
0x8f: {  	_ = 	snop  }
0x90: {  	s2 =	sld [smem:$0x3FC9]  }
0x91: {  	s19 =	sld [smem:$0x3FC8]  }
0x92: {  	s4 =	sld [smem:$0x3FC7]  }
0x93: {  	s5 =	sld [smem:$0x3FD0];
	(tm) =	ssettm $0x1  }
0x94: {  	s6 =	sld [smem:$0x3FFB];
	_ =	sdelay $0x3  }
0x95: {  	_ =	strace s6  }
0x96: {  	s6 =	sld [smem:$0x3FFC];
	_ =	sdelay $0x3  }
0x97: {  	_ =	strace s6  }
0x98: {  	s6 =	sld [smem:$0x3FFD];
	_ =	sdelay $0x3  }
0x99: {  	_ =	strace s6  }
0x9a: {  	_ =	strace $0x8FFFFFFF  }
0x9b: {  	s20 =	sld [smem:$0x3FDB];
	_ =	sdelay $0x1  }
0x9c: {  	s7 =	simm.s32 $_scs_section_size  }
0x9d: {  	s8 =	simm.s32 $_size__tile_overlayer_lowered;
	s9 =	simm.s32 $_tile_overlayer_lowered  }
0x9e: {  	s23 =	simm.s32 $0x1BFF;
	s22 =	sshll.u32 s9, $0x1;
	s6 =	sadd.s32 s7, s20  }
0x9f: {  	s10 =	simm.s32 $0x0;
	s21 =	sshll.u32 s8, $0x1;
	s8 =	sadd.s32 s22, s6  }
0xa0: {  	[timem:s10], [sflag:s23] =	dma.local [hbm:s8], s21  }
0xa1: {  	_ =	swait.ge [sflag:s23], s21  }
0xa2: {  	s7 =	ssub.s32 $0x0, s21;
	[sflag:s23] =	ssyncset.done $0x0  }
0xa3: {  	[sflag:s23] =	ssyncadd.s32 s7;
	_ =	sdelay $0x1  }
0xa4: {  	s24 =	simm.s32 $0x1B8B  }
0xa5: {  	_ =	swait.ge [sflag:s24], $0x1  }
0xa6: {  	[sflag:s24] =	ssyncset.done $0x0  }
0xa7: {  	s25 =	simm.s32 $0x1B8E;
	[sflag:s24] =	ssyncadd.s32 $0xFFFFFFFF  }
0xa8: {  	s26 =	simm.s32 $execute0_lowered;
	[smem:$0x3FD2] =	sst s25  }
0xa9: {  	s7 =	sshll.u32 s26, $0x1;
	_ =	strace $0x80000046;
	[dreg:$0x1] =	wrdreg $0xFFFFFFFF  }
0xaa: {  	s28 =	simm.s32 $_size_execute0_lowered;
	s6 =	sadd.s32 s6, s7;
	[dreg:$0x0] =	wrdreg $0x0  }
0xab: {  	s7 =	sshll.u32 s28, $0x1;
	[dreg:$0x2] =	wrdreg s6  }
0xac: {  	[dreg:$0x3] =	wrdreg s7  }
0xad: {  	[dreg:$0x4] =	wrdreg $0xC0  }
0xae: {  	_ =	task [dreg:s10], $0x5FFFF  }
0xaf: {  	[dreg:$0x1] =	wrdreg $0xFFFFFFFF  }
0xb0: {  	[dreg:$0x0] =	wrdreg $0x60  }
0xb1: {  	[dreg:$0x2] =	wrdreg s2  }
0xb2: {  	[dreg:$0x3] =	wrdreg s19  }
0xb3: {  	[dreg:$0x4] =	wrdreg s4  }
0xb4: {  	[dreg:$0x5] =	wrdreg s5  }
0xb5: {  	[dreg:$0x6] =	wrdreg $0x9  }
0xb6: {  	_ =	task.clear_ibuf [dreg:s10], $0x7FFFF;
	_ =	strace $0x90000046  }
0xb7: {  	s29 =	simm.s32 $0x9;
	_ =	strace $0x80000048  }
0xb8: {  	_ =	swait.ge [sflag:s29], $0x1  }
0xb9: {  	[sflag:s29] =	ssyncadd.s32 $0xFFFFFFFF  }
0xba: {  	_ =	strace $0x90000048  }
0xbb: {  	_ =	sfence  }
0xbc: {  	s30 =	sld [smem:$0x0];
	_ =	sdelay $0x2  }
0xbd: {  	s31 =	sshll.u32 s1, $0xD;
	s1 =	sshrl.u32 s1, $0x2  }
0xbe: {  	s3 =	sand.u32 $0x4000, s31;
	s1 =	sadd.s32 s1, s30  }
0xbf: {  	s0 =	sor.u32 s3, s0;
	s1 =	sshll.u32 s1, $0x11  }
0xc0: {  	s0 =	sor.u32 s1, s0  }
0xc1: {  	s0 =	sadd.s32 $0x8F2B, s0  }
0xc2: {  	[sflag:s0] =	ssyncadd.remote.s32 $0x1  }
0xc3: {  	_ =	sfence.sel $0xFFFF  }
0xc4: {  	[dreg:$0x0] =	wrdreg $0xFFFFFFFF;
	(pc) =	sbr.abs _section_cstart, $3  }
0xc5: {  	[dreg:$0x1] =	wrdreg $0xFFFFFFFF  }
0xc6: {  	_ =	task.clear_ibuf [dreg:s10], $0x2FFFF;
	_ =	strace $0x9FFFFFFF  }
0xc7: {  	(tm) =	ssettm $0x7FFFFFFF  }
tec
execute0_lowered:
.L_overlay_start_1:
0x0: {  	(tag) =	ssettag $0x1  }
0x1: {  	s2 =	rddreg [dreg:$0x0]  }
0x2: {  	s0 =	srdreg.scid;
	s1 =	rddreg [dreg:$0x1]  }
0x3: {  	s3 =	stileid.u32;
	s5 =	rddreg [dreg:$0x2];
	s0 =	sand.u32 $0x1, s0  }
0x4: {  	s7 =	rddreg [dreg:$0x3];
	s3 =	sshll.u32 s3, $0x7;
	s4 =	sshll.u32 s0, $0x6  }
0x5: {  	s0 =	ssub.s32 $0x2, s0;
	s6 =	sor.u32 s4, s3;
	s3 =	simm.s32 $0x0  }
0x6: {  	s10 =	sshrl.u32 s0, $0x1;
	s8 =	sshll.u32 s6, $0x2;
	s6 =	sshll.u32 s6, $0x7  }
0x7: {  	[smem:$0x7FF] =	sst s3;
	s0 =	ssub.s32 s0, s10;
	s30 =	sadd.s32 s5, s6  }
0x8: {  	_ =	strace $0x80000047;
	s0 =	smax.u32 s0, $0x1;
	[dreg:$0x9] =	wrdreg s30  }
0x9: {  	s31 =	sadd.s32 s7, s6;
	[dreg:$0x17] =	wrdreg s0  }
0xa: {  	s13 =	sadd.s32 $0x80000, s31;
	[dreg:$0xa] =	wrdreg s31  }
0xb: {  	s11 =	sor.u32 $0x800, s6;
	s14 =	sadd.s32 $0xC0000, s31;
	[dreg:$0xc] =	wrdreg s13  }
0xc: {  	s15 =	sadd.s32 s5, s11;
	[dreg:$0xd] =	wrdreg s14  }
0xd: {  	s16 =	sadd.s32 $0x40800, s31;
	[dreg:$0xe] =	wrdreg s15  }
0xe: {  	s17 =	sor.u32 $0x1000, s6;
	s18 =	sadd.s32 $0x80800, s31;
	[dreg:$0x10] =	wrdreg s16  }
0xf: {  	s20 =	sor.u32 $0x1800, s6;
	s19 =	sadd.s32 s5, s17;
	[dreg:$0x11] =	wrdreg s18  }
0x10: {  	s21 =	sadd.s32 s5, s20;
	[dreg:$0x12] =	wrdreg s19  }
0x11: {  	s22 =	sadd.s32 s7, s20;
	[dreg:$0x14] =	wrdreg s21  }
0x12: {  	s9 =	sand.u32 $0x1E00, s8;
	s23 =	sadd.s32 $0xC0800, s31;
	[dreg:$0x15] =	wrdreg s22  }
0x13: {  	s9 =	sor.u32 s4, s9;
	s24 =	sadd.s32 $0x41000, s31;
	[dreg:$0x16] =	wrdreg s23  }
0x14: {  	s4 =	sor.u32 s4, s8;
	s25 =	sadd.s32 $0x81000, s31;
	[dreg:$0x18] =	wrdreg s24  }
0x15: {  	s30 =	sadd.s32 $0x81800, s31;
	s9 =	sshrl.u32 s9, $0x3;
	[dreg:$0x19] =	wrdreg s25  }
0x16: {  	s4 =	sshrl.u32 s4, $0x3;
	[dreg:$0x1c] =	wrdreg s30;
	s9 =	sadd.s32 s2, s9  }
0x17: {  	s28 =	sor.u32 $0x20, s4;
	[dreg:$0x5] =	wrdreg s9;
	s26 =	sadd.s32 $0x10, s9  }
0x18: {  	s4 =	sor.u32 $0x30, s4;
	s8 =	sadd.s32 s2, s28;
	[dreg:$0x6] =	wrdreg s26  }
0x19: {  	s2 =	sadd.s32 s2, s4;
	[dreg:$0x7] =	wrdreg s8  }
0x1a: {  	s29 =	simm.s32 $0x5;
	s4 =	sadd.s32 $0x40000, s31;
	[dreg:$0x8] =	wrdreg s2  }
0x1b: {  	s12 =	sadd.s32 $0x300, s1;
	s28 =	sadd.s32 $0x41800, s31;
	[dreg:$0xb] =	wrdreg s4  }
0x1c: {  	s10 =	sadd.s32 $0x200, s1;
	s2 =	sadd.s32 s7, s11;
	[dreg:$0x1b] =	wrdreg s28  }
0x1d: {  	s6 =	simm.s32 $0x0;
	s26 =	sadd.s32 $0xC1000, s31;
	[dreg:$0xf] =	wrdreg s2  }
0x1e: {  	v2 =	vlaneseq.u32;
	s5 =	simm.s32 $0x10200;
	s31 =	sadd.s32 $0xC1800, s31;
	[dreg:$0x1a] =	wrdreg s26  }
0x1f: {  	vm0 =	vmmov $0xffff;
	v1 =	vshrl.u32 v2, $0x3;
	s25 =	simm.s32 $0x4;
	s2 =	sadd.s32 s7, s17;
	[dreg:$0x1d] =	wrdreg s31  }
0x20: {  	v0 =	vand.u32 $0x7, v2;
	v2 =	vor.u32 $0x8, v2;
	v1 =	vmul.u32 $0x8, v1;
	s9 =	sadd.s32 $0x100, s1;
	s4 =	simm.s32 $0xC200;
	[dreg:$0x13] =	wrdreg s2  }
.LBB2_1:
0x21: {  	[dreg:$0x1e] =	wrdreg s6  }
0x22: {  	s0 =	rddreg [dreg:$0x5]  }
0x23: {  	[tilespmem:s3], [sflag:$0x8] =	stream.linear.gather [hbm4b:s0+s3], $0x40, $0x38;
	[tilespmem:$0x1C200] =	vst v63  }
0x24: {  	s7 =	rddreg [dreg:$0x6];
	s2 =	simm.s32 $0x80  }
0x25: {  	[tilespmem:s2], [sflag:$0x8] =	stream.linear.gather [hbm4b:s7+s3], $0x40, $0x38;
	[tilespmem:$0x1C200] =	vst v63  }
0x26: {  	s8 =	rddreg [dreg:$0x7];
	s11 =	simm.s32 $0x100  }
0x27: {  	[tilespmem:s11], [sflag:$0x8] =	stream.linear.gather [hbm4b:s8+s3], $0x40, $0x38;
	[tilespmem:$0x1C200] =	vst v63  }
0x28: {  	s13 =	rddreg [dreg:$0x8];
	s14 =	simm.s32 $0x180  }
0x29: {  	[tilespmem:s14], [sflag:$0x8] =	stream.linear.gather [hbm4b:s13+s3], $0x40, $0x38;
	[tilespmem:$0x1C200] =	vst v63  }
0x2a: {  	s15 =	rddreg [dreg:$0x9];
	s16 =	simm.s32 $0x200;
	s17 =	simm.s32 $0x8  }
0x2b: {  	[tilespmem:s16], [sflag:$0x7] =	stream.linear.gather [hbm4b:s15+s3], $0x4000, $0x38;
	[tilespmem:$0x1C200] =	vst v63  }
0x2c: {  	_ =	swait.ge [sflag:s17], $0x40  }
0x2d: {  	[sflag:s17] =	ssyncset.done $0x0  }
0x2e: {  	[sflag:s17] =	ssyncadd.s32 $0xFFFFFFC0  }
0x2f: {  	_ =	swait.ge [sflag:s17], $0x40  }
0x30: {  	[sflag:s17] =	ssyncset.done $0x0  }
0x31: {  	[sflag:s17] =	ssyncadd.s32 $0xFFFFFFC0  }
0x32: {  	_ =	swait.ge [sflag:s17], $0x40  }
0x33: {  	[sflag:s17] =	ssyncset.done $0x0  }
0x34: {  	[sflag:s17] =	ssyncadd.s32 $0xFFFFFFC0  }
0x35: {  	_ =	swait.ge [sflag:s17], $0x40  }
0x36: {  	[sflag:s17] =	ssyncset.done $0x0  }
0x37: {  	[sflag:s17] =	ssyncadd.s32 $0xFFFFFFC0  }
0x38: {  	v3 =	vld [tilespmem:$0x0];
	_ =	sdelay $0x4  }
0x39: {  	v4 =	vshll.u32 v3, $0x3  }
0x3a: {  	v3 =	vand.u32 $0x7, v3;
	v4 =	vand.u32 $0xFFFFFFC0, v4  }
0x3b: {  	v3 =	vor.u32 v3, v4  }
0x3c: {  	v4 =	vperm.xlane v3, v0;
	_ =	sdelay $0x1  }
0x3d: {  	v4 =	vadd.s32 v1, v4;
	_ =	sdelay $0x3  }
0x3e: {  	s18 =	simm.s32 $0x4200  }
0x3f: {  	[tilespmem:s18], [sflag:$0x1] =	stream.indirect_vreg.gather [hbm4b:s1+s3], $0x80, v4, vm0, $0xb8;
	[tilespmem:$0x1C200] =	vst v63  }
0x40: {  	s19 =	simm.s32 $0x4A00;
	v3 =	vperm.xlane v3, v2  }
0x41: {  	[tilespmem:s19], [sflag:$0x1] =	stream.indirect_vreg.gather [hbm4b:s9+s3], $0x80, v4, vm0, $0xb8;
	[tilespmem:$0x1C200] =	vst v63  }
0x42: {  	s20 =	simm.s32 $0x5200;
	v3 =	vadd.s32 v1, v3  }
0x43: {  	[tilespmem:s20], [sflag:$0x1] =	stream.indirect_vreg.gather [hbm4b:s10+s3], $0x80, v4, vm0, $0xb8;
	[tilespmem:$0x1C200] =	vst v63  }
0x44: {  	s21 =	simm.s32 $0x5A00  }
0x45: {  	[tilespmem:s21], [sflag:$0x1] =	stream.indirect_vreg.gather [hbm4b:s12+s3], $0x80, v4, vm0, $0xb8;
	[tilespmem:$0x1C200] =	vst v63  }
0x46: {  	s22 =	simm.s32 $0x6200  }
0x47: {  	[tilespmem:s22], [sflag:$0x1] =	stream.indirect_vreg.gather [hbm4b:s1+s3], $0x80, v3, vm0, $0xb8;
	[tilespmem:$0x1C200] =	vst v63  }
0x48: {  	s23 =	simm.s32 $0x6A00  }
0x49: {  	[tilespmem:s23], [sflag:$0x1] =	stream.indirect_vreg.gather [hbm4b:s9+s3], $0x80, v3, vm0, $0xb8;
	[tilespmem:$0x1C200] =	vst v63  }
0x4a: {  	s24 =	simm.s32 $0x7200  }
0x4b: {  	[tilespmem:s24], [sflag:$0x1] =	stream.indirect_vreg.gather [hbm4b:s10+s3], $0x80, v3, vm0, $0xb8;
	[tilespmem:$0x1C200] =	vst v63  }
0x4c: {  	s26 =	simm.s32 $0x7A00  }
0x4d: {  	[tilespmem:s26], [sflag:$0x1] =	stream.indirect_vreg.gather [hbm4b:s12+s3], $0x80, v3, vm0, $0xb8;
	[tilespmem:$0x1C200] =	vst v63  }
0x4e: {  	v3 =	vld [tilespmem:$0x80];
	_ =	sdelay $0x4  }
0x4f: {  	v61 =	vshll.u32 v3, $0x3  }
0x50: {  	v3 =	vand.u32 $0x7, v3;
	v4 =	vand.u32 $0xFFFFFFC0, v61  }
0x51: {  	v3 =	vor.u32 v3, v4  }
0x52: {  	v4 =	vperm.xlane v3, v0;
	_ =	sdelay $0x1  }
0x53: {  	v4 =	vadd.s32 v1, v4;
	_ =	sdelay $0x3  }
0x54: {  	s28 =	simm.s32 $0x8200  }
0x55: {  	[tilespmem:s28], [sflag:$0x1] =	stream.indirect_vreg.gather [hbm4b:s1+s3], $0x80, v4, vm0, $0xb8;
	[tilespmem:$0x1C200] =	vst v63  }
0x56: {  	s30 =	simm.s32 $0x8A00;
	v3 =	vperm.xlane v3, v2  }
0x57: {  	[tilespmem:s30], [sflag:$0x1] =	stream.indirect_vreg.gather [hbm4b:s9+s3], $0x80, v4, vm0, $0xb8;
	[tilespmem:$0x1C200] =	vst v63  }
0x58: {  	s31 =	simm.s32 $0x9200;
	v3 =	vadd.s32 v1, v3  }
0x59: {  	[tilespmem:s31], [sflag:$0x1] =	stream.indirect_vreg.gather [hbm4b:s10+s3], $0x80, v4, vm0, $0xb8;
	[tilespmem:$0x1C200] =	vst v63  }
0x5a: {  	s2 =	simm.s32 $0x9A00  }
0x5b: {  	[tilespmem:s2], [sflag:$0x1] =	stream.indirect_vreg.gather [hbm4b:s12+s3], $0x80, v4, vm0, $0xb8;
	[tilespmem:$0x1C200] =	vst v63  }
0x5c: {  	s6 =	simm.s32 $0xA200  }
0x5d: {  	[tilespmem:s6], [sflag:$0x1] =	stream.indirect_vreg.gather [hbm4b:s1+s3], $0x80, v3, vm0, $0xb8;
	[tilespmem:$0x1C200] =	vst v63  }
0x5e: {  	s7 =	simm.s32 $0xAA00  }
0x5f: {  	[tilespmem:s7], [sflag:$0x1] =	stream.indirect_vreg.gather [hbm4b:s9+s3], $0x80, v3, vm0, $0xb8;
	[tilespmem:$0x1C200] =	vst v63  }
0x60: {  	s8 =	simm.s32 $0xB200  }
0x61: {  	[tilespmem:s8], [sflag:$0x1] =	stream.indirect_vreg.gather [hbm4b:s10+s3], $0x80, v3, vm0, $0xb8;
	[tilespmem:$0x1C200] =	vst v63  }
0x62: {  	s11 =	simm.s32 $0xBA00  }
0x63: {  	[tilespmem:s11], [sflag:$0x1] =	stream.indirect_vreg.gather [hbm4b:s12+s3], $0x80, v3, vm0, $0xb8;
	[tilespmem:$0x1C200] =	vst v63  }
0x64: {  	v3 =	vld [tilespmem:$0x100];
	_ =	sdelay $0x4  }
0x65: {  	v62 =	vshll.u32 v3, $0x3  }
0x66: {  	v3 =	vand.u32 $0x7, v3;
	v4 =	vand.u32 $0xFFFFFFC0, v62  }
0x67: {  	v3 =	vor.u32 v3, v4  }
0x68: {  	v4 =	vperm.xlane v3, v0;
	_ =	sdelay $0x1  }
0x69: {  	v4 =	vadd.s32 v1, v4;
	_ =	sdelay $0x4  }
0x6a: {  	[tilespmem:s4], [sflag:$0x2] =	stream.indirect_vreg.gather [hbm4b:s1+s3], $0x80, v4, vm0, $0xb8;
	[tilespmem:$0x1C200] =	vst v63  }
0x6b: {  	s13 =	simm.s32 $0xCA00;
	v3 =	vperm.xlane v3, v2  }
0x6c: {  	[tilespmem:s13], [sflag:$0x2] =	stream.indirect_vreg.gather [hbm4b:s9+s3], $0x80, v4, vm0, $0xb8;
	[tilespmem:$0x1C200] =	vst v63  }
0x6d: {  	s14 =	simm.s32 $0xD200;
	v3 =	vadd.s32 v1, v3  }
0x6e: {  	[tilespmem:s14], [sflag:$0x2] =	stream.indirect_vreg.gather [hbm4b:s10+s3], $0x80, v4, vm0, $0xb8;
	[tilespmem:$0x1C200] =	vst v63  }
0x6f: {  	s15 =	simm.s32 $0xDA00  }
0x70: {  	[tilespmem:s15], [sflag:$0x2] =	stream.indirect_vreg.gather [hbm4b:s12+s3], $0x80, v4, vm0, $0xb8;
	[tilespmem:$0x1C200] =	vst v63  }
0x71: {  	s16 =	simm.s32 $0xE200  }
0x72: {  	[tilespmem:s16], [sflag:$0x2] =	stream.indirect_vreg.gather [hbm4b:s1+s3], $0x80, v3, vm0, $0xb8;
	[tilespmem:$0x1C200] =	vst v63  }
0x73: {  	s17 =	simm.s32 $0xEA00  }
0x74: {  	[tilespmem:s17], [sflag:$0x2] =	stream.indirect_vreg.gather [hbm4b:s9+s3], $0x80, v3, vm0, $0xb8;
	[tilespmem:$0x1C200] =	vst v63  }
0x75: {  	s18 =	simm.s32 $0xF200  }
0x76: {  	[tilespmem:s18], [sflag:$0x2] =	stream.indirect_vreg.gather [hbm4b:s10+s3], $0x80, v3, vm0, $0xb8;
	[tilespmem:$0x1C200] =	vst v63  }
0x77: {  	s19 =	simm.s32 $0xFA00  }
0x78: {  	[tilespmem:s19], [sflag:$0x2] =	stream.indirect_vreg.gather [hbm4b:s12+s3], $0x80, v3, vm0, $0xb8;
	[tilespmem:$0x1C200] =	vst v63  }
0x79: {  	v3 =	vld [tilespmem:$0x180];
	_ =	sdelay $0x4  }
0x7a: {  	v63 =	vshll.u32 v3, $0x3  }
0x7b: {  	v3 =	vand.u32 $0x7, v3;
	v4 =	vand.u32 $0xFFFFFFC0, v63  }
0x7c: {  	v3 =	vor.u32 v3, v4  }
0x7d: {  	v4 =	vperm.xlane v3, v0;
	_ =	sdelay $0x1  }
0x7e: {  	v4 =	vadd.s32 v1, v4;
	_ =	sdelay $0x4  }
0x7f: {  	[tilespmem:s5], [sflag:$0x2] =	stream.indirect_vreg.gather [hbm4b:s1+s3], $0x80, v4, vm0, $0xb8;
	[tilespmem:$0x1C200] =	vst v63  }
0x80: {  	s20 =	simm.s32 $0x10A00;
	v3 =	vperm.xlane v3, v2  }
0x81: {  	[tilespmem:s20], [sflag:$0x2] =	stream.indirect_vreg.gather [hbm4b:s9+s3], $0x80, v4, vm0, $0xb8;
	[tilespmem:$0x1C200] =	vst v63  }
0x82: {  	s21 =	simm.s32 $0x11200;
	v3 =	vadd.s32 v1, v3  }
0x83: {  	[tilespmem:s21], [sflag:$0x2] =	stream.indirect_vreg.gather [hbm4b:s10+s3], $0x80, v4, vm0, $0xb8;
	[tilespmem:$0x1C200] =	vst v63  }
0x84: {  	s22 =	simm.s32 $0x11A00  }
0x85: {  	[tilespmem:s22], [sflag:$0x2] =	stream.indirect_vreg.gather [hbm4b:s12+s3], $0x80, v4, vm0, $0xb8;
	[tilespmem:$0x1C200] =	vst v63  }
0x86: {  	s23 =	simm.s32 $0x12200  }
0x87: {  	[tilespmem:s23], [sflag:$0x2] =	stream.indirect_vreg.gather [hbm4b:s1+s3], $0x80, v3, vm0, $0xb8;
	[tilespmem:$0x1C200] =	vst v63  }
0x88: {  	s24 =	simm.s32 $0x12A00  }
0x89: {  	[tilespmem:s24], [sflag:$0x2] =	stream.indirect_vreg.gather [hbm4b:s9+s3], $0x80, v3, vm0, $0xb8;
	[tilespmem:$0x1C200] =	vst v63  }
0x8a: {  	s26 =	simm.s32 $0x13200  }
0x8b: {  	[tilespmem:s26], [sflag:$0x2] =	stream.indirect_vreg.gather [hbm4b:s10+s3], $0x80, v3, vm0, $0xb8;
	[tilespmem:$0x1C200] =	vst v63  }
0x8c: {  	s28 =	simm.s32 $0x13A00;
	s30 =	simm.s32 $0x1  }
0x8d: {  	[tilespmem:s28], [sflag:$0x2] =	stream.indirect_vreg.gather [hbm4b:s12+s3], $0x80, v3, vm0, $0xb8;
	[tilespmem:$0x1C200] =	vst v63  }
0x8e: {  	_ =	swait.ge [sflag:s30], $0x4000  }
0x8f: {  	[sflag:s30] =	ssyncset.done $0x0  }
0x90: {  	[sflag:s30] =	ssyncadd.s32 $0xFFFFC000  }
0x91: {  	_ =	swait.ge [sflag:s30], $0x4000  }
0x92: {  	[sflag:s30] =	ssyncset.done $0x0  }
0x93: {  	s31 =	simm.s32 $0x7;
	[sflag:s30] =	ssyncadd.s32 $0xFFFFC000  }
0x94: {  	_ =	swait.ge [sflag:s31], $0x4000  }
0x95: {  	[sflag:s31] =	ssyncset.done $0x0  }
0x96: {  	s2 =	simm.s32 $0x0;
	[sflag:s31] =	ssyncadd.s32 $0xFFFFC000  }
.LBB2_2:
0x97: {  	s0 =	sshll.u32 s2, $0xA;
	s4 =	sshll.u32 s2, $0x7;
	s6 =	simm.s32 $0x0  }
0x98: {  	s7 =	simm.s32 $0x0;
	s0 =	sand.u32 $0x2000, s0;
	s4 =	sand.u32 $0x380, s4  }
0x99: {  	s7 =	sand.u32 $0x40, s7;
	s31 =	sand.u32 $0x1C00, s6;
	s4 =	sor.u32 s0, s4  }
0x9a: {  	s8 =	sor.u32 $0x30, s7;
	s6 =	sor.u32 s31, s4  }
0x9b: {  	s15 =	sor.u32 s8, s6  }
0x9c: {  	s16 =	sor.u32 $0x10, s7;
	v7 =	vld [tilespmem:s15+$0x200]  }
0x9d: {  	s17 =	sor.u32 s16, s6;
	v4 =	vld [tilespmem:s15+$0x4200]  }
0x9e: {  	v8 =	vld [tilespmem:s17+$0x200]  }
0x9f: {  	s13 =	simm.s32 $0x40;
	s26 =	sor.u32 $0x20, s7;
	s11 =	sadd.s32 $0x8200, s4;
	v5 =	vld [tilespmem:s17+$0x4200]  }
0xa0: {  	s14 =	simm.s32 $0x200;
	s22 =	sor.u32 s26, s6;
	s21 =	sadd.s32 s31, s11  }
0xa1: {  	s28 =	sand.u32 $0x1C00, s14;
	v3 =	vld [tilespmem:s22+$0x200];
	s0 =	sadd.s32 s8, s21;
	s8 =	sand.u32 $0x40, s13  }
0xa2: {  	s5 =	sor.u32 s7, s6;
	s31 =	sor.u32 s28, s4;
	v9 =	vld [tilespmem:s22+$0x4200];
	s6 =	sor.u32 $0x30, s8  }
0xa3: {  	v10 =	vld [tilespmem:s5+$0x4200];
	s18 =	sor.u32 s6, s31;
	v6 =	vadd.f32 v4, v7  }
0xa4: {  	v14 =	vld [tilespmem:s18+$0x4200];
	v5 =	vadd.f32 v5, v8  }
0xa5: {  	v4 =	vld [tilespmem:s5+$0x200];
	[tilespmem:s15+$0x4200] =	vst v6  }
0xa6: {  	s30 =	sadd.s32 s16, s21;
	[tilespmem:s17+$0x4200] =	vst v5;
	v12 =	vld [tilespmem:s0+$0x0]  }
0xa7: {  	s16 =	sor.u32 $0x10, s8;
	v13 =	vld [tilespmem:s30+$0x0]  }
0xa8: {  	s19 =	sor.u32 s16, s31;
	v6 =	vld [tilespmem:s18+$0x200]  }
0xa9: {  	s23 =	sor.u32 $0x20, s8;
	v11 =	vld [tilespmem:s19+$0x4200];
	v9 =	vadd.f32 v9, v3  }
0xaa: {  	v5 =	vld [tilespmem:s19+$0x200];
	s15 =	sor.u32 s23, s31;
	v10 =	vadd.f32 v10, v4  }
0xab: {  	[tilespmem:s22+$0x4200] =	vst v9;
	v9 =	vld [tilespmem:s15+$0x4200];
	v12 =	vadd.f32 v12, v7  }
0xac: {  	s22 =	sor.u32 s8, s31;
	[tilespmem:s5+$0x4200] =	vst v10;
	v7 =	vld [tilespmem:s15+$0x200];
	v10 =	vadd.f32 v13, v8  }
0xad: {  	v8 =	vld [tilespmem:s22+$0x200];
	[tilespmem:s0+$0x0] =	vst v12;
	v12 =	vadd.f32 v14, v6  }
0xae: {  	s17 =	sadd.s32 s7, s21;
	s0 =	sadd.s32 s26, s21;
	[tilespmem:s30+$0x0] =	vst v10;
	v10 =	vld [tilespmem:s22+$0x4200];
	s26 =	sadd.s32 s28, s11  }
.LBB2_3:
0xaf: {  	s13 =	sadd.s32 $0x40, s13;
	v11 =	vadd.f32 v11, v5;
	[tilespmem:s18+$0x4200] =	vst v12;
	s5 =	sadd.s32 s6, s26;
	s14 =	sadd.s32 $0x200, s14;
	v12 =	vld [tilespmem:s0+$0x0]  }
0xb0: {  	s28 =	sadd.s32 s16, s26;
	s7 =	sand.u32 $0x40, s13;
	s21 =	sand.u32 $0x1C00, s14;
	v13 =	vld [tilespmem:s5+$0x0]  }
0xb1: {  	s30 =	sor.u32 s21, s4;
	s16 =	sor.u32 $0x10, s7;
	s6 =	sor.u32 $0x30, s7;
	[tilespmem:s19+$0x4200] =	vst v11;
	v9 =	vadd.f32 v9, v7;
	v14 =	vld [tilespmem:s17+$0x0]  }
0xb2: {  	s31 =	sor.u32 $0x20, s7;
	s19 =	sor.u32 s16, s30;
	s18 =	sor.u32 s6, s30;
	v15 =	vld [tilespmem:s28+$0x0]  }
0xb3: {  	s20 =	sor.u32 s7, s30;
	v16 =	vld [tilespmem:s18+$0x200];
	v10 =	vadd.f32 v10, v8;
	[tilespmem:s15+$0x4200] =	vst v9;
	s15 =	sor.u32 s31, s30;
	s30 =	sadd.s32 s23, s26  }
0xb4: {  	p0 =	slt.u32 s13, $0x3C0;
	s26 =	sadd.s32 s8, s26;
	s8 =	smov.u32 s7;
	v17 =	vld [tilespmem:s18+$0x4200];
	v9 =	vadd.f32 v12, v3;
	v3 =	vmov v7  }
0xb5: {  	s23 =	smov.u32 s31;
	v18 =	vld [tilespmem:s19+$0x200];
	[tilespmem:s22+$0x4200] =	vst v10;
	v12 =	vadd.f32 v13, v6;
	s22 =	smov.u32 s20  }
.Ltmp0:
0xb6: {  	v11 =	vld [tilespmem:s19+$0x4200];
	v10 =	vadd.f32 v14, v4;
	[tilespmem:s0+$0x0] =	vst v9;
	v4 =	vmov v8;
	s0 =	smov.u32 s30;
	(pc) =	sbr.rel @p0 .LBB2_3-.Ltmp0, $4  }
0xb7: {  	v7 =	vld [tilespmem:s15+$0x200];
	v13 =	vadd.f32 v15, v5;
	[tilespmem:s5+$0x0] =	vst v12  }
0xb8: {  	v9 =	vld [tilespmem:s15+$0x4200];
	[tilespmem:s17+$0x0] =	vst v10;
	v6 =	vmov v16;
	s17 =	smov.u32 s26  }
0xb9: {  	v8 =	vld [tilespmem:s22+$0x200];
	v12 =	vadd.f32 v17, v6;
	[tilespmem:s28+$0x0] =	vst v13  }
0xba: {  	s26 =	sadd.s32 s21, s11;
	v10 =	vld [tilespmem:s22+$0x4200];
	v5 =	vmov v18  }
0xbb: {  	_ =	sdelay $0x1  }
0xbc: {  	v11 =	vadd.f32 v11, v5;
	v61 =	vld [tilespmem:s0+$0x0]  }
0xbd: {  	[tilespmem:s18+$0x4200] =	vst v12;
	s4 =	sadd.s32 s6, s26;
	v62 =	vld [tilespmem:s17+$0x0];
	v9 =	vadd.f32 v9, v7  }
0xbe: {  	s5 =	sadd.s32 s16, s26;
	v13 =	vld [tilespmem:s4+$0x0];
	[tilespmem:s19+$0x4200] =	vst v11;
	v10 =	vadd.f32 v10, v8  }
0xbf: {  	s31 =	sadd.s32 s23, s26;
	v14 =	vld [tilespmem:s5+$0x0];
	[tilespmem:s15+$0x4200] =	vst v9  }
0xc0: {  	s7 =	sadd.s32 s8, s26;
	v9 =	vld [tilespmem:s31+$0x0];
	[tilespmem:s22+$0x4200] =	vst v10  }
0xc1: {  	v3 =	vadd.f32 v61, v3;
	v10 =	vld [tilespmem:s7+$0x0]  }
0xc2: {  	s2 =	sadd.s32 $0x1, s2;
	v4 =	vadd.f32 v62, v4  }
0xc3: {  	p0 =	sne.s32 s2, $0x10;
	v6 =	vadd.f32 v13, v6;
	[tilespmem:s0+$0x0] =	vst v3  }
.Ltmp1:
0xc4: {  	[tilespmem:s17+$0x0] =	vst v4;
	v3 =	vadd.f32 v14, v5;
	(pc) =	sbr.rel @p0 .LBB2_2-.Ltmp1, $4  }
0xc5: {  	[tilespmem:s4+$0x0] =	vst v6;
	v63 =	vadd.f32 v9, v7  }
0xc6: {  	[tilespmem:s5+$0x0] =	vst v3;
	v3 =	vadd.f32 v10, v8  }
0xc7: {  	[tilespmem:s31+$0x0] =	vst v63  }
0xc8: {  	[tilespmem:s7+$0x0] =	vst v3  }
0xc9: {  	s2 =	simm.s32 $0x0;
	s0 =	rddreg [dreg:$0xa];
	s4 =	simm.s32 $0x4200  }
0xca: {  	[hbm4b:s0+s2] =	stream.linear.scatter [tilespmem:s4], [sflag:$0x4], $0x4000, $0x38;
	[tilespmem:$0x1C200] =	vst v63  }
0xcb: {  	s7 =	rddreg [dreg:$0xb];
	s8 =	simm.s32 $0x8200  }
0xcc: {  	[hbm4b:s7+s2] =	stream.linear.scatter [tilespmem:s8], [sflag:$0x4], $0x4000, $0x38;
	[tilespmem:$0x1C200] =	vst v63  }
0xcd: {  	v3 =	vld [tilespmem:$0x10];
	_ =	sdelay $0x4  }
0xce: {  	v4 =	vshll.u32 v3, $0x3  }
0xcf: {  	v3 =	vand.u32 $0x7, v3;
	v4 =	vand.u32 $0xFFFFFFC0, v4  }
0xd0: {  	v3 =	vor.u32 v3, v4  }
0xd1: {  	v4 =	vperm.xlane v3, v0;
	_ =	sdelay $0x1  }
0xd2: {  	v4 =	vadd.s32 v1, v4;
	_ =	sdelay $0x3  }
0xd3: {  	s11 =	simm.s32 $0x14200  }
0xd4: {  	[tilespmem:s11], [sflag:$0x3] =	stream.indirect_vreg.gather [hbm4b:s1+s2], $0x80, v4, vm0, $0xb8;
	[tilespmem:$0x1C200] =	vst v63  }
0xd5: {  	s13 =	simm.s32 $0x14A00;
	v3 =	vperm.xlane v3, v2  }
0xd6: {  	[tilespmem:s13], [sflag:$0x3] =	stream.indirect_vreg.gather [hbm4b:s9+s2], $0x80, v4, vm0, $0xb8;
	[tilespmem:$0x1C200] =	vst v63  }
0xd7: {  	s14 =	simm.s32 $0x15200;
	v3 =	vadd.s32 v1, v3  }
0xd8: {  	[tilespmem:s14], [sflag:$0x3] =	stream.indirect_vreg.gather [hbm4b:s10+s2], $0x80, v4, vm0, $0xb8;
	[tilespmem:$0x1C200] =	vst v63  }
0xd9: {  	s15 =	simm.s32 $0x15A00  }
0xda: {  	[tilespmem:s15], [sflag:$0x3] =	stream.indirect_vreg.gather [hbm4b:s12+s2], $0x80, v4, vm0, $0xb8;
	[tilespmem:$0x1C200] =	vst v63  }
0xdb: {  	s16 =	simm.s32 $0x16200  }
0xdc: {  	[tilespmem:s16], [sflag:$0x3] =	stream.indirect_vreg.gather [hbm4b:s1+s2], $0x80, v3, vm0, $0xb8;
	[tilespmem:$0x1C200] =	vst v63  }
0xdd: {  	s17 =	simm.s32 $0x16A00  }
0xde: {  	[tilespmem:s17], [sflag:$0x3] =	stream.indirect_vreg.gather [hbm4b:s9+s2], $0x80, v3, vm0, $0xb8;
	[tilespmem:$0x1C200] =	vst v63  }
0xdf: {  	s18 =	simm.s32 $0x17200  }
0xe0: {  	[tilespmem:s18], [sflag:$0x3] =	stream.indirect_vreg.gather [hbm4b:s10+s2], $0x80, v3, vm0, $0xb8;
	[tilespmem:$0x1C200] =	vst v63  }
0xe1: {  	s19 =	simm.s32 $0x17A00  }
0xe2: {  	[tilespmem:s19], [sflag:$0x3] =	stream.indirect_vreg.gather [hbm4b:s12+s2], $0x80, v3, vm0, $0xb8;
	[tilespmem:$0x1C200] =	vst v63  }
0xe3: {  	v3 =	vld [tilespmem:$0x90];
	_ =	sdelay $0x4  }
0xe4: {  	v63 =	vshll.u32 v3, $0x3  }
0xe5: {  	v3 =	vand.u32 $0x7, v3;
	v4 =	vand.u32 $0xFFFFFFC0, v63  }
0xe6: {  	v3 =	vor.u32 v3, v4  }
0xe7: {  	v4 =	vperm.xlane v3, v0;
	_ =	sdelay $0x1  }
0xe8: {  	v4 =	vadd.s32 v1, v4;
	_ =	sdelay $0x3  }
0xe9: {  	s20 =	simm.s32 $0x18200  }
0xea: {  	[tilespmem:s20], [sflag:$0x3] =	stream.indirect_vreg.gather [hbm4b:s1+s2], $0x80, v4, vm0, $0xb8;
	[tilespmem:$0x1C200] =	vst v63  }
0xeb: {  	s21 =	simm.s32 $0x18A00;
	v3 =	vperm.xlane v3, v2  }
0xec: {  	[tilespmem:s21], [sflag:$0x3] =	stream.indirect_vreg.gather [hbm4b:s9+s2], $0x80, v4, vm0, $0xb8;
	[tilespmem:$0x1C200] =	vst v63  }
0xed: {  	s22 =	simm.s32 $0x19200;
	v3 =	vadd.s32 v1, v3  }
0xee: {  	[tilespmem:s22], [sflag:$0x3] =	stream.indirect_vreg.gather [hbm4b:s10+s2], $0x80, v4, vm0, $0xb8;
	[tilespmem:$0x1C200] =	vst v63  }
0xef: {  	s23 =	simm.s32 $0x19A00  }
0xf0: {  	[tilespmem:s23], [sflag:$0x3] =	stream.indirect_vreg.gather [hbm4b:s12+s2], $0x80, v4, vm0, $0xb8;
	[tilespmem:$0x1C200] =	vst v63  }
0xf1: {  	s24 =	simm.s32 $0x1A200  }
0xf2: {  	[tilespmem:s24], [sflag:$0x3] =	stream.indirect_vreg.gather [hbm4b:s1+s2], $0x80, v3, vm0, $0xb8;
	[tilespmem:$0x1C200] =	vst v63  }
0xf3: {  	s26 =	simm.s32 $0x1AA00  }
0xf4: {  	[tilespmem:s26], [sflag:$0x3] =	stream.indirect_vreg.gather [hbm4b:s9+s2], $0x80, v3, vm0, $0xb8;
	[tilespmem:$0x1C200] =	vst v63  }
0xf5: {  	s28 =	simm.s32 $0x1B200  }
0xf6: {  	[tilespmem:s28], [sflag:$0x3] =	stream.indirect_vreg.gather [hbm4b:s10+s2], $0x80, v3, vm0, $0xb8;
	[tilespmem:$0x1C200] =	vst v63  }
0xf7: {  	s30 =	simm.s32 $0x1BA00;
	s31 =	simm.s32 $0x2  }
0xf8: {  	[tilespmem:s30], [sflag:$0x3] =	stream.indirect_vreg.gather [hbm4b:s12+s2], $0x80, v3, vm0, $0xb8;
	[tilespmem:$0x1C200] =	vst v63  }
0xf9: {  	_ =	swait.ge [sflag:s31], $0x4000  }
0xfa: {  	[sflag:s31] =	ssyncset.done $0x0  }
0xfb: {  	[sflag:s31] =	ssyncadd.s32 $0xFFFFC000  }
0xfc: {  	_ =	swait.ge [sflag:s31], $0x4000  }
0xfd: {  	[sflag:s31] =	ssyncset.done $0x0  }
0xfe: {  	s4 =	simm.s32 $0x0;
	[sflag:s31] =	ssyncadd.s32 $0xFFFFC000  }
.LBB2_6:
0xff: {  	s0 =	sshll.u32 s4, $0xA;
	s5 =	sshll.u32 s4, $0x7  }
0x100: {  	s6 =	simm.s32 $0x0;
	s0 =	sand.u32 $0x2000, s0;
	s5 =	sand.u32 $0x380, s5  }
0x101: {  	s30 =	sand.u32 $0x1C00, s2;
	s24 =	sand.u32 $0x40, s6;
	s11 =	sor.u32 s0, s5  }
0x102: {  	s7 =	sor.u32 $0x30, s24;
	s31 =	sor.u32 s30, s11  }
0x103: {  	s13 =	sor.u32 s7, s31  }
0x104: {  	s16 =	sor.u32 $0x10, s24;
	v7 =	vld [tilespmem:s13+$0x200]  }
0x105: {  	s17 =	sor.u32 s16, s31;
	v4 =	vld [tilespmem:s13+$0xC200]  }
0x106: {  	v8 =	vld [tilespmem:s17+$0x200]  }
0x107: {  	v5 =	vld [tilespmem:s17+$0xC200]  }
0x108: {  	s19 =	sor.u32 $0x20, s24  }
0x109: {  	s20 =	sor.u32 s19, s31  }
0x10a: {  	v3 =	vld [tilespmem:s20+$0x200]  }
0x10b: {  	s8 =	sadd.s32 $0x10200, s11;
	s21 =	sor.u32 s24, s31;
	v9 =	vld [tilespmem:s20+$0xC200];
	v6 =	vadd.f32 v4, v7  }
0x10c: {  	s14 =	simm.s32 $0x40;
	s15 =	simm.s32 $0x200;
	s28 =	sadd.s32 s30, s8;
	v10 =	vld [tilespmem:s21+$0xC200];
	v5 =	vadd.f32 v5, v8  }
0x10d: {  	s30 =	sand.u32 $0x1C00, s15;
	s7 =	sadd.s32 s7, s28;
	v4 =	vld [tilespmem:s21+$0x200];
	[tilespmem:s13+$0xC200] =	vst v6;
	s13 =	sand.u32 $0x40, s14  }
0x10e: {  	s31 =	sadd.s32 s16, s28;
	s22 =	sor.u32 s30, s11;
	[tilespmem:s17+$0xC200] =	vst v5;
	v12 =	vld [tilespmem:s7+$0x0];
	s18 =	sor.u32 $0x30, s13  }
0x10f: {  	v13 =	vld [tilespmem:s31+$0x0];
	s26 =	sor.u32 s18, s22  }
0x110: {  	s17 =	sor.u32 $0x10, s13;
	v6 =	vld [tilespmem:s26+$0x200]  }
0x111: {  	s0 =	sor.u32 s17, s22;
	v14 =	vld [tilespmem:s26+$0xC200]  }
0x112: {  	v9 =	vadd.f32 v9, v3;
	s6 =	sor.u32 $0x20, s13;
	v5 =	vld [tilespmem:s0+$0x200]  }
0x113: {  	s16 =	sor.u32 s6, s22;
	v10 =	vadd.f32 v10, v4;
	v11 =	vld [tilespmem:s0+$0xC200]  }
0x114: {  	[tilespmem:s20+$0xC200] =	vst v9;
	v9 =	vld [tilespmem:s16+$0xC200];
	v12 =	vadd.f32 v12, v7  }
0x115: {  	s23 =	sor.u32 s13, s22;
	[tilespmem:s21+$0xC200] =	vst v10;
	v7 =	vld [tilespmem:s16+$0x200];
	v10 =	vadd.f32 v13, v8  }
0x116: {  	v8 =	vld [tilespmem:s23+$0x200];
	[tilespmem:s7+$0x0] =	vst v12;
	v12 =	vadd.f32 v14, v6  }
0x117: {  	s22 =	sadd.s32 s19, s28;
	s19 =	sadd.s32 s24, s28;
	[tilespmem:s31+$0x0] =	vst v10;
	v10 =	vld [tilespmem:s23+$0xC200];
	s7 =	sadd.s32 s30, s8  }
.LBB2_7:
0x118: {  	s14 =	sadd.s32 $0x40, s14;
	v11 =	vadd.f32 v11, v5;
	[tilespmem:s26+$0xC200] =	vst v12;
	s5 =	sadd.s32 s18, s7;
	s15 =	sadd.s32 $0x200, s15;
	v12 =	vld [tilespmem:s22+$0x0]  }
0x119: {  	s28 =	sadd.s32 s17, s7;
	s20 =	sand.u32 $0x40, s14;
	s21 =	sand.u32 $0x1C00, s15;
	v13 =	vld [tilespmem:s5+$0x0]  }
0x11a: {  	s30 =	sor.u32 s21, s11;
	s17 =	sor.u32 $0x10, s20;
	s18 =	sor.u32 $0x30, s20;
	[tilespmem:s0+$0xC200] =	vst v11;
	v9 =	vadd.f32 v9, v7;
	v14 =	vld [tilespmem:s19+$0x0]  }
0x11b: {  	s31 =	sor.u32 $0x20, s20;
	s0 =	sor.u32 s17, s30;
	s26 =	sor.u32 s18, s30;
	v15 =	vld [tilespmem:s28+$0x0]  }
0x11c: {  	s24 =	sor.u32 s20, s30;
	v16 =	vld [tilespmem:s26+$0x200];
	v10 =	vadd.f32 v10, v8;
	[tilespmem:s16+$0xC200] =	vst v9;
	s16 =	sor.u32 s31, s30;
	s30 =	sadd.s32 s6, s7  }
0x11d: {  	p0 =	slt.u32 s14, $0x3C0;
	s7 =	sadd.s32 s13, s7;
	s13 =	smov.u32 s20;
	v17 =	vld [tilespmem:s26+$0xC200];
	v9 =	vadd.f32 v12, v3;
	v3 =	vmov v7  }
0x11e: {  	s6 =	smov.u32 s31;
	v18 =	vld [tilespmem:s0+$0x200];
	[tilespmem:s23+$0xC200] =	vst v10;
	v12 =	vadd.f32 v13, v6;
	s23 =	smov.u32 s24  }
.Ltmp2:
0x11f: {  	v11 =	vld [tilespmem:s0+$0xC200];
	v10 =	vadd.f32 v14, v4;
	[tilespmem:s22+$0x0] =	vst v9;
	v4 =	vmov v8;
	s22 =	smov.u32 s30;
	(pc) =	sbr.rel @p0 .LBB2_7-.Ltmp2, $4  }
0x120: {  	v7 =	vld [tilespmem:s16+$0x200];
	v13 =	vadd.f32 v15, v5;
	[tilespmem:s5+$0x0] =	vst v12  }
0x121: {  	v9 =	vld [tilespmem:s16+$0xC200];
	[tilespmem:s19+$0x0] =	vst v10;
	v6 =	vmov v16;
	s19 =	smov.u32 s7  }
0x122: {  	v8 =	vld [tilespmem:s23+$0x200];
	v12 =	vadd.f32 v17, v6;
	[tilespmem:s28+$0x0] =	vst v13  }
0x123: {  	s7 =	sadd.s32 s21, s8;
	v10 =	vld [tilespmem:s23+$0xC200];
	v5 =	vmov v18  }
0x124: {  	_ =	sdelay $0x1  }
0x125: {  	v11 =	vadd.f32 v11, v5;
	v61 =	vld [tilespmem:s22+$0x0]  }
0x126: {  	[tilespmem:s26+$0xC200] =	vst v12;
	s5 =	sadd.s32 s18, s7;
	v62 =	vld [tilespmem:s19+$0x0];
	v9 =	vadd.f32 v9, v7  }
0x127: {  	s8 =	sadd.s32 s17, s7;
	v13 =	vld [tilespmem:s5+$0x0];
	[tilespmem:s0+$0xC200] =	vst v11;
	v10 =	vadd.f32 v10, v8  }
0x128: {  	s30 =	sadd.s32 s6, s7;
	v14 =	vld [tilespmem:s8+$0x0];
	[tilespmem:s16+$0xC200] =	vst v9  }
0x129: {  	s31 =	sadd.s32 s13, s7;
	v9 =	vld [tilespmem:s30+$0x0];
	[tilespmem:s23+$0xC200] =	vst v10  }
0x12a: {  	v3 =	vadd.f32 v61, v3;
	v10 =	vld [tilespmem:s31+$0x0]  }
0x12b: {  	s4 =	sadd.s32 $0x1, s4;
	v4 =	vadd.f32 v62, v4  }
0x12c: {  	p0 =	sne.s32 s4, $0x10;
	v6 =	vadd.f32 v13, v6;
	[tilespmem:s22+$0x0] =	vst v3  }
.Ltmp3:
0x12d: {  	[tilespmem:s19+$0x0] =	vst v4;
	v3 =	vadd.f32 v14, v5;
	(pc) =	sbr.rel @p0 .LBB2_6-.Ltmp3, $4  }
0x12e: {  	[tilespmem:s5+$0x0] =	vst v6;
	v63 =	vadd.f32 v9, v7  }
0x12f: {  	[tilespmem:s8+$0x0] =	vst v3;
	v3 =	vadd.f32 v10, v8  }
0x130: {  	[tilespmem:s30+$0x0] =	vst v63  }
0x131: {  	[tilespmem:s31+$0x0] =	vst v3  }
0x132: {  	s2 =	simm.s32 $0x0;
	s0 =	rddreg [dreg:$0xc];
	s4 =	simm.s32 $0xC200  }
0x133: {  	[hbm4b:s0+s2] =	stream.linear.scatter [tilespmem:s4], [sflag:$0x5], $0x4000, $0x38;
	[tilespmem:$0x1C200] =	vst v63  }
0x134: {  	s5 =	simm.s32 $0x10200;
	s4 =	rddreg [dreg:$0xd]  }
0x135: {  	[hbm4b:s4+s2] =	stream.linear.scatter [tilespmem:s5], [sflag:$0x5], $0x4000, $0x38;
	[tilespmem:$0x1C200] =	vst v63  }
0x136: {  	s6 =	rddreg [dreg:$0xe];
	s7 =	simm.s32 $0x200  }
0x137: {  	[tilespmem:s7], [sflag:$0x7] =	stream.linear.gather [hbm4b:s6+s2], $0x4000, $0x38;
	[tilespmem:$0x1C200] =	vst v63  }
0x138: {  	_ =	swait.ge [sflag:s25], $0x4000  }
0x139: {  	[sflag:s25] =	ssyncset.done $0x0  }
0x13a: {  	[sflag:s25] =	ssyncadd.s32 $0xFFFFC000  }
0x13b: {  	_ =	swait.ge [sflag:s25], $0x4000  }
0x13c: {  	[sflag:s25] =	ssyncset.done $0x0  }
0x13d: {  	[sflag:s25] =	ssyncadd.s32 $0xFFFFC000  }
0x13e: {  	v3 =	vld [tilespmem:$0x110];
	_ =	sdelay $0x4  }
0x13f: {  	v4 =	vshll.u32 v3, $0x3  }
0x140: {  	v3 =	vand.u32 $0x7, v3;
	v4 =	vand.u32 $0xFFFFFFC0, v4  }
0x141: {  	v3 =	vor.u32 v3, v4  }
0x142: {  	v4 =	vperm.xlane v3, v0;
	_ =	sdelay $0x1  }
0x143: {  	v4 =	vadd.s32 v1, v4;
	_ =	sdelay $0x3  }
0x144: {  	s8 =	simm.s32 $0x4200  }
0x145: {  	[tilespmem:s8], [sflag:$0x1] =	stream.indirect_vreg.gather [hbm4b:s1+s2], $0x80, v4, vm0, $0xb8;
	[tilespmem:$0x1C200] =	vst v63  }
0x146: {  	s11 =	simm.s32 $0x4A00;
	v3 =	vperm.xlane v3, v2  }
0x147: {  	[tilespmem:s11], [sflag:$0x1] =	stream.indirect_vreg.gather [hbm4b:s9+s2], $0x80, v4, vm0, $0xb8;
	[tilespmem:$0x1C200] =	vst v63  }
0x148: {  	s13 =	simm.s32 $0x5200;
	v3 =	vadd.s32 v1, v3  }
0x149: {  	[tilespmem:s13], [sflag:$0x1] =	stream.indirect_vreg.gather [hbm4b:s10+s2], $0x80, v4, vm0, $0xb8;
	[tilespmem:$0x1C200] =	vst v63  }
0x14a: {  	s14 =	simm.s32 $0x5A00  }
0x14b: {  	[tilespmem:s14], [sflag:$0x1] =	stream.indirect_vreg.gather [hbm4b:s12+s2], $0x80, v4, vm0, $0xb8;
	[tilespmem:$0x1C200] =	vst v63  }
0x14c: {  	s15 =	simm.s32 $0x6200  }
0x14d: {  	[tilespmem:s15], [sflag:$0x1] =	stream.indirect_vreg.gather [hbm4b:s1+s2], $0x80, v3, vm0, $0xb8;
	[tilespmem:$0x1C200] =	vst v63  }
0x14e: {  	s16 =	simm.s32 $0x6A00  }
0x14f: {  	[tilespmem:s16], [sflag:$0x1] =	stream.indirect_vreg.gather [hbm4b:s9+s2], $0x80, v3, vm0, $0xb8;
	[tilespmem:$0x1C200] =	vst v63  }
0x150: {  	s17 =	simm.s32 $0x7200  }
0x151: {  	[tilespmem:s17], [sflag:$0x1] =	stream.indirect_vreg.gather [hbm4b:s10+s2], $0x80, v3, vm0, $0xb8;
	[tilespmem:$0x1C200] =	vst v63  }
0x152: {  	s18 =	simm.s32 $0x7A00  }
0x153: {  	[tilespmem:s18], [sflag:$0x1] =	stream.indirect_vreg.gather [hbm4b:s12+s2], $0x80, v3, vm0, $0xb8;
	[tilespmem:$0x1C200] =	vst v63  }
0x154: {  	v3 =	vld [tilespmem:$0x190];
	_ =	sdelay $0x4  }
0x155: {  	v63 =	vshll.u32 v3, $0x3  }
0x156: {  	v3 =	vand.u32 $0x7, v3;
	v4 =	vand.u32 $0xFFFFFFC0, v63  }
0x157: {  	v3 =	vor.u32 v3, v4  }
0x158: {  	v4 =	vperm.xlane v3, v0;
	_ =	sdelay $0x1  }
0x159: {  	v4 =	vadd.s32 v1, v4;
	_ =	sdelay $0x3  }
0x15a: {  	s19 =	simm.s32 $0x8200  }
0x15b: {  	[tilespmem:s19], [sflag:$0x1] =	stream.indirect_vreg.gather [hbm4b:s1+s2], $0x80, v4, vm0, $0xb8;
	[tilespmem:$0x1C200] =	vst v63  }
0x15c: {  	s20 =	simm.s32 $0x8A00;
	v3 =	vperm.xlane v3, v2  }
0x15d: {  	[tilespmem:s20], [sflag:$0x1] =	stream.indirect_vreg.gather [hbm4b:s9+s2], $0x80, v4, vm0, $0xb8;
	[tilespmem:$0x1C200] =	vst v63  }
0x15e: {  	s21 =	simm.s32 $0x9200;
	v3 =	vadd.s32 v1, v3  }
0x15f: {  	[tilespmem:s21], [sflag:$0x1] =	stream.indirect_vreg.gather [hbm4b:s10+s2], $0x80, v4, vm0, $0xb8;
	[tilespmem:$0x1C200] =	vst v63  }
0x160: {  	s22 =	simm.s32 $0x9A00  }
0x161: {  	[tilespmem:s22], [sflag:$0x1] =	stream.indirect_vreg.gather [hbm4b:s12+s2], $0x80, v4, vm0, $0xb8;
	[tilespmem:$0x1C200] =	vst v63  }
0x162: {  	s23 =	simm.s32 $0xA200  }
0x163: {  	[tilespmem:s23], [sflag:$0x1] =	stream.indirect_vreg.gather [hbm4b:s1+s2], $0x80, v3, vm0, $0xb8;
	[tilespmem:$0x1C200] =	vst v63  }
0x164: {  	s24 =	simm.s32 $0xAA00  }
0x165: {  	[tilespmem:s24], [sflag:$0x1] =	stream.indirect_vreg.gather [hbm4b:s9+s2], $0x80, v3, vm0, $0xb8;
	[tilespmem:$0x1C200] =	vst v63  }
0x166: {  	s26 =	simm.s32 $0xB200  }
0x167: {  	[tilespmem:s26], [sflag:$0x1] =	stream.indirect_vreg.gather [hbm4b:s10+s2], $0x80, v3, vm0, $0xb8;
	[tilespmem:$0x1C200] =	vst v63  }
0x168: {  	s28 =	simm.s32 $0xBA00;
	s30 =	simm.s32 $0x3  }
0x169: {  	[tilespmem:s28], [sflag:$0x1] =	stream.indirect_vreg.gather [hbm4b:s12+s2], $0x80, v3, vm0, $0xb8;
	[tilespmem:$0x1C200] =	vst v63  }
0x16a: {  	_ =	swait.ge [sflag:s30], $0x4000  }
0x16b: {  	[sflag:s30] =	ssyncset.done $0x0  }
0x16c: {  	[sflag:s30] =	ssyncadd.s32 $0xFFFFC000  }
0x16d: {  	_ =	swait.ge [sflag:s30], $0x4000  }
0x16e: {  	[sflag:s30] =	ssyncset.done $0x0  }
0x16f: {  	s31 =	simm.s32 $0x7;
	[sflag:s30] =	ssyncadd.s32 $0xFFFFC000  }
0x170: {  	_ =	swait.ge [sflag:s31], $0x4000  }
0x171: {  	[sflag:s31] =	ssyncset.done $0x0  }
0x172: {  	s4 =	simm.s32 $0x0;
	[sflag:s31] =	ssyncadd.s32 $0xFFFFC000  }
.LBB2_10:
0x173: {  	s0 =	sshll.u32 s4, $0xA;
	s5 =	sshll.u32 s4, $0x7  }
0x174: {  	s6 =	simm.s32 $0x0;
	s0 =	sand.u32 $0x2000, s0;
	s5 =	sand.u32 $0x380, s5  }
0x175: {  	s30 =	sand.u32 $0x1C00, s2;
	s11 =	sor.u32 s0, s5;
	s5 =	sand.u32 $0x40, s6  }
0x176: {  	s31 =	sor.u32 s30, s11;
	s7 =	sor.u32 $0x30, s5  }
0x177: {  	s13 =	sor.u32 s7, s31  }
0x178: {  	s16 =	sor.u32 $0x10, s5;
	v7 =	vld [tilespmem:s13+$0x200]  }
0x179: {  	s17 =	sor.u32 s16, s31;
	v4 =	vld [tilespmem:s13+$0x14200]  }
0x17a: {  	v8 =	vld [tilespmem:s17+$0x200]  }
0x17b: {  	v5 =	vld [tilespmem:s17+$0x14200]  }
0x17c: {  	s19 =	sor.u32 $0x20, s5  }
0x17d: {  	s20 =	sor.u32 s19, s31  }
0x17e: {  	v3 =	vld [tilespmem:s20+$0x200]  }
0x17f: {  	s8 =	sadd.s32 $0x18200, s11;
	s21 =	sor.u32 s5, s31;
	v9 =	vld [tilespmem:s20+$0x14200];
	v6 =	vadd.f32 v4, v7  }
0x180: {  	s14 =	simm.s32 $0x40;
	s15 =	simm.s32 $0x200;
	s24 =	sadd.s32 s30, s8;
	v10 =	vld [tilespmem:s21+$0x14200];
	v5 =	vadd.f32 v5, v8  }
0x181: {  	s28 =	sand.u32 $0x1C00, s15;
	s7 =	sadd.s32 s7, s24;
	v4 =	vld [tilespmem:s21+$0x200];
	[tilespmem:s13+$0x14200] =	vst v6;
	s13 =	sand.u32 $0x40, s14  }
0x182: {  	s22 =	sor.u32 s28, s11;
	s30 =	sadd.s32 s16, s24;
	[tilespmem:s17+$0x14200] =	vst v5;
	v12 =	vld [tilespmem:s7+$0x0];
	s18 =	sor.u32 $0x30, s13  }
0x183: {  	v13 =	vld [tilespmem:s30+$0x0];
	s26 =	sor.u32 s18, s22  }
0x184: {  	s17 =	sor.u32 $0x10, s13;
	v6 =	vld [tilespmem:s26+$0x200]  }
0x185: {  	s0 =	sor.u32 s17, s22;
	v14 =	vld [tilespmem:s26+$0x14200]  }
0x186: {  	v9 =	vadd.f32 v9, v3;
	s6 =	sor.u32 $0x20, s13;
	v5 =	vld [tilespmem:s0+$0x200]  }
0x187: {  	s16 =	sor.u32 s6, s22;
	v10 =	vadd.f32 v10, v4;
	v11 =	vld [tilespmem:s0+$0x14200]  }
0x188: {  	[tilespmem:s20+$0x14200] =	vst v9;
	v9 =	vld [tilespmem:s16+$0x14200];
	v12 =	vadd.f32 v12, v7  }
0x189: {  	s23 =	sor.u32 s13, s22;
	[tilespmem:s21+$0x14200] =	vst v10;
	v7 =	vld [tilespmem:s16+$0x200];
	v10 =	vadd.f32 v13, v8  }
0x18a: {  	v8 =	vld [tilespmem:s23+$0x200];
	[tilespmem:s7+$0x0] =	vst v12;
	v12 =	vadd.f32 v14, v6  }
0x18b: {  	s22 =	sadd.s32 s19, s24;
	s19 =	sadd.s32 s5, s24;
	[tilespmem:s30+$0x0] =	vst v10;
	v10 =	vld [tilespmem:s23+$0x14200];
	s7 =	sadd.s32 s28, s8  }
.LBB2_11:
0x18c: {  	s14 =	sadd.s32 $0x40, s14;
	v11 =	vadd.f32 v11, v5;
	[tilespmem:s26+$0x14200] =	vst v12;
	s5 =	sadd.s32 s18, s7;
	s15 =	sadd.s32 $0x200, s15;
	v12 =	vld [tilespmem:s22+$0x0]  }
0x18d: {  	s24 =	sadd.s32 s17, s7;
	s20 =	sand.u32 $0x40, s14;
	s21 =	sand.u32 $0x1C00, s15;
	v13 =	vld [tilespmem:s5+$0x0]  }
0x18e: {  	s28 =	sor.u32 s21, s11;
	s17 =	sor.u32 $0x10, s20;
	s18 =	sor.u32 $0x30, s20;
	[tilespmem:s0+$0x14200] =	vst v11;
	v9 =	vadd.f32 v9, v7;
	v14 =	vld [tilespmem:s19+$0x0]  }
0x18f: {  	s30 =	sor.u32 $0x20, s20;
	s0 =	sor.u32 s17, s28;
	s26 =	sor.u32 s18, s28;
	v15 =	vld [tilespmem:s24+$0x0]  }
0x190: {  	s31 =	sor.u32 s20, s28;
	v16 =	vld [tilespmem:s26+$0x200];
	v10 =	vadd.f32 v10, v8;
	[tilespmem:s16+$0x14200] =	vst v9;
	s16 =	sor.u32 s30, s28;
	s28 =	sadd.s32 s6, s7  }
0x191: {  	p0 =	slt.u32 s14, $0x3C0;
	s7 =	sadd.s32 s13, s7;
	s13 =	smov.u32 s20;
	v17 =	vld [tilespmem:s26+$0x14200];
	v9 =	vadd.f32 v12, v3;
	v3 =	vmov v7  }
0x192: {  	s6 =	smov.u32 s30;
	v18 =	vld [tilespmem:s0+$0x200];
	[tilespmem:s23+$0x14200] =	vst v10;
	v12 =	vadd.f32 v13, v6;
	s23 =	smov.u32 s31  }
.Ltmp4:
0x193: {  	v11 =	vld [tilespmem:s0+$0x14200];
	v10 =	vadd.f32 v14, v4;
	[tilespmem:s22+$0x0] =	vst v9;
	v4 =	vmov v8;
	s22 =	smov.u32 s28;
	(pc) =	sbr.rel @p0 .LBB2_11-.Ltmp4, $4  }
0x194: {  	v7 =	vld [tilespmem:s16+$0x200];
	v13 =	vadd.f32 v15, v5;
	[tilespmem:s5+$0x0] =	vst v12  }
0x195: {  	v9 =	vld [tilespmem:s16+$0x14200];
	[tilespmem:s19+$0x0] =	vst v10;
	v6 =	vmov v16;
	s19 =	smov.u32 s7  }
0x196: {  	v8 =	vld [tilespmem:s23+$0x200];
	v12 =	vadd.f32 v17, v6;
	[tilespmem:s24+$0x0] =	vst v13  }
0x197: {  	s7 =	sadd.s32 s21, s8;
	v10 =	vld [tilespmem:s23+$0x14200];
	v5 =	vmov v18  }
0x198: {  	_ =	sdelay $0x1  }
0x199: {  	v11 =	vadd.f32 v11, v5;
	v61 =	vld [tilespmem:s22+$0x0]  }
0x19a: {  	[tilespmem:s26+$0x14200] =	vst v12;
	s5 =	sadd.s32 s18, s7;
	v62 =	vld [tilespmem:s19+$0x0];
	v9 =	vadd.f32 v9, v7  }
0x19b: {  	s8 =	sadd.s32 s17, s7;
	v13 =	vld [tilespmem:s5+$0x0];
	[tilespmem:s0+$0x14200] =	vst v11;
	v10 =	vadd.f32 v10, v8  }
0x19c: {  	s30 =	sadd.s32 s6, s7;
	v14 =	vld [tilespmem:s8+$0x0];
	[tilespmem:s16+$0x14200] =	vst v9  }
0x19d: {  	s31 =	sadd.s32 s13, s7;
	v9 =	vld [tilespmem:s30+$0x0];
	[tilespmem:s23+$0x14200] =	vst v10  }
0x19e: {  	v3 =	vadd.f32 v61, v3;
	v10 =	vld [tilespmem:s31+$0x0]  }
0x19f: {  	s4 =	sadd.s32 $0x1, s4;
	v4 =	vadd.f32 v62, v4  }
0x1a0: {  	p0 =	sne.s32 s4, $0x10;
	v6 =	vadd.f32 v13, v6;
	[tilespmem:s22+$0x0] =	vst v3  }
.Ltmp5:
0x1a1: {  	[tilespmem:s19+$0x0] =	vst v4;
	v3 =	vadd.f32 v14, v5;
	(pc) =	sbr.rel @p0 .LBB2_10-.Ltmp5, $4  }
0x1a2: {  	[tilespmem:s5+$0x0] =	vst v6;
	v63 =	vadd.f32 v9, v7  }
0x1a3: {  	[tilespmem:s8+$0x0] =	vst v3;
	v3 =	vadd.f32 v10, v8  }
0x1a4: {  	[tilespmem:s30+$0x0] =	vst v63  }
0x1a5: {  	[tilespmem:s31+$0x0] =	vst v3  }
0x1a6: {  	s2 =	simm.s32 $0x0;
	s0 =	rddreg [dreg:$0xf];
	s4 =	simm.s32 $0x14200  }
0x1a7: {  	[hbm4b:s0+s2] =	stream.linear.scatter [tilespmem:s4], [sflag:$0x6], $0x4000, $0x38;
	[tilespmem:$0x1C200] =	vst v63  }
0x1a8: {  	s7 =	rddreg [dreg:$0x10];
	s8 =	simm.s32 $0x18200  }
0x1a9: {  	[hbm4b:s7+s2] =	stream.linear.scatter [tilespmem:s8], [sflag:$0x6], $0x4000, $0x38;
	[tilespmem:$0x1C200] =	vst v63  }
0x1aa: {  	_ =	swait.ge [sflag:s29], $0x4000  }
0x1ab: {  	[sflag:s29] =	ssyncset.done $0x0  }
0x1ac: {  	[sflag:s29] =	ssyncadd.s32 $0xFFFFC000  }
0x1ad: {  	_ =	swait.ge [sflag:s29], $0x4000  }
0x1ae: {  	[sflag:s29] =	ssyncset.done $0x0  }
0x1af: {  	[sflag:s29] =	ssyncadd.s32 $0xFFFFC000  }
0x1b0: {  	v3 =	vld [tilespmem:$0x20];
	_ =	sdelay $0x4  }
0x1b1: {  	v4 =	vshll.u32 v3, $0x3  }
0x1b2: {  	v3 =	vand.u32 $0x7, v3;
	v4 =	vand.u32 $0xFFFFFFC0, v4  }
0x1b3: {  	v3 =	vor.u32 v3, v4  }
0x1b4: {  	v4 =	vperm.xlane v3, v0;
	_ =	sdelay $0x1  }
0x1b5: {  	v4 =	vadd.s32 v1, v4;
	_ =	sdelay $0x3  }
0x1b6: {  	s11 =	simm.s32 $0xC200  }
0x1b7: {  	[tilespmem:s11], [sflag:$0x2] =	stream.indirect_vreg.gather [hbm4b:s1+s2], $0x80, v4, vm0, $0xb8;
	[tilespmem:$0x1C200] =	vst v63  }
0x1b8: {  	s13 =	simm.s32 $0xCA00;
	v3 =	vperm.xlane v3, v2  }
0x1b9: {  	[tilespmem:s13], [sflag:$0x2] =	stream.indirect_vreg.gather [hbm4b:s9+s2], $0x80, v4, vm0, $0xb8;
	[tilespmem:$0x1C200] =	vst v63  }
0x1ba: {  	s14 =	simm.s32 $0xD200;
	v3 =	vadd.s32 v1, v3  }
0x1bb: {  	[tilespmem:s14], [sflag:$0x2] =	stream.indirect_vreg.gather [hbm4b:s10+s2], $0x80, v4, vm0, $0xb8;
	[tilespmem:$0x1C200] =	vst v63  }
0x1bc: {  	s15 =	simm.s32 $0xDA00  }
0x1bd: {  	[tilespmem:s15], [sflag:$0x2] =	stream.indirect_vreg.gather [hbm4b:s12+s2], $0x80, v4, vm0, $0xb8;
	[tilespmem:$0x1C200] =	vst v63  }
0x1be: {  	s16 =	simm.s32 $0xE200  }
0x1bf: {  	[tilespmem:s16], [sflag:$0x2] =	stream.indirect_vreg.gather [hbm4b:s1+s2], $0x80, v3, vm0, $0xb8;
	[tilespmem:$0x1C200] =	vst v63  }
0x1c0: {  	s17 =	simm.s32 $0xEA00  }
0x1c1: {  	[tilespmem:s17], [sflag:$0x2] =	stream.indirect_vreg.gather [hbm4b:s9+s2], $0x80, v3, vm0, $0xb8;
	[tilespmem:$0x1C200] =	vst v63  }
0x1c2: {  	s18 =	simm.s32 $0xF200  }
0x1c3: {  	[tilespmem:s18], [sflag:$0x2] =	stream.indirect_vreg.gather [hbm4b:s10+s2], $0x80, v3, vm0, $0xb8;
	[tilespmem:$0x1C200] =	vst v63  }
0x1c4: {  	s19 =	simm.s32 $0xFA00  }
0x1c5: {  	[tilespmem:s19], [sflag:$0x2] =	stream.indirect_vreg.gather [hbm4b:s12+s2], $0x80, v3, vm0, $0xb8;
	[tilespmem:$0x1C200] =	vst v63  }
0x1c6: {  	v3 =	vld [tilespmem:$0xA0];
	_ =	sdelay $0x4  }
0x1c7: {  	v63 =	vshll.u32 v3, $0x3  }
0x1c8: {  	v3 =	vand.u32 $0x7, v3;
	v4 =	vand.u32 $0xFFFFFFC0, v63  }
0x1c9: {  	v3 =	vor.u32 v3, v4  }
0x1ca: {  	v4 =	vperm.xlane v3, v0;
	_ =	sdelay $0x1  }
0x1cb: {  	v4 =	vadd.s32 v1, v4;
	_ =	sdelay $0x3  }
0x1cc: {  	s20 =	simm.s32 $0x10200  }
0x1cd: {  	[tilespmem:s20], [sflag:$0x2] =	stream.indirect_vreg.gather [hbm4b:s1+s2], $0x80, v4, vm0, $0xb8;
	[tilespmem:$0x1C200] =	vst v63  }
0x1ce: {  	s21 =	simm.s32 $0x10A00;
	v3 =	vperm.xlane v3, v2  }
0x1cf: {  	[tilespmem:s21], [sflag:$0x2] =	stream.indirect_vreg.gather [hbm4b:s9+s2], $0x80, v4, vm0, $0xb8;
	[tilespmem:$0x1C200] =	vst v63  }
0x1d0: {  	s22 =	simm.s32 $0x11200;
	v3 =	vadd.s32 v1, v3  }
0x1d1: {  	[tilespmem:s22], [sflag:$0x2] =	stream.indirect_vreg.gather [hbm4b:s10+s2], $0x80, v4, vm0, $0xb8;
	[tilespmem:$0x1C200] =	vst v63  }
0x1d2: {  	s23 =	simm.s32 $0x11A00  }
0x1d3: {  	[tilespmem:s23], [sflag:$0x2] =	stream.indirect_vreg.gather [hbm4b:s12+s2], $0x80, v4, vm0, $0xb8;
	[tilespmem:$0x1C200] =	vst v63  }
0x1d4: {  	s24 =	simm.s32 $0x12200  }
0x1d5: {  	[tilespmem:s24], [sflag:$0x2] =	stream.indirect_vreg.gather [hbm4b:s1+s2], $0x80, v3, vm0, $0xb8;
	[tilespmem:$0x1C200] =	vst v63  }
0x1d6: {  	s26 =	simm.s32 $0x12A00  }
0x1d7: {  	[tilespmem:s26], [sflag:$0x2] =	stream.indirect_vreg.gather [hbm4b:s9+s2], $0x80, v3, vm0, $0xb8;
	[tilespmem:$0x1C200] =	vst v63  }
0x1d8: {  	s28 =	simm.s32 $0x13200  }
0x1d9: {  	[tilespmem:s28], [sflag:$0x2] =	stream.indirect_vreg.gather [hbm4b:s10+s2], $0x80, v3, vm0, $0xb8;
	[tilespmem:$0x1C200] =	vst v63  }
0x1da: {  	s30 =	simm.s32 $0x13A00;
	s31 =	simm.s32 $0x1  }
0x1db: {  	[tilespmem:s30], [sflag:$0x2] =	stream.indirect_vreg.gather [hbm4b:s12+s2], $0x80, v3, vm0, $0xb8;
	[tilespmem:$0x1C200] =	vst v63  }
0x1dc: {  	_ =	swait.ge [sflag:s31], $0x4000  }
0x1dd: {  	[sflag:s31] =	ssyncset.done $0x0  }
0x1de: {  	[sflag:s31] =	ssyncadd.s32 $0xFFFFC000  }
0x1df: {  	_ =	swait.ge [sflag:s31], $0x4000  }
0x1e0: {  	[sflag:s31] =	ssyncset.done $0x0  }
0x1e1: {  	s4 =	simm.s32 $0x0;
	[sflag:s31] =	ssyncadd.s32 $0xFFFFC000  }
.LBB2_14:
0x1e2: {  	s0 =	sshll.u32 s4, $0xA;
	s5 =	sshll.u32 s4, $0x7  }
0x1e3: {  	s6 =	simm.s32 $0x0;
	s0 =	sand.u32 $0x2000, s0;
	s5 =	sand.u32 $0x380, s5  }
0x1e4: {  	s30 =	sand.u32 $0x1C00, s2;
	s11 =	sor.u32 s0, s5;
	s5 =	sand.u32 $0x40, s6  }
0x1e5: {  	s31 =	sor.u32 s30, s11;
	s7 =	sor.u32 $0x30, s5  }
0x1e6: {  	s13 =	sor.u32 s7, s31  }
0x1e7: {  	s16 =	sor.u32 $0x10, s5;
	v7 =	vld [tilespmem:s13+$0x200]  }
0x1e8: {  	s17 =	sor.u32 s16, s31;
	v4 =	vld [tilespmem:s13+$0x4200]  }
0x1e9: {  	v8 =	vld [tilespmem:s17+$0x200]  }
0x1ea: {  	v5 =	vld [tilespmem:s17+$0x4200]  }
0x1eb: {  	s19 =	sor.u32 $0x20, s5  }
0x1ec: {  	s20 =	sor.u32 s19, s31  }
0x1ed: {  	v3 =	vld [tilespmem:s20+$0x200]  }
0x1ee: {  	s8 =	sadd.s32 $0x8200, s11;
	s21 =	sor.u32 s5, s31;
	v9 =	vld [tilespmem:s20+$0x4200];
	v6 =	vadd.f32 v4, v7  }
0x1ef: {  	s14 =	simm.s32 $0x40;
	s15 =	simm.s32 $0x200;
	s24 =	sadd.s32 s30, s8;
	v10 =	vld [tilespmem:s21+$0x4200];
	v5 =	vadd.f32 v5, v8  }
0x1f0: {  	s28 =	sand.u32 $0x1C00, s15;
	s7 =	sadd.s32 s7, s24;
	v4 =	vld [tilespmem:s21+$0x200];
	[tilespmem:s13+$0x4200] =	vst v6;
	s13 =	sand.u32 $0x40, s14  }
0x1f1: {  	s22 =	sor.u32 s28, s11;
	s30 =	sadd.s32 s16, s24;
	[tilespmem:s17+$0x4200] =	vst v5;
	v12 =	vld [tilespmem:s7+$0x0];
	s18 =	sor.u32 $0x30, s13  }
0x1f2: {  	v13 =	vld [tilespmem:s30+$0x0];
	s26 =	sor.u32 s18, s22  }
0x1f3: {  	s17 =	sor.u32 $0x10, s13;
	v6 =	vld [tilespmem:s26+$0x200]  }
0x1f4: {  	s0 =	sor.u32 s17, s22;
	v14 =	vld [tilespmem:s26+$0x4200]  }
0x1f5: {  	v9 =	vadd.f32 v9, v3;
	s6 =	sor.u32 $0x20, s13;
	v5 =	vld [tilespmem:s0+$0x200]  }
0x1f6: {  	s16 =	sor.u32 s6, s22;
	v10 =	vadd.f32 v10, v4;
	v11 =	vld [tilespmem:s0+$0x4200]  }
0x1f7: {  	[tilespmem:s20+$0x4200] =	vst v9;
	v9 =	vld [tilespmem:s16+$0x4200];
	v12 =	vadd.f32 v12, v7  }
0x1f8: {  	s23 =	sor.u32 s13, s22;
	[tilespmem:s21+$0x4200] =	vst v10;
	v7 =	vld [tilespmem:s16+$0x200];
	v10 =	vadd.f32 v13, v8  }
0x1f9: {  	v8 =	vld [tilespmem:s23+$0x200];
	[tilespmem:s7+$0x0] =	vst v12;
	v12 =	vadd.f32 v14, v6  }
0x1fa: {  	s22 =	sadd.s32 s19, s24;
	s19 =	sadd.s32 s5, s24;
	[tilespmem:s30+$0x0] =	vst v10;
	v10 =	vld [tilespmem:s23+$0x4200];
	s7 =	sadd.s32 s28, s8  }
.LBB2_15:
0x1fb: {  	s14 =	sadd.s32 $0x40, s14;
	v11 =	vadd.f32 v11, v5;
	[tilespmem:s26+$0x4200] =	vst v12;
	s5 =	sadd.s32 s18, s7;
	s15 =	sadd.s32 $0x200, s15;
	v12 =	vld [tilespmem:s22+$0x0]  }
0x1fc: {  	s24 =	sadd.s32 s17, s7;
	s20 =	sand.u32 $0x40, s14;
	s21 =	sand.u32 $0x1C00, s15;
	v13 =	vld [tilespmem:s5+$0x0]  }
0x1fd: {  	s28 =	sor.u32 s21, s11;
	s17 =	sor.u32 $0x10, s20;
	s18 =	sor.u32 $0x30, s20;
	[tilespmem:s0+$0x4200] =	vst v11;
	v9 =	vadd.f32 v9, v7;
	v14 =	vld [tilespmem:s19+$0x0]  }
0x1fe: {  	s30 =	sor.u32 $0x20, s20;
	s0 =	sor.u32 s17, s28;
	s26 =	sor.u32 s18, s28;
	v15 =	vld [tilespmem:s24+$0x0]  }
0x1ff: {  	s31 =	sor.u32 s20, s28;
	v16 =	vld [tilespmem:s26+$0x200];
	v10 =	vadd.f32 v10, v8;
	[tilespmem:s16+$0x4200] =	vst v9;
	s16 =	sor.u32 s30, s28;
	s28 =	sadd.s32 s6, s7  }
0x200: {  	p0 =	slt.u32 s14, $0x3C0;
	s7 =	sadd.s32 s13, s7;
	s13 =	smov.u32 s20;
	v17 =	vld [tilespmem:s26+$0x4200];
	v9 =	vadd.f32 v12, v3;
	v3 =	vmov v7  }
0x201: {  	s6 =	smov.u32 s30;
	v18 =	vld [tilespmem:s0+$0x200];
	[tilespmem:s23+$0x4200] =	vst v10;
	v12 =	vadd.f32 v13, v6;
	s23 =	smov.u32 s31  }
.Ltmp6:
0x202: {  	v11 =	vld [tilespmem:s0+$0x4200];
	v10 =	vadd.f32 v14, v4;
	[tilespmem:s22+$0x0] =	vst v9;
	v4 =	vmov v8;
	s22 =	smov.u32 s28;
	(pc) =	sbr.rel @p0 .LBB2_15-.Ltmp6, $4  }
0x203: {  	v7 =	vld [tilespmem:s16+$0x200];
	v13 =	vadd.f32 v15, v5;
	[tilespmem:s5+$0x0] =	vst v12  }
0x204: {  	v9 =	vld [tilespmem:s16+$0x4200];
	[tilespmem:s19+$0x0] =	vst v10;
	v6 =	vmov v16;
	s19 =	smov.u32 s7  }
0x205: {  	v8 =	vld [tilespmem:s23+$0x200];
	v12 =	vadd.f32 v17, v6;
	[tilespmem:s24+$0x0] =	vst v13  }
0x206: {  	s7 =	sadd.s32 s21, s8;
	v10 =	vld [tilespmem:s23+$0x4200];
	v5 =	vmov v18  }
0x207: {  	_ =	sdelay $0x1  }
0x208: {  	v11 =	vadd.f32 v11, v5;
	v61 =	vld [tilespmem:s22+$0x0]  }
0x209: {  	[tilespmem:s26+$0x4200] =	vst v12;
	s5 =	sadd.s32 s18, s7;
	v62 =	vld [tilespmem:s19+$0x0];
	v9 =	vadd.f32 v9, v7  }
0x20a: {  	s8 =	sadd.s32 s17, s7;
	v13 =	vld [tilespmem:s5+$0x0];
	[tilespmem:s0+$0x4200] =	vst v11;
	v10 =	vadd.f32 v10, v8  }
0x20b: {  	s30 =	sadd.s32 s6, s7;
	v14 =	vld [tilespmem:s8+$0x0];
	[tilespmem:s16+$0x4200] =	vst v9  }
0x20c: {  	s31 =	sadd.s32 s13, s7;
	v9 =	vld [tilespmem:s30+$0x0];
	[tilespmem:s23+$0x4200] =	vst v10  }
0x20d: {  	v3 =	vadd.f32 v61, v3;
	v10 =	vld [tilespmem:s31+$0x0]  }
0x20e: {  	s4 =	sadd.s32 $0x1, s4;
	v4 =	vadd.f32 v62, v4  }
0x20f: {  	p0 =	sne.s32 s4, $0x10;
	v6 =	vadd.f32 v13, v6;
	[tilespmem:s22+$0x0] =	vst v3  }
.Ltmp7:
0x210: {  	[tilespmem:s19+$0x0] =	vst v4;
	v3 =	vadd.f32 v14, v5;
	(pc) =	sbr.rel @p0 .LBB2_14-.Ltmp7, $4  }
0x211: {  	[tilespmem:s5+$0x0] =	vst v6;
	v63 =	vadd.f32 v9, v7  }
0x212: {  	[tilespmem:s8+$0x0] =	vst v3;
	v3 =	vadd.f32 v10, v8  }
0x213: {  	[tilespmem:s30+$0x0] =	vst v63  }
0x214: {  	[tilespmem:s31+$0x0] =	vst v3  }
0x215: {  	s2 =	simm.s32 $0x0;
	s0 =	rddreg [dreg:$0x11];
	s4 =	simm.s32 $0x4200  }
0x216: {  	[hbm4b:s0+s2] =	stream.linear.scatter [tilespmem:s4], [sflag:$0x4], $0x4000, $0x38;
	[tilespmem:$0x1C200] =	vst v63  }
0x217: {  	s30 =	rddreg [dreg:$0x16];
	s31 =	simm.s32 $0x8200  }
0x218: {  	[hbm4b:s30+s2] =	stream.linear.scatter [tilespmem:s31], [sflag:$0x4], $0x4000, $0x38;
	[tilespmem:$0x1C200] =	vst v63  }
0x219: {  	s5 =	rddreg [dreg:$0x12];
	s6 =	simm.s32 $0x200;
	s7 =	simm.s32 $0x6  }
0x21a: {  	[tilespmem:s6], [sflag:$0x7] =	stream.linear.gather [hbm4b:s5+s2], $0x4000, $0x38;
	[tilespmem:$0x1C200] =	vst v63  }
0x21b: {  	_ =	swait.ge [sflag:s7], $0x4000  }
0x21c: {  	[sflag:s7] =	ssyncset.done $0x0  }
0x21d: {  	[sflag:s7] =	ssyncadd.s32 $0xFFFFC000  }
0x21e: {  	_ =	swait.ge [sflag:s7], $0x4000  }
0x21f: {  	[sflag:s7] =	ssyncset.done $0x0  }
0x220: {  	[sflag:s7] =	ssyncadd.s32 $0xFFFFC000  }
0x221: {  	v3 =	vld [tilespmem:$0x120];
	_ =	sdelay $0x4  }
0x222: {  	v4 =	vshll.u32 v3, $0x3  }
0x223: {  	v3 =	vand.u32 $0x7, v3;
	v4 =	vand.u32 $0xFFFFFFC0, v4  }
0x224: {  	v3 =	vor.u32 v3, v4  }
0x225: {  	v4 =	vperm.xlane v3, v0;
	_ =	sdelay $0x1  }
0x226: {  	v4 =	vadd.s32 v1, v4;
	_ =	sdelay $0x3  }
0x227: {  	s8 =	simm.s32 $0x14200  }
0x228: {  	[tilespmem:s8], [sflag:$0x3] =	stream.indirect_vreg.gather [hbm4b:s1+s2], $0x80, v4, vm0, $0xb8;
	[tilespmem:$0x1C200] =	vst v63  }
0x229: {  	s11 =	simm.s32 $0x14A00;
	v3 =	vperm.xlane v3, v2  }
0x22a: {  	[tilespmem:s11], [sflag:$0x3] =	stream.indirect_vreg.gather [hbm4b:s9+s2], $0x80, v4, vm0, $0xb8;
	[tilespmem:$0x1C200] =	vst v63  }
0x22b: {  	s13 =	simm.s32 $0x15200;
	v3 =	vadd.s32 v1, v3  }
0x22c: {  	[tilespmem:s13], [sflag:$0x3] =	stream.indirect_vreg.gather [hbm4b:s10+s2], $0x80, v4, vm0, $0xb8;
	[tilespmem:$0x1C200] =	vst v63  }
0x22d: {  	s14 =	simm.s32 $0x15A00  }
0x22e: {  	[tilespmem:s14], [sflag:$0x3] =	stream.indirect_vreg.gather [hbm4b:s12+s2], $0x80, v4, vm0, $0xb8;
	[tilespmem:$0x1C200] =	vst v63  }
0x22f: {  	s15 =	simm.s32 $0x16200  }
0x230: {  	[tilespmem:s15], [sflag:$0x3] =	stream.indirect_vreg.gather [hbm4b:s1+s2], $0x80, v3, vm0, $0xb8;
	[tilespmem:$0x1C200] =	vst v63  }
0x231: {  	s16 =	simm.s32 $0x16A00  }
0x232: {  	[tilespmem:s16], [sflag:$0x3] =	stream.indirect_vreg.gather [hbm4b:s9+s2], $0x80, v3, vm0, $0xb8;
	[tilespmem:$0x1C200] =	vst v63  }
0x233: {  	s17 =	simm.s32 $0x17200  }
0x234: {  	[tilespmem:s17], [sflag:$0x3] =	stream.indirect_vreg.gather [hbm4b:s10+s2], $0x80, v3, vm0, $0xb8;
	[tilespmem:$0x1C200] =	vst v63  }
0x235: {  	s18 =	simm.s32 $0x17A00  }
0x236: {  	[tilespmem:s18], [sflag:$0x3] =	stream.indirect_vreg.gather [hbm4b:s12+s2], $0x80, v3, vm0, $0xb8;
	[tilespmem:$0x1C200] =	vst v63  }
0x237: {  	v3 =	vld [tilespmem:$0x1A0];
	_ =	sdelay $0x4  }
0x238: {  	v63 =	vshll.u32 v3, $0x3  }
0x239: {  	v3 =	vand.u32 $0x7, v3;
	v4 =	vand.u32 $0xFFFFFFC0, v63  }
0x23a: {  	v3 =	vor.u32 v3, v4  }
0x23b: {  	v4 =	vperm.xlane v3, v0;
	_ =	sdelay $0x1  }
0x23c: {  	v4 =	vadd.s32 v1, v4;
	_ =	sdelay $0x3  }
0x23d: {  	s19 =	simm.s32 $0x18200  }
0x23e: {  	[tilespmem:s19], [sflag:$0x3] =	stream.indirect_vreg.gather [hbm4b:s1+s2], $0x80, v4, vm0, $0xb8;
	[tilespmem:$0x1C200] =	vst v63  }
0x23f: {  	s20 =	simm.s32 $0x18A00;
	v3 =	vperm.xlane v3, v2  }
0x240: {  	[tilespmem:s20], [sflag:$0x3] =	stream.indirect_vreg.gather [hbm4b:s9+s2], $0x80, v4, vm0, $0xb8;
	[tilespmem:$0x1C200] =	vst v63  }
0x241: {  	s21 =	simm.s32 $0x19200;
	v3 =	vadd.s32 v1, v3  }
0x242: {  	[tilespmem:s21], [sflag:$0x3] =	stream.indirect_vreg.gather [hbm4b:s10+s2], $0x80, v4, vm0, $0xb8;
	[tilespmem:$0x1C200] =	vst v63  }
0x243: {  	s22 =	simm.s32 $0x19A00  }
0x244: {  	[tilespmem:s22], [sflag:$0x3] =	stream.indirect_vreg.gather [hbm4b:s12+s2], $0x80, v4, vm0, $0xb8;
	[tilespmem:$0x1C200] =	vst v63  }
0x245: {  	s23 =	simm.s32 $0x1A200  }
0x246: {  	[tilespmem:s23], [sflag:$0x3] =	stream.indirect_vreg.gather [hbm4b:s1+s2], $0x80, v3, vm0, $0xb8;
	[tilespmem:$0x1C200] =	vst v63  }
0x247: {  	s24 =	simm.s32 $0x1AA00  }
0x248: {  	[tilespmem:s24], [sflag:$0x3] =	stream.indirect_vreg.gather [hbm4b:s9+s2], $0x80, v3, vm0, $0xb8;
	[tilespmem:$0x1C200] =	vst v63  }
0x249: {  	s26 =	simm.s32 $0x1B200  }
0x24a: {  	[tilespmem:s26], [sflag:$0x3] =	stream.indirect_vreg.gather [hbm4b:s10+s2], $0x80, v3, vm0, $0xb8;
	[tilespmem:$0x1C200] =	vst v63  }
0x24b: {  	s28 =	simm.s32 $0x1BA00;
	s30 =	simm.s32 $0x2  }
0x24c: {  	[tilespmem:s28], [sflag:$0x3] =	stream.indirect_vreg.gather [hbm4b:s12+s2], $0x80, v3, vm0, $0xb8;
	[tilespmem:$0x1C200] =	vst v63  }
0x24d: {  	_ =	swait.ge [sflag:s30], $0x4000  }
0x24e: {  	[sflag:s30] =	ssyncset.done $0x0  }
0x24f: {  	[sflag:s30] =	ssyncadd.s32 $0xFFFFC000  }
0x250: {  	_ =	swait.ge [sflag:s30], $0x4000  }
0x251: {  	[sflag:s30] =	ssyncset.done $0x0  }
0x252: {  	s31 =	simm.s32 $0x7;
	[sflag:s30] =	ssyncadd.s32 $0xFFFFC000  }
0x253: {  	_ =	swait.ge [sflag:s31], $0x4000  }
0x254: {  	[sflag:s31] =	ssyncset.done $0x0  }
0x255: {  	s4 =	simm.s32 $0x0;
	[sflag:s31] =	ssyncadd.s32 $0xFFFFC000  }
.LBB2_18:
0x256: {  	s0 =	sshll.u32 s4, $0xA;
	s5 =	sshll.u32 s4, $0x7  }
0x257: {  	s6 =	simm.s32 $0x0;
	s0 =	sand.u32 $0x2000, s0;
	s5 =	sand.u32 $0x380, s5  }
0x258: {  	s30 =	sand.u32 $0x1C00, s2;
	s11 =	sor.u32 s0, s5;
	s5 =	sand.u32 $0x40, s6  }
0x259: {  	s31 =	sor.u32 s30, s11;
	s7 =	sor.u32 $0x30, s5  }
0x25a: {  	s13 =	sor.u32 s7, s31  }
0x25b: {  	s16 =	sor.u32 $0x10, s5;
	v7 =	vld [tilespmem:s13+$0x200]  }
0x25c: {  	s17 =	sor.u32 s16, s31;
	v4 =	vld [tilespmem:s13+$0xC200]  }
0x25d: {  	v8 =	vld [tilespmem:s17+$0x200]  }
0x25e: {  	v5 =	vld [tilespmem:s17+$0xC200]  }
0x25f: {  	s19 =	sor.u32 $0x20, s5  }
0x260: {  	s20 =	sor.u32 s19, s31  }
0x261: {  	v3 =	vld [tilespmem:s20+$0x200]  }
0x262: {  	s8 =	sadd.s32 $0x10200, s11;
	s21 =	sor.u32 s5, s31;
	v9 =	vld [tilespmem:s20+$0xC200];
	v6 =	vadd.f32 v4, v7  }
0x263: {  	s14 =	simm.s32 $0x40;
	s15 =	simm.s32 $0x200;
	s24 =	sadd.s32 s30, s8;
	v10 =	vld [tilespmem:s21+$0xC200];
	v5 =	vadd.f32 v5, v8  }
0x264: {  	s28 =	sand.u32 $0x1C00, s15;
	s7 =	sadd.s32 s7, s24;
	v4 =	vld [tilespmem:s21+$0x200];
	[tilespmem:s13+$0xC200] =	vst v6;
	s13 =	sand.u32 $0x40, s14  }
0x265: {  	s22 =	sor.u32 s28, s11;
	s30 =	sadd.s32 s16, s24;
	[tilespmem:s17+$0xC200] =	vst v5;
	v12 =	vld [tilespmem:s7+$0x0];
	s18 =	sor.u32 $0x30, s13  }
0x266: {  	v13 =	vld [tilespmem:s30+$0x0];
	s26 =	sor.u32 s18, s22  }
0x267: {  	s17 =	sor.u32 $0x10, s13;
	v6 =	vld [tilespmem:s26+$0x200]  }
0x268: {  	s0 =	sor.u32 s17, s22;
	v14 =	vld [tilespmem:s26+$0xC200]  }
0x269: {  	v9 =	vadd.f32 v9, v3;
	s6 =	sor.u32 $0x20, s13;
	v5 =	vld [tilespmem:s0+$0x200]  }
0x26a: {  	s16 =	sor.u32 s6, s22;
	v10 =	vadd.f32 v10, v4;
	v11 =	vld [tilespmem:s0+$0xC200]  }
0x26b: {  	[tilespmem:s20+$0xC200] =	vst v9;
	v9 =	vld [tilespmem:s16+$0xC200];
	v12 =	vadd.f32 v12, v7  }
0x26c: {  	s23 =	sor.u32 s13, s22;
	[tilespmem:s21+$0xC200] =	vst v10;
	v7 =	vld [tilespmem:s16+$0x200];
	v10 =	vadd.f32 v13, v8  }
0x26d: {  	v8 =	vld [tilespmem:s23+$0x200];
	[tilespmem:s7+$0x0] =	vst v12;
	v12 =	vadd.f32 v14, v6  }
0x26e: {  	s22 =	sadd.s32 s19, s24;
	s19 =	sadd.s32 s5, s24;
	[tilespmem:s30+$0x0] =	vst v10;
	v10 =	vld [tilespmem:s23+$0xC200];
	s7 =	sadd.s32 s28, s8  }
.LBB2_19:
0x26f: {  	s14 =	sadd.s32 $0x40, s14;
	v11 =	vadd.f32 v11, v5;
	[tilespmem:s26+$0xC200] =	vst v12;
	s5 =	sadd.s32 s18, s7;
	s15 =	sadd.s32 $0x200, s15;
	v12 =	vld [tilespmem:s22+$0x0]  }
0x270: {  	s24 =	sadd.s32 s17, s7;
	s20 =	sand.u32 $0x40, s14;
	s21 =	sand.u32 $0x1C00, s15;
	v13 =	vld [tilespmem:s5+$0x0]  }
0x271: {  	s28 =	sor.u32 s21, s11;
	s17 =	sor.u32 $0x10, s20;
	s18 =	sor.u32 $0x30, s20;
	[tilespmem:s0+$0xC200] =	vst v11;
	v9 =	vadd.f32 v9, v7;
	v14 =	vld [tilespmem:s19+$0x0]  }
0x272: {  	s30 =	sor.u32 $0x20, s20;
	s0 =	sor.u32 s17, s28;
	s26 =	sor.u32 s18, s28;
	v15 =	vld [tilespmem:s24+$0x0]  }
0x273: {  	s31 =	sor.u32 s20, s28;
	v16 =	vld [tilespmem:s26+$0x200];
	v10 =	vadd.f32 v10, v8;
	[tilespmem:s16+$0xC200] =	vst v9;
	s16 =	sor.u32 s30, s28;
	s28 =	sadd.s32 s6, s7  }
0x274: {  	p0 =	slt.u32 s14, $0x3C0;
	s7 =	sadd.s32 s13, s7;
	s13 =	smov.u32 s20;
	v17 =	vld [tilespmem:s26+$0xC200];
	v9 =	vadd.f32 v12, v3;
	v3 =	vmov v7  }
0x275: {  	s6 =	smov.u32 s30;
	v18 =	vld [tilespmem:s0+$0x200];
	[tilespmem:s23+$0xC200] =	vst v10;
	v12 =	vadd.f32 v13, v6;
	s23 =	smov.u32 s31  }
.Ltmp8:
0x276: {  	v11 =	vld [tilespmem:s0+$0xC200];
	v10 =	vadd.f32 v14, v4;
	[tilespmem:s22+$0x0] =	vst v9;
	v4 =	vmov v8;
	s22 =	smov.u32 s28;
	(pc) =	sbr.rel @p0 .LBB2_19-.Ltmp8, $4  }
0x277: {  	v7 =	vld [tilespmem:s16+$0x200];
	v13 =	vadd.f32 v15, v5;
	[tilespmem:s5+$0x0] =	vst v12  }
0x278: {  	v9 =	vld [tilespmem:s16+$0xC200];
	[tilespmem:s19+$0x0] =	vst v10;
	v6 =	vmov v16;
	s19 =	smov.u32 s7  }
0x279: {  	v8 =	vld [tilespmem:s23+$0x200];
	v12 =	vadd.f32 v17, v6;
	[tilespmem:s24+$0x0] =	vst v13  }
0x27a: {  	s7 =	sadd.s32 s21, s8;
	v10 =	vld [tilespmem:s23+$0xC200];
	v5 =	vmov v18  }
0x27b: {  	_ =	sdelay $0x1  }
0x27c: {  	v11 =	vadd.f32 v11, v5;
	v61 =	vld [tilespmem:s22+$0x0]  }
0x27d: {  	[tilespmem:s26+$0xC200] =	vst v12;
	s5 =	sadd.s32 s18, s7;
	v62 =	vld [tilespmem:s19+$0x0];
	v9 =	vadd.f32 v9, v7  }
0x27e: {  	s8 =	sadd.s32 s17, s7;
	v13 =	vld [tilespmem:s5+$0x0];
	[tilespmem:s0+$0xC200] =	vst v11;
	v10 =	vadd.f32 v10, v8  }
0x27f: {  	s30 =	sadd.s32 s6, s7;
	v14 =	vld [tilespmem:s8+$0x0];
	[tilespmem:s16+$0xC200] =	vst v9  }
0x280: {  	s31 =	sadd.s32 s13, s7;
	v9 =	vld [tilespmem:s30+$0x0];
	[tilespmem:s23+$0xC200] =	vst v10  }
0x281: {  	v3 =	vadd.f32 v61, v3;
	v10 =	vld [tilespmem:s31+$0x0]  }
0x282: {  	s4 =	sadd.s32 $0x1, s4;
	v4 =	vadd.f32 v62, v4  }
0x283: {  	p0 =	sne.s32 s4, $0x10;
	v6 =	vadd.f32 v13, v6;
	[tilespmem:s22+$0x0] =	vst v3  }
.Ltmp9:
0x284: {  	[tilespmem:s19+$0x0] =	vst v4;
	v3 =	vadd.f32 v14, v5;
	(pc) =	sbr.rel @p0 .LBB2_18-.Ltmp9, $4  }
0x285: {  	[tilespmem:s5+$0x0] =	vst v6;
	v63 =	vadd.f32 v9, v7  }
0x286: {  	[tilespmem:s8+$0x0] =	vst v3;
	v3 =	vadd.f32 v10, v8  }
0x287: {  	[tilespmem:s30+$0x0] =	vst v63  }
0x288: {  	[tilespmem:s31+$0x0] =	vst v3  }
0x289: {  	s2 =	simm.s32 $0x0;
	s0 =	rddreg [dreg:$0x13];
	s4 =	simm.s32 $0xC200  }
0x28a: {  	[hbm4b:s0+s2] =	stream.linear.scatter [tilespmem:s4], [sflag:$0x5], $0x4000, $0x38;
	[tilespmem:$0x1C200] =	vst v63  }
0x28b: {  	s7 =	rddreg [dreg:$0x18];
	s8 =	simm.s32 $0x10200  }
0x28c: {  	[hbm4b:s7+s2] =	stream.linear.scatter [tilespmem:s8], [sflag:$0x5], $0x4000, $0x38;
	[tilespmem:$0x1C200] =	vst v63  }
0x28d: {  	_ =	swait.ge [sflag:s25], $0x4000  }
0x28e: {  	[sflag:s25] =	ssyncset.done $0x0  }
0x28f: {  	[sflag:s25] =	ssyncadd.s32 $0xFFFFC000  }
0x290: {  	_ =	swait.ge [sflag:s25], $0x4000  }
0x291: {  	[sflag:s25] =	ssyncset.done $0x0  }
0x292: {  	[sflag:s25] =	ssyncadd.s32 $0xFFFFC000  }
0x293: {  	v3 =	vld [tilespmem:$0x30];
	_ =	sdelay $0x4  }
0x294: {  	v4 =	vshll.u32 v3, $0x3  }
0x295: {  	v3 =	vand.u32 $0x7, v3;
	v4 =	vand.u32 $0xFFFFFFC0, v4  }
0x296: {  	v3 =	vor.u32 v3, v4  }
0x297: {  	v4 =	vperm.xlane v3, v0;
	_ =	sdelay $0x1  }
0x298: {  	v4 =	vadd.s32 v1, v4;
	_ =	sdelay $0x3  }
0x299: {  	s11 =	simm.s32 $0x4200  }
0x29a: {  	[tilespmem:s11], [sflag:$0x1] =	stream.indirect_vreg.gather [hbm4b:s1+s2], $0x80, v4, vm0, $0xb8;
	[tilespmem:$0x1C200] =	vst v63  }
0x29b: {  	s13 =	simm.s32 $0x4A00;
	v3 =	vperm.xlane v3, v2  }
0x29c: {  	[tilespmem:s13], [sflag:$0x1] =	stream.indirect_vreg.gather [hbm4b:s9+s2], $0x80, v4, vm0, $0xb8;
	[tilespmem:$0x1C200] =	vst v63  }
0x29d: {  	s14 =	simm.s32 $0x5200;
	v3 =	vadd.s32 v1, v3  }
0x29e: {  	[tilespmem:s14], [sflag:$0x1] =	stream.indirect_vreg.gather [hbm4b:s10+s2], $0x80, v4, vm0, $0xb8;
	[tilespmem:$0x1C200] =	vst v63  }
0x29f: {  	s15 =	simm.s32 $0x5A00  }
0x2a0: {  	[tilespmem:s15], [sflag:$0x1] =	stream.indirect_vreg.gather [hbm4b:s12+s2], $0x80, v4, vm0, $0xb8;
	[tilespmem:$0x1C200] =	vst v63  }
0x2a1: {  	s16 =	simm.s32 $0x6200  }
0x2a2: {  	[tilespmem:s16], [sflag:$0x1] =	stream.indirect_vreg.gather [hbm4b:s1+s2], $0x80, v3, vm0, $0xb8;
	[tilespmem:$0x1C200] =	vst v63  }
0x2a3: {  	s17 =	simm.s32 $0x6A00  }
0x2a4: {  	[tilespmem:s17], [sflag:$0x1] =	stream.indirect_vreg.gather [hbm4b:s9+s2], $0x80, v3, vm0, $0xb8;
	[tilespmem:$0x1C200] =	vst v63  }
0x2a5: {  	s18 =	simm.s32 $0x7200  }
0x2a6: {  	[tilespmem:s18], [sflag:$0x1] =	stream.indirect_vreg.gather [hbm4b:s10+s2], $0x80, v3, vm0, $0xb8;
	[tilespmem:$0x1C200] =	vst v63  }
0x2a7: {  	s19 =	simm.s32 $0x7A00  }
0x2a8: {  	[tilespmem:s19], [sflag:$0x1] =	stream.indirect_vreg.gather [hbm4b:s12+s2], $0x80, v3, vm0, $0xb8;
	[tilespmem:$0x1C200] =	vst v63  }
0x2a9: {  	v3 =	vld [tilespmem:$0xB0];
	_ =	sdelay $0x4  }
0x2aa: {  	v63 =	vshll.u32 v3, $0x3  }
0x2ab: {  	v3 =	vand.u32 $0x7, v3;
	v4 =	vand.u32 $0xFFFFFFC0, v63  }
0x2ac: {  	v3 =	vor.u32 v3, v4  }
0x2ad: {  	v4 =	vperm.xlane v3, v0;
	_ =	sdelay $0x1  }
0x2ae: {  	v4 =	vadd.s32 v1, v4;
	_ =	sdelay $0x3  }
0x2af: {  	s20 =	simm.s32 $0x8200  }
0x2b0: {  	[tilespmem:s20], [sflag:$0x1] =	stream.indirect_vreg.gather [hbm4b:s1+s2], $0x80, v4, vm0, $0xb8;
	[tilespmem:$0x1C200] =	vst v63  }
0x2b1: {  	s21 =	simm.s32 $0x8A00;
	v3 =	vperm.xlane v3, v2  }
0x2b2: {  	[tilespmem:s21], [sflag:$0x1] =	stream.indirect_vreg.gather [hbm4b:s9+s2], $0x80, v4, vm0, $0xb8;
	[tilespmem:$0x1C200] =	vst v63  }
0x2b3: {  	s22 =	simm.s32 $0x9200;
	v3 =	vadd.s32 v1, v3  }
0x2b4: {  	[tilespmem:s22], [sflag:$0x1] =	stream.indirect_vreg.gather [hbm4b:s10+s2], $0x80, v4, vm0, $0xb8;
	[tilespmem:$0x1C200] =	vst v63  }
0x2b5: {  	s23 =	simm.s32 $0x9A00  }
0x2b6: {  	[tilespmem:s23], [sflag:$0x1] =	stream.indirect_vreg.gather [hbm4b:s12+s2], $0x80, v4, vm0, $0xb8;
	[tilespmem:$0x1C200] =	vst v63  }
0x2b7: {  	s24 =	simm.s32 $0xA200  }
0x2b8: {  	[tilespmem:s24], [sflag:$0x1] =	stream.indirect_vreg.gather [hbm4b:s1+s2], $0x80, v3, vm0, $0xb8;
	[tilespmem:$0x1C200] =	vst v63  }
0x2b9: {  	s26 =	simm.s32 $0xAA00  }
0x2ba: {  	[tilespmem:s26], [sflag:$0x1] =	stream.indirect_vreg.gather [hbm4b:s9+s2], $0x80, v3, vm0, $0xb8;
	[tilespmem:$0x1C200] =	vst v63  }
0x2bb: {  	s28 =	simm.s32 $0xB200  }
0x2bc: {  	[tilespmem:s28], [sflag:$0x1] =	stream.indirect_vreg.gather [hbm4b:s10+s2], $0x80, v3, vm0, $0xb8;
	[tilespmem:$0x1C200] =	vst v63  }
0x2bd: {  	s30 =	simm.s32 $0xBA00;
	s31 =	simm.s32 $0x3  }
0x2be: {  	[tilespmem:s30], [sflag:$0x1] =	stream.indirect_vreg.gather [hbm4b:s12+s2], $0x80, v3, vm0, $0xb8;
	[tilespmem:$0x1C200] =	vst v63  }
0x2bf: {  	_ =	swait.ge [sflag:s31], $0x4000  }
0x2c0: {  	[sflag:s31] =	ssyncset.done $0x0  }
0x2c1: {  	[sflag:s31] =	ssyncadd.s32 $0xFFFFC000  }
0x2c2: {  	_ =	swait.ge [sflag:s31], $0x4000  }
0x2c3: {  	[sflag:s31] =	ssyncset.done $0x0  }
0x2c4: {  	s4 =	simm.s32 $0x0;
	[sflag:s31] =	ssyncadd.s32 $0xFFFFC000  }
.LBB2_22:
0x2c5: {  	s0 =	sshll.u32 s4, $0xA;
	s5 =	sshll.u32 s4, $0x7  }
0x2c6: {  	s6 =	simm.s32 $0x0;
	s0 =	sand.u32 $0x2000, s0;
	s5 =	sand.u32 $0x380, s5  }
0x2c7: {  	s30 =	sand.u32 $0x1C00, s2;
	s11 =	sor.u32 s0, s5;
	s5 =	sand.u32 $0x40, s6  }
0x2c8: {  	s31 =	sor.u32 s30, s11;
	s7 =	sor.u32 $0x30, s5  }
0x2c9: {  	s13 =	sor.u32 s7, s31  }
0x2ca: {  	s16 =	sor.u32 $0x10, s5;
	v7 =	vld [tilespmem:s13+$0x200]  }
0x2cb: {  	s17 =	sor.u32 s16, s31;
	v4 =	vld [tilespmem:s13+$0x14200]  }
0x2cc: {  	v8 =	vld [tilespmem:s17+$0x200]  }
0x2cd: {  	v5 =	vld [tilespmem:s17+$0x14200]  }
0x2ce: {  	s19 =	sor.u32 $0x20, s5  }
0x2cf: {  	s20 =	sor.u32 s19, s31  }
0x2d0: {  	v3 =	vld [tilespmem:s20+$0x200]  }
0x2d1: {  	s8 =	sadd.s32 $0x18200, s11;
	s21 =	sor.u32 s5, s31;
	v9 =	vld [tilespmem:s20+$0x14200];
	v6 =	vadd.f32 v4, v7  }
0x2d2: {  	s14 =	simm.s32 $0x40;
	s15 =	simm.s32 $0x200;
	s24 =	sadd.s32 s30, s8;
	v10 =	vld [tilespmem:s21+$0x14200];
	v5 =	vadd.f32 v5, v8  }
0x2d3: {  	s28 =	sand.u32 $0x1C00, s15;
	s7 =	sadd.s32 s7, s24;
	v4 =	vld [tilespmem:s21+$0x200];
	[tilespmem:s13+$0x14200] =	vst v6;
	s13 =	sand.u32 $0x40, s14  }
0x2d4: {  	s22 =	sor.u32 s28, s11;
	s30 =	sadd.s32 s16, s24;
	[tilespmem:s17+$0x14200] =	vst v5;
	v12 =	vld [tilespmem:s7+$0x0];
	s18 =	sor.u32 $0x30, s13  }
0x2d5: {  	v13 =	vld [tilespmem:s30+$0x0];
	s26 =	sor.u32 s18, s22  }
0x2d6: {  	s17 =	sor.u32 $0x10, s13;
	v6 =	vld [tilespmem:s26+$0x200]  }
0x2d7: {  	s0 =	sor.u32 s17, s22;
	v14 =	vld [tilespmem:s26+$0x14200]  }
0x2d8: {  	v9 =	vadd.f32 v9, v3;
	s6 =	sor.u32 $0x20, s13;
	v5 =	vld [tilespmem:s0+$0x200]  }
0x2d9: {  	s16 =	sor.u32 s6, s22;
	v10 =	vadd.f32 v10, v4;
	v11 =	vld [tilespmem:s0+$0x14200]  }
0x2da: {  	[tilespmem:s20+$0x14200] =	vst v9;
	v9 =	vld [tilespmem:s16+$0x14200];
	v12 =	vadd.f32 v12, v7  }
0x2db: {  	s23 =	sor.u32 s13, s22;
	[tilespmem:s21+$0x14200] =	vst v10;
	v7 =	vld [tilespmem:s16+$0x200];
	v10 =	vadd.f32 v13, v8  }
0x2dc: {  	v8 =	vld [tilespmem:s23+$0x200];
	[tilespmem:s7+$0x0] =	vst v12;
	v12 =	vadd.f32 v14, v6  }
0x2dd: {  	s22 =	sadd.s32 s19, s24;
	s19 =	sadd.s32 s5, s24;
	[tilespmem:s30+$0x0] =	vst v10;
	v10 =	vld [tilespmem:s23+$0x14200];
	s7 =	sadd.s32 s28, s8  }
.LBB2_23:
0x2de: {  	s14 =	sadd.s32 $0x40, s14;
	v11 =	vadd.f32 v11, v5;
	[tilespmem:s26+$0x14200] =	vst v12;
	s5 =	sadd.s32 s18, s7;
	s15 =	sadd.s32 $0x200, s15;
	v12 =	vld [tilespmem:s22+$0x0]  }
0x2df: {  	s24 =	sadd.s32 s17, s7;
	s20 =	sand.u32 $0x40, s14;
	s21 =	sand.u32 $0x1C00, s15;
	v13 =	vld [tilespmem:s5+$0x0]  }
0x2e0: {  	s28 =	sor.u32 s21, s11;
	s17 =	sor.u32 $0x10, s20;
	s18 =	sor.u32 $0x30, s20;
	[tilespmem:s0+$0x14200] =	vst v11;
	v9 =	vadd.f32 v9, v7;
	v14 =	vld [tilespmem:s19+$0x0]  }
0x2e1: {  	s30 =	sor.u32 $0x20, s20;
	s0 =	sor.u32 s17, s28;
	s26 =	sor.u32 s18, s28;
	v15 =	vld [tilespmem:s24+$0x0]  }
0x2e2: {  	s31 =	sor.u32 s20, s28;
	v16 =	vld [tilespmem:s26+$0x200];
	v10 =	vadd.f32 v10, v8;
	[tilespmem:s16+$0x14200] =	vst v9;
	s16 =	sor.u32 s30, s28;
	s28 =	sadd.s32 s6, s7  }
0x2e3: {  	p0 =	slt.u32 s14, $0x3C0;
	s7 =	sadd.s32 s13, s7;
	s13 =	smov.u32 s20;
	v17 =	vld [tilespmem:s26+$0x14200];
	v9 =	vadd.f32 v12, v3;
	v3 =	vmov v7  }
0x2e4: {  	s6 =	smov.u32 s30;
	v18 =	vld [tilespmem:s0+$0x200];
	[tilespmem:s23+$0x14200] =	vst v10;
	v12 =	vadd.f32 v13, v6;
	s23 =	smov.u32 s31  }
.Ltmp10:
0x2e5: {  	v11 =	vld [tilespmem:s0+$0x14200];
	v10 =	vadd.f32 v14, v4;
	[tilespmem:s22+$0x0] =	vst v9;
	v4 =	vmov v8;
	s22 =	smov.u32 s28;
	(pc) =	sbr.rel @p0 .LBB2_23-.Ltmp10, $4  }
0x2e6: {  	v7 =	vld [tilespmem:s16+$0x200];
	v13 =	vadd.f32 v15, v5;
	[tilespmem:s5+$0x0] =	vst v12  }
0x2e7: {  	v9 =	vld [tilespmem:s16+$0x14200];
	[tilespmem:s19+$0x0] =	vst v10;
	v6 =	vmov v16;
	s19 =	smov.u32 s7  }
0x2e8: {  	v8 =	vld [tilespmem:s23+$0x200];
	v12 =	vadd.f32 v17, v6;
	[tilespmem:s24+$0x0] =	vst v13  }
0x2e9: {  	s7 =	sadd.s32 s21, s8;
	v10 =	vld [tilespmem:s23+$0x14200];
	v5 =	vmov v18  }
0x2ea: {  	_ =	sdelay $0x1  }
0x2eb: {  	v11 =	vadd.f32 v11, v5;
	v61 =	vld [tilespmem:s22+$0x0]  }
0x2ec: {  	[tilespmem:s26+$0x14200] =	vst v12;
	s5 =	sadd.s32 s18, s7;
	v62 =	vld [tilespmem:s19+$0x0];
	v9 =	vadd.f32 v9, v7  }
0x2ed: {  	s8 =	sadd.s32 s17, s7;
	v13 =	vld [tilespmem:s5+$0x0];
	[tilespmem:s0+$0x14200] =	vst v11;
	v10 =	vadd.f32 v10, v8  }
0x2ee: {  	s30 =	sadd.s32 s6, s7;
	v14 =	vld [tilespmem:s8+$0x0];
	[tilespmem:s16+$0x14200] =	vst v9  }
0x2ef: {  	s31 =	sadd.s32 s13, s7;
	v9 =	vld [tilespmem:s30+$0x0];
	[tilespmem:s23+$0x14200] =	vst v10  }
0x2f0: {  	v3 =	vadd.f32 v61, v3;
	v10 =	vld [tilespmem:s31+$0x0]  }
0x2f1: {  	s4 =	sadd.s32 $0x1, s4;
	v4 =	vadd.f32 v62, v4  }
0x2f2: {  	p0 =	sne.s32 s4, $0x10;
	v6 =	vadd.f32 v13, v6;
	[tilespmem:s22+$0x0] =	vst v3  }
.Ltmp11:
0x2f3: {  	[tilespmem:s19+$0x0] =	vst v4;
	v3 =	vadd.f32 v14, v5;
	(pc) =	sbr.rel @p0 .LBB2_22-.Ltmp11, $4  }
0x2f4: {  	[tilespmem:s5+$0x0] =	vst v6;
	v63 =	vadd.f32 v9, v7  }
0x2f5: {  	[tilespmem:s8+$0x0] =	vst v3;
	v3 =	vadd.f32 v10, v8  }
0x2f6: {  	[tilespmem:s30+$0x0] =	vst v63  }
0x2f7: {  	[tilespmem:s31+$0x0] =	vst v3  }
0x2f8: {  	s2 =	simm.s32 $0x0;
	s0 =	rddreg [dreg:$0x19];
	s4 =	simm.s32 $0x14200  }
0x2f9: {  	[hbm4b:s0+s2] =	stream.linear.scatter [tilespmem:s4], [sflag:$0x6], $0x4000, $0x38;
	[tilespmem:$0x1C200] =	vst v63  }
0x2fa: {  	s5 =	simm.s32 $0x18200;
	s4 =	rddreg [dreg:$0x1a]  }
0x2fb: {  	[hbm4b:s4+s2] =	stream.linear.scatter [tilespmem:s5], [sflag:$0x6], $0x4000, $0x38;
	[tilespmem:$0x1C200] =	vst v63  }
0x2fc: {  	s6 =	rddreg [dreg:$0x14];
	s7 =	simm.s32 $0x200  }
0x2fd: {  	[tilespmem:s7], [sflag:$0x7] =	stream.linear.gather [hbm4b:s6+s2], $0x4000, $0x38;
	[tilespmem:$0x1C200] =	vst v63  }
0x2fe: {  	_ =	swait.ge [sflag:s29], $0x4000  }
0x2ff: {  	[sflag:s29] =	ssyncset.done $0x0  }
0x300: {  	[sflag:s29] =	ssyncadd.s32 $0xFFFFC000  }
0x301: {  	_ =	swait.ge [sflag:s29], $0x4000  }
0x302: {  	[sflag:s29] =	ssyncset.done $0x0  }
0x303: {  	[sflag:s29] =	ssyncadd.s32 $0xFFFFC000  }
0x304: {  	v3 =	vld [tilespmem:$0x130];
	_ =	sdelay $0x4  }
0x305: {  	v4 =	vshll.u32 v3, $0x3  }
0x306: {  	v3 =	vand.u32 $0x7, v3;
	v4 =	vand.u32 $0xFFFFFFC0, v4  }
0x307: {  	v3 =	vor.u32 v3, v4  }
0x308: {  	v4 =	vperm.xlane v3, v0;
	_ =	sdelay $0x1  }
0x309: {  	v4 =	vadd.s32 v1, v4;
	_ =	sdelay $0x3  }
0x30a: {  	s8 =	simm.s32 $0xC200  }
0x30b: {  	[tilespmem:s8], [sflag:$0x2] =	stream.indirect_vreg.gather [hbm4b:s1+s2], $0x80, v4, vm0, $0xb8;
	[tilespmem:$0x1C200] =	vst v63  }
0x30c: {  	s11 =	simm.s32 $0xCA00;
	v3 =	vperm.xlane v3, v2  }
0x30d: {  	[tilespmem:s11], [sflag:$0x2] =	stream.indirect_vreg.gather [hbm4b:s9+s2], $0x80, v4, vm0, $0xb8;
	[tilespmem:$0x1C200] =	vst v63  }
0x30e: {  	s13 =	simm.s32 $0xD200;
	v3 =	vadd.s32 v1, v3  }
0x30f: {  	[tilespmem:s13], [sflag:$0x2] =	stream.indirect_vreg.gather [hbm4b:s10+s2], $0x80, v4, vm0, $0xb8;
	[tilespmem:$0x1C200] =	vst v63  }
0x310: {  	s14 =	simm.s32 $0xDA00  }
0x311: {  	[tilespmem:s14], [sflag:$0x2] =	stream.indirect_vreg.gather [hbm4b:s12+s2], $0x80, v4, vm0, $0xb8;
	[tilespmem:$0x1C200] =	vst v63  }
0x312: {  	s15 =	simm.s32 $0xE200  }
0x313: {  	[tilespmem:s15], [sflag:$0x2] =	stream.indirect_vreg.gather [hbm4b:s1+s2], $0x80, v3, vm0, $0xb8;
	[tilespmem:$0x1C200] =	vst v63  }
0x314: {  	s16 =	simm.s32 $0xEA00  }
0x315: {  	[tilespmem:s16], [sflag:$0x2] =	stream.indirect_vreg.gather [hbm4b:s9+s2], $0x80, v3, vm0, $0xb8;
	[tilespmem:$0x1C200] =	vst v63  }
0x316: {  	s17 =	simm.s32 $0xF200  }
0x317: {  	[tilespmem:s17], [sflag:$0x2] =	stream.indirect_vreg.gather [hbm4b:s10+s2], $0x80, v3, vm0, $0xb8;
	[tilespmem:$0x1C200] =	vst v63  }
0x318: {  	s18 =	simm.s32 $0xFA00  }
0x319: {  	[tilespmem:s18], [sflag:$0x2] =	stream.indirect_vreg.gather [hbm4b:s12+s2], $0x80, v3, vm0, $0xb8;
	[tilespmem:$0x1C200] =	vst v63  }
0x31a: {  	v3 =	vld [tilespmem:$0x1B0];
	_ =	sdelay $0x4  }
0x31b: {  	v63 =	vshll.u32 v3, $0x3  }
0x31c: {  	v3 =	vand.u32 $0x7, v3;
	v4 =	vand.u32 $0xFFFFFFC0, v63  }
0x31d: {  	v3 =	vor.u32 v3, v4  }
0x31e: {  	v4 =	vperm.xlane v3, v0;
	_ =	sdelay $0x1  }
0x31f: {  	v4 =	vadd.s32 v1, v4;
	_ =	sdelay $0x3  }
0x320: {  	s19 =	simm.s32 $0x10200  }
0x321: {  	[tilespmem:s19], [sflag:$0x2] =	stream.indirect_vreg.gather [hbm4b:s1+s2], $0x80, v4, vm0, $0xb8;
	[tilespmem:$0x1C200] =	vst v63  }
0x322: {  	s20 =	simm.s32 $0x10A00;
	v3 =	vperm.xlane v3, v2  }
0x323: {  	[tilespmem:s20], [sflag:$0x2] =	stream.indirect_vreg.gather [hbm4b:s9+s2], $0x80, v4, vm0, $0xb8;
	[tilespmem:$0x1C200] =	vst v63  }
0x324: {  	s21 =	simm.s32 $0x11200;
	v3 =	vadd.s32 v1, v3  }
0x325: {  	[tilespmem:s21], [sflag:$0x2] =	stream.indirect_vreg.gather [hbm4b:s10+s2], $0x80, v4, vm0, $0xb8;
	[tilespmem:$0x1C200] =	vst v63  }
0x326: {  	s22 =	simm.s32 $0x11A00  }
0x327: {  	[tilespmem:s22], [sflag:$0x2] =	stream.indirect_vreg.gather [hbm4b:s12+s2], $0x80, v4, vm0, $0xb8;
	[tilespmem:$0x1C200] =	vst v63  }
0x328: {  	s23 =	simm.s32 $0x12200  }
0x329: {  	[tilespmem:s23], [sflag:$0x2] =	stream.indirect_vreg.gather [hbm4b:s1+s2], $0x80, v3, vm0, $0xb8;
	[tilespmem:$0x1C200] =	vst v63  }
0x32a: {  	s24 =	simm.s32 $0x12A00  }
0x32b: {  	[tilespmem:s24], [sflag:$0x2] =	stream.indirect_vreg.gather [hbm4b:s9+s2], $0x80, v3, vm0, $0xb8;
	[tilespmem:$0x1C200] =	vst v63  }
0x32c: {  	s26 =	simm.s32 $0x13200  }
0x32d: {  	[tilespmem:s26], [sflag:$0x2] =	stream.indirect_vreg.gather [hbm4b:s10+s2], $0x80, v3, vm0, $0xb8;
	[tilespmem:$0x1C200] =	vst v63  }
0x32e: {  	s28 =	simm.s32 $0x13A00;
	s30 =	simm.s32 $0x1  }
0x32f: {  	[tilespmem:s28], [sflag:$0x2] =	stream.indirect_vreg.gather [hbm4b:s12+s2], $0x80, v3, vm0, $0xb8;
	[tilespmem:$0x1C200] =	vst v63  }
0x330: {  	_ =	swait.ge [sflag:s30], $0x4000  }
0x331: {  	[sflag:s30] =	ssyncset.done $0x0  }
0x332: {  	[sflag:s30] =	ssyncadd.s32 $0xFFFFC000  }
0x333: {  	_ =	swait.ge [sflag:s30], $0x4000  }
0x334: {  	[sflag:s30] =	ssyncset.done $0x0  }
0x335: {  	s31 =	simm.s32 $0x7;
	[sflag:s30] =	ssyncadd.s32 $0xFFFFC000  }
0x336: {  	_ =	swait.ge [sflag:s31], $0x4000  }
0x337: {  	[sflag:s31] =	ssyncset.done $0x0  }
0x338: {  	s4 =	simm.s32 $0x0;
	[sflag:s31] =	ssyncadd.s32 $0xFFFFC000  }
.LBB2_26:
0x339: {  	s0 =	sshll.u32 s4, $0xA;
	s5 =	sshll.u32 s4, $0x7  }
0x33a: {  	s6 =	simm.s32 $0x0;
	s0 =	sand.u32 $0x2000, s0;
	s5 =	sand.u32 $0x380, s5  }
0x33b: {  	s30 =	sand.u32 $0x1C00, s2;
	s11 =	sor.u32 s0, s5;
	s5 =	sand.u32 $0x40, s6  }
0x33c: {  	s31 =	sor.u32 s30, s11;
	s7 =	sor.u32 $0x30, s5  }
0x33d: {  	s13 =	sor.u32 s7, s31  }
0x33e: {  	s16 =	sor.u32 $0x10, s5;
	v7 =	vld [tilespmem:s13+$0x200]  }
0x33f: {  	s17 =	sor.u32 s16, s31;
	v4 =	vld [tilespmem:s13+$0x4200]  }
0x340: {  	v8 =	vld [tilespmem:s17+$0x200]  }
0x341: {  	v5 =	vld [tilespmem:s17+$0x4200]  }
0x342: {  	s19 =	sor.u32 $0x20, s5  }
0x343: {  	s20 =	sor.u32 s19, s31  }
0x344: {  	v3 =	vld [tilespmem:s20+$0x200]  }
0x345: {  	s8 =	sadd.s32 $0x8200, s11;
	s21 =	sor.u32 s5, s31;
	v9 =	vld [tilespmem:s20+$0x4200];
	v6 =	vadd.f32 v4, v7  }
0x346: {  	s14 =	simm.s32 $0x40;
	s15 =	simm.s32 $0x200;
	s24 =	sadd.s32 s30, s8;
	v10 =	vld [tilespmem:s21+$0x4200];
	v5 =	vadd.f32 v5, v8  }
0x347: {  	s28 =	sand.u32 $0x1C00, s15;
	s7 =	sadd.s32 s7, s24;
	v4 =	vld [tilespmem:s21+$0x200];
	[tilespmem:s13+$0x4200] =	vst v6;
	s13 =	sand.u32 $0x40, s14  }
0x348: {  	s22 =	sor.u32 s28, s11;
	s30 =	sadd.s32 s16, s24;
	[tilespmem:s17+$0x4200] =	vst v5;
	v12 =	vld [tilespmem:s7+$0x0];
	s18 =	sor.u32 $0x30, s13  }
0x349: {  	v13 =	vld [tilespmem:s30+$0x0];
	s26 =	sor.u32 s18, s22  }
0x34a: {  	s17 =	sor.u32 $0x10, s13;
	v6 =	vld [tilespmem:s26+$0x200]  }
0x34b: {  	s0 =	sor.u32 s17, s22;
	v14 =	vld [tilespmem:s26+$0x4200]  }
0x34c: {  	v9 =	vadd.f32 v9, v3;
	s6 =	sor.u32 $0x20, s13;
	v5 =	vld [tilespmem:s0+$0x200]  }
0x34d: {  	s16 =	sor.u32 s6, s22;
	v10 =	vadd.f32 v10, v4;
	v11 =	vld [tilespmem:s0+$0x4200]  }
0x34e: {  	[tilespmem:s20+$0x4200] =	vst v9;
	v9 =	vld [tilespmem:s16+$0x4200];
	v12 =	vadd.f32 v12, v7  }
0x34f: {  	s23 =	sor.u32 s13, s22;
	[tilespmem:s21+$0x4200] =	vst v10;
	v7 =	vld [tilespmem:s16+$0x200];
	v10 =	vadd.f32 v13, v8  }
0x350: {  	v8 =	vld [tilespmem:s23+$0x200];
	[tilespmem:s7+$0x0] =	vst v12;
	v12 =	vadd.f32 v14, v6  }
0x351: {  	s22 =	sadd.s32 s19, s24;
	s19 =	sadd.s32 s5, s24;
	[tilespmem:s30+$0x0] =	vst v10;
	v10 =	vld [tilespmem:s23+$0x4200];
	s7 =	sadd.s32 s28, s8  }
.LBB2_27:
0x352: {  	s14 =	sadd.s32 $0x40, s14;
	v11 =	vadd.f32 v11, v5;
	[tilespmem:s26+$0x4200] =	vst v12;
	s5 =	sadd.s32 s18, s7;
	s15 =	sadd.s32 $0x200, s15;
	v12 =	vld [tilespmem:s22+$0x0]  }
0x353: {  	s24 =	sadd.s32 s17, s7;
	s20 =	sand.u32 $0x40, s14;
	s21 =	sand.u32 $0x1C00, s15;
	v13 =	vld [tilespmem:s5+$0x0]  }
0x354: {  	s28 =	sor.u32 s21, s11;
	s17 =	sor.u32 $0x10, s20;
	s18 =	sor.u32 $0x30, s20;
	[tilespmem:s0+$0x4200] =	vst v11;
	v9 =	vadd.f32 v9, v7;
	v14 =	vld [tilespmem:s19+$0x0]  }
0x355: {  	s30 =	sor.u32 $0x20, s20;
	s0 =	sor.u32 s17, s28;
	s26 =	sor.u32 s18, s28;
	v15 =	vld [tilespmem:s24+$0x0]  }
0x356: {  	s31 =	sor.u32 s20, s28;
	v16 =	vld [tilespmem:s26+$0x200];
	v10 =	vadd.f32 v10, v8;
	[tilespmem:s16+$0x4200] =	vst v9;
	s16 =	sor.u32 s30, s28;
	s28 =	sadd.s32 s6, s7  }
0x357: {  	p0 =	slt.u32 s14, $0x3C0;
	s7 =	sadd.s32 s13, s7;
	s13 =	smov.u32 s20;
	v17 =	vld [tilespmem:s26+$0x4200];
	v9 =	vadd.f32 v12, v3;
	v3 =	vmov v7  }
0x358: {  	s6 =	smov.u32 s30;
	v18 =	vld [tilespmem:s0+$0x200];
	[tilespmem:s23+$0x4200] =	vst v10;
	v12 =	vadd.f32 v13, v6;
	s23 =	smov.u32 s31  }
.Ltmp12:
0x359: {  	v11 =	vld [tilespmem:s0+$0x4200];
	v10 =	vadd.f32 v14, v4;
	[tilespmem:s22+$0x0] =	vst v9;
	v4 =	vmov v8;
	s22 =	smov.u32 s28;
	(pc) =	sbr.rel @p0 .LBB2_27-.Ltmp12, $4  }
0x35a: {  	v7 =	vld [tilespmem:s16+$0x200];
	v13 =	vadd.f32 v15, v5;
	[tilespmem:s5+$0x0] =	vst v12  }
0x35b: {  	v9 =	vld [tilespmem:s16+$0x4200];
	[tilespmem:s19+$0x0] =	vst v10;
	v6 =	vmov v16;
	s19 =	smov.u32 s7  }
0x35c: {  	v8 =	vld [tilespmem:s23+$0x200];
	v12 =	vadd.f32 v17, v6;
	[tilespmem:s24+$0x0] =	vst v13  }
0x35d: {  	s7 =	sadd.s32 s21, s8;
	v10 =	vld [tilespmem:s23+$0x4200];
	v5 =	vmov v18  }
0x35e: {  	_ =	sdelay $0x1  }
0x35f: {  	v11 =	vadd.f32 v11, v5;
	v61 =	vld [tilespmem:s22+$0x0]  }
0x360: {  	[tilespmem:s26+$0x4200] =	vst v12;
	s5 =	sadd.s32 s18, s7;
	v62 =	vld [tilespmem:s19+$0x0];
	v9 =	vadd.f32 v9, v7  }
0x361: {  	s8 =	sadd.s32 s17, s7;
	v13 =	vld [tilespmem:s5+$0x0];
	[tilespmem:s0+$0x4200] =	vst v11;
	v10 =	vadd.f32 v10, v8  }
0x362: {  	s30 =	sadd.s32 s6, s7;
	v14 =	vld [tilespmem:s8+$0x0];
	[tilespmem:s16+$0x4200] =	vst v9  }
0x363: {  	s31 =	sadd.s32 s13, s7;
	v9 =	vld [tilespmem:s30+$0x0];
	[tilespmem:s23+$0x4200] =	vst v10  }
0x364: {  	v3 =	vadd.f32 v61, v3;
	v10 =	vld [tilespmem:s31+$0x0]  }
0x365: {  	s4 =	sadd.s32 $0x1, s4;
	v4 =	vadd.f32 v62, v4  }
0x366: {  	p0 =	sne.s32 s4, $0x10;
	v6 =	vadd.f32 v13, v6;
	[tilespmem:s22+$0x0] =	vst v3  }
.Ltmp13:
0x367: {  	[tilespmem:s19+$0x0] =	vst v4;
	v3 =	vadd.f32 v14, v5;
	(pc) =	sbr.rel @p0 .LBB2_26-.Ltmp13, $4  }
0x368: {  	[tilespmem:s5+$0x0] =	vst v6;
	v63 =	vadd.f32 v9, v7  }
0x369: {  	[tilespmem:s8+$0x0] =	vst v3;
	v3 =	vadd.f32 v10, v8  }
0x36a: {  	[tilespmem:s30+$0x0] =	vst v63  }
0x36b: {  	[tilespmem:s31+$0x0] =	vst v3  }
0x36c: {  	s2 =	simm.s32 $0x0;
	s0 =	rddreg [dreg:$0x15];
	s4 =	simm.s32 $0x4200  }
0x36d: {  	[hbm4b:s0+s2] =	stream.linear.scatter [tilespmem:s4], [sflag:$0x4], $0x4000, $0x38;
	[tilespmem:$0x1C200] =	vst v63  }
0x36e: {  	s28 =	rddreg [dreg:$0x1b];
	s30 =	simm.s32 $0x8200;
	s31 =	simm.s32 $0x2  }
0x36f: {  	[hbm4b:s28+s2] =	stream.linear.scatter [tilespmem:s30], [sflag:$0x4], $0x4000, $0x38;
	[tilespmem:$0x1C200] =	vst v63  }
0x370: {  	_ =	swait.ge [sflag:s31], $0x4000  }
0x371: {  	[sflag:s31] =	ssyncset.done $0x0  }
0x372: {  	[sflag:s31] =	ssyncadd.s32 $0xFFFFC000  }
0x373: {  	_ =	swait.ge [sflag:s31], $0x4000  }
0x374: {  	[sflag:s31] =	ssyncset.done $0x0  }
0x375: {  	s4 =	simm.s32 $0x0;
	[sflag:s31] =	ssyncadd.s32 $0xFFFFC000  }
.LBB2_30:
0x376: {  	s0 =	sshll.u32 s4, $0xA;
	s5 =	sshll.u32 s4, $0x7  }
0x377: {  	s6 =	simm.s32 $0x0;
	s0 =	sand.u32 $0x2000, s0;
	s5 =	sand.u32 $0x380, s5  }
0x378: {  	s30 =	sand.u32 $0x1C00, s2;
	s11 =	sor.u32 s0, s5;
	s5 =	sand.u32 $0x40, s6  }
0x379: {  	s31 =	sor.u32 s30, s11;
	s7 =	sor.u32 $0x30, s5  }
0x37a: {  	s13 =	sor.u32 s7, s31  }
0x37b: {  	s16 =	sor.u32 $0x10, s5;
	v7 =	vld [tilespmem:s13+$0x200]  }
0x37c: {  	s17 =	sor.u32 s16, s31;
	v4 =	vld [tilespmem:s13+$0xC200]  }
0x37d: {  	v8 =	vld [tilespmem:s17+$0x200]  }
0x37e: {  	v5 =	vld [tilespmem:s17+$0xC200]  }
0x37f: {  	s19 =	sor.u32 $0x20, s5  }
0x380: {  	s20 =	sor.u32 s19, s31  }
0x381: {  	v3 =	vld [tilespmem:s20+$0x200]  }
0x382: {  	s8 =	sadd.s32 $0x10200, s11;
	s21 =	sor.u32 s5, s31;
	v9 =	vld [tilespmem:s20+$0xC200];
	v6 =	vadd.f32 v4, v7  }
0x383: {  	s14 =	simm.s32 $0x40;
	s15 =	simm.s32 $0x200;
	s24 =	sadd.s32 s30, s8;
	v10 =	vld [tilespmem:s21+$0xC200];
	v5 =	vadd.f32 v5, v8  }
0x384: {  	s28 =	sand.u32 $0x1C00, s15;
	s7 =	sadd.s32 s7, s24;
	v4 =	vld [tilespmem:s21+$0x200];
	[tilespmem:s13+$0xC200] =	vst v6;
	s13 =	sand.u32 $0x40, s14  }
0x385: {  	s22 =	sor.u32 s28, s11;
	s30 =	sadd.s32 s16, s24;
	[tilespmem:s17+$0xC200] =	vst v5;
	v12 =	vld [tilespmem:s7+$0x0];
	s18 =	sor.u32 $0x30, s13  }
0x386: {  	v13 =	vld [tilespmem:s30+$0x0];
	s26 =	sor.u32 s18, s22  }
0x387: {  	s17 =	sor.u32 $0x10, s13;
	v6 =	vld [tilespmem:s26+$0x200]  }
0x388: {  	s0 =	sor.u32 s17, s22;
	v14 =	vld [tilespmem:s26+$0xC200]  }
0x389: {  	v9 =	vadd.f32 v9, v3;
	s6 =	sor.u32 $0x20, s13;
	v5 =	vld [tilespmem:s0+$0x200]  }
0x38a: {  	s16 =	sor.u32 s6, s22;
	v10 =	vadd.f32 v10, v4;
	v11 =	vld [tilespmem:s0+$0xC200]  }
0x38b: {  	[tilespmem:s20+$0xC200] =	vst v9;
	v9 =	vld [tilespmem:s16+$0xC200];
	v12 =	vadd.f32 v12, v7  }
0x38c: {  	s23 =	sor.u32 s13, s22;
	[tilespmem:s21+$0xC200] =	vst v10;
	v7 =	vld [tilespmem:s16+$0x200];
	v10 =	vadd.f32 v13, v8  }
0x38d: {  	v8 =	vld [tilespmem:s23+$0x200];
	[tilespmem:s7+$0x0] =	vst v12;
	v12 =	vadd.f32 v14, v6  }
0x38e: {  	s22 =	sadd.s32 s19, s24;
	s19 =	sadd.s32 s5, s24;
	[tilespmem:s30+$0x0] =	vst v10;
	v10 =	vld [tilespmem:s23+$0xC200];
	s7 =	sadd.s32 s28, s8  }
.LBB2_31:
0x38f: {  	s14 =	sadd.s32 $0x40, s14;
	v11 =	vadd.f32 v11, v5;
	[tilespmem:s26+$0xC200] =	vst v12;
	s5 =	sadd.s32 s18, s7;
	s15 =	sadd.s32 $0x200, s15;
	v12 =	vld [tilespmem:s22+$0x0]  }
0x390: {  	s24 =	sadd.s32 s17, s7;
	s20 =	sand.u32 $0x40, s14;
	s21 =	sand.u32 $0x1C00, s15;
	v13 =	vld [tilespmem:s5+$0x0]  }
0x391: {  	s28 =	sor.u32 s21, s11;
	s17 =	sor.u32 $0x10, s20;
	s18 =	sor.u32 $0x30, s20;
	[tilespmem:s0+$0xC200] =	vst v11;
	v9 =	vadd.f32 v9, v7;
	v14 =	vld [tilespmem:s19+$0x0]  }
0x392: {  	s30 =	sor.u32 $0x20, s20;
	s0 =	sor.u32 s17, s28;
	s26 =	sor.u32 s18, s28;
	v15 =	vld [tilespmem:s24+$0x0]  }
0x393: {  	s31 =	sor.u32 s20, s28;
	v16 =	vld [tilespmem:s26+$0x200];
	v10 =	vadd.f32 v10, v8;
	[tilespmem:s16+$0xC200] =	vst v9;
	s16 =	sor.u32 s30, s28;
	s28 =	sadd.s32 s6, s7  }
0x394: {  	p0 =	slt.u32 s14, $0x3C0;
	s7 =	sadd.s32 s13, s7;
	s13 =	smov.u32 s20;
	v17 =	vld [tilespmem:s26+$0xC200];
	v9 =	vadd.f32 v12, v3;
	v3 =	vmov v7  }
0x395: {  	s6 =	smov.u32 s30;
	v18 =	vld [tilespmem:s0+$0x200];
	[tilespmem:s23+$0xC200] =	vst v10;
	v12 =	vadd.f32 v13, v6;
	s23 =	smov.u32 s31  }
.Ltmp14:
0x396: {  	v11 =	vld [tilespmem:s0+$0xC200];
	v10 =	vadd.f32 v14, v4;
	[tilespmem:s22+$0x0] =	vst v9;
	v4 =	vmov v8;
	s22 =	smov.u32 s28;
	(pc) =	sbr.rel @p0 .LBB2_31-.Ltmp14, $4  }
0x397: {  	v7 =	vld [tilespmem:s16+$0x200];
	v13 =	vadd.f32 v15, v5;
	[tilespmem:s5+$0x0] =	vst v12  }
0x398: {  	v9 =	vld [tilespmem:s16+$0xC200];
	[tilespmem:s19+$0x0] =	vst v10;
	v6 =	vmov v16;
	s19 =	smov.u32 s7  }
0x399: {  	v8 =	vld [tilespmem:s23+$0x200];
	v12 =	vadd.f32 v17, v6;
	[tilespmem:s24+$0x0] =	vst v13  }
0x39a: {  	s7 =	sadd.s32 s21, s8;
	v10 =	vld [tilespmem:s23+$0xC200];
	v5 =	vmov v18  }
0x39b: {  	_ =	sdelay $0x1  }
0x39c: {  	v11 =	vadd.f32 v11, v5;
	v61 =	vld [tilespmem:s22+$0x0]  }
0x39d: {  	[tilespmem:s26+$0xC200] =	vst v12;
	s5 =	sadd.s32 s18, s7;
	v62 =	vld [tilespmem:s19+$0x0];
	v9 =	vadd.f32 v9, v7  }
0x39e: {  	s8 =	sadd.s32 s17, s7;
	v13 =	vld [tilespmem:s5+$0x0];
	[tilespmem:s0+$0xC200] =	vst v11;
	v10 =	vadd.f32 v10, v8  }
0x39f: {  	s30 =	sadd.s32 s6, s7;
	v14 =	vld [tilespmem:s8+$0x0];
	[tilespmem:s16+$0xC200] =	vst v9  }
0x3a0: {  	s31 =	sadd.s32 s13, s7;
	v9 =	vld [tilespmem:s30+$0x0];
	[tilespmem:s23+$0xC200] =	vst v10  }
0x3a1: {  	v3 =	vadd.f32 v61, v3;
	v10 =	vld [tilespmem:s31+$0x0]  }
0x3a2: {  	s4 =	sadd.s32 $0x1, s4;
	v4 =	vadd.f32 v62, v4  }
0x3a3: {  	p0 =	sne.s32 s4, $0x10;
	v6 =	vadd.f32 v13, v6;
	[tilespmem:s22+$0x0] =	vst v3  }
.Ltmp15:
0x3a4: {  	[tilespmem:s19+$0x0] =	vst v4;
	v3 =	vadd.f32 v14, v5;
	(pc) =	sbr.rel @p0 .LBB2_30-.Ltmp15, $4  }
0x3a5: {  	[tilespmem:s5+$0x0] =	vst v6;
	v63 =	vadd.f32 v9, v7  }
0x3a6: {  	[tilespmem:s8+$0x0] =	vst v3;
	v3 =	vadd.f32 v10, v8  }
0x3a7: {  	[tilespmem:s30+$0x0] =	vst v63  }
0x3a8: {  	[tilespmem:s31+$0x0] =	vst v3  }
0x3a9: {  	s0 =	rddreg [dreg:$0x1c];
	s4 =	simm.s32 $0xC200  }
0x3aa: {  	[hbm4b:s0+s3] =	stream.linear.scatter [tilespmem:s4], [sflag:$0x5], $0x4000, $0x38;
	[tilespmem:$0x1C200] =	vst v63  }
0x3ab: {  	s30 =	rddreg [dreg:$0x1d];
	s5 =	simm.s32 $0x10200  }
0x3ac: {  	[hbm4b:s30+s3] =	stream.linear.scatter [tilespmem:s5], [sflag:$0x5], $0x4000, $0x38;
	[tilespmem:$0x1C200] =	vst v63  }
0x3ad: {  	_ =	swait.ge [sflag:s25], $0x4000  }
0x3ae: {  	[sflag:s25] =	ssyncset.done $0x0  }
0x3af: {  	[sflag:s25] =	ssyncadd.s32 $0xFFFFC000  }
0x3b0: {  	_ =	swait.ge [sflag:s25], $0x4000  }
0x3b1: {  	[sflag:s25] =	ssyncset.done $0x0  }
0x3b2: {  	[sflag:s25] =	ssyncadd.s32 $0xFFFFC000  }
0x3b3: {  	_ =	swait.ge [sflag:s29], $0x4000  }
0x3b4: {  	[sflag:s29] =	ssyncset.done $0x0  }
0x3b5: {  	[sflag:s29] =	ssyncadd.s32 $0xFFFFC000  }
0x3b6: {  	_ =	swait.ge [sflag:s29], $0x4000  }
0x3b7: {  	[sflag:s29] =	ssyncset.done $0x0  }
0x3b8: {  	s2 =	simm.s32 $0x6;
	[sflag:s29] =	ssyncadd.s32 $0xFFFFC000  }
0x3b9: {  	_ =	swait.ge [sflag:s2], $0x4000  }
0x3ba: {  	[sflag:s2] =	ssyncset.done $0x0  }
0x3bb: {  	[sflag:s2] =	ssyncadd.s32 $0xFFFFC000  }
0x3bc: {  	_ =	swait.ge [sflag:s2], $0x4000  }
0x3bd: {  	s6 =	rddreg [dreg:$0x1e]  }
0x3be: {  	s31 =	rddreg [dreg:$0x17];
	s6 =	sadd.s32 $0x1, s6  }
0x3bf: {  	p0 =	sne.s32 s6, s31  }
.Ltmp16:
0x3c0: {  	_ = 	snop;
	(pc) =	sbr.rel @p0 .LBB2_1-.Ltmp16, $3  }
0x3c1: {  	_ =	sdelay $0x1  }
0x3c2: {  	[sflag:s2] =	ssyncset.done $0x0  }
0x3c3: {  	[sflag:s2] =	ssyncadd.s32 $0xFFFFC000  }
0x3c4: {  	_ =	sfence.sel $0x180000  }
0x3c5: {  	[bflag:$0x0] =	sbarrier.arrive $0xFFFF  }
0x3c6: {  	_ =	strace $0x90000047  }
0x3c7: {  	s0 =	stileid.u32;
	[bflag:$0x2] =	sbarrier.arrive $0xFFFF  }
0x3c8: {  	p0 =	sne.s32 s0, $0x0;
	s0 =	rddreg [dreg:$0x4]  }
0x3c9: {  	s0 =	sadd.s32 @!p0 $0x100000, s0  }
0x3ca: {  	[sflag:s0] =	ssyncadd.tile.s32 @!p0 $0x1;
	_ =	shalt  }
.Lfunc_end2:
_tile_overlayer_lowered:
.L_overlay_start_2:
0x3cb: {  	(tag) =	ssettag $0x2  }
0x3cc: {  	s0 =	rddreg [dreg:$0x0];
	s2 =	stileid.u32  }
0x3cd: {  	s1 =	rddreg [dreg:$0x1];
	p0 =	sne.s32 s2, $0x0  }
0x3ce: {  	s3 =	rddreg [dreg:$0x2];
	[bflag:$0x3] =	sbarrier.arrive $0xFFFF;
	s2 =	simm.s32 @!p0 $0x1C09  }
0x3cf: {  	[timem:s3], [sflag:s2] =	dma.local @!p0 [hbm:s0], s1  }
0x3d0: {  	s0 =	simm.s32 @!p0 $0x9  }
0x3d1: {  	_ =	swait.ge @!p0 [sflag:s0], s1  }
0x3d2: {  	s1 =	ssub.s32 @!p0 $0x0, s1;
	[sflag:s0] =	ssyncset.done @!p0 $0x0  }
0x3d3: {  	[sflag:s0] =	ssyncadd.s32 @!p0 s1  }
0x3d4: {  	[bflag:$0x3] =	sbarrier.arrive $0xFFFF  }
0x3d5: {  	_ =	shalt  }

</sc_bundles>
